<compile_context>
chip_gen: v7x
topology: tpu7x:2x2x1
jax: 0.10.2.dev20260603
libtpu: 0.0.44.dev20260713+nightly
codegen_flags: <defaults>
</compile_context>

<pallas_src>
import jax
import jax.numpy as jnp
from jax import lax
from jax.experimental import pallas as pl
from jax.experimental.pallas import tpu as pltpu
from jax.experimental.pallas import tpu_sc as plsc

N = 10000
D = 128
NP = 10112
BR = NP // 16
E0 = 320000
ET = E0 + N
EW = 10416
EP = 32 * EW
C = 112
NCH = EW // C
NEG = -1e30
F32 = jnp.float32



def _tc1_body(x_ref, w1_ref, as_ref, ad_ref, bd_ref, h_ref, asv_ref, adv_ref):
    i = pl.program_id(0)
    h = jnp.dot(x_ref[...], w1_ref[...], preferred_element_type=F32)
    h_ref[...] = h
    asv_ref[...] = jnp.dot(h, as_ref[...], preferred_element_type=F32)
    a_d = jnp.dot(h, ad_ref[...], preferred_element_type=F32) + bd_ref[...]
    rows = i * BR + lax.broadcasted_iota(jnp.int32, (BR, 16), 0)
    adv_ref[...] = jnp.where(rows < N, a_d, NEG)


def _tc1(xp, W1, As1, Ad1, bd1):
    return pl.pallas_call(
        _tc1_body,
        grid=(NP // BR,),
        in_specs=[
            pl.BlockSpec((BR, D), lambda i: (i, 0)),
            pl.BlockSpec((D, D), lambda i: (0, 0)),
            pl.BlockSpec((D, 16), lambda i: (0, 0)),
            pl.BlockSpec((D, 16), lambda i: (0, 0)),
            pl.BlockSpec((1, 16), lambda i: (0, 0)),
        ],
        out_specs=[
            pl.BlockSpec((BR, D), lambda i: (i, 0)),
            pl.BlockSpec((BR, 16), lambda i: (i, 0)),
            pl.BlockSpec((BR, 16), lambda i: (i, 0)),
        ],
        out_shape=[
            jax.ShapeDtypeStruct((NP, D), F32),
            jax.ShapeDtypeStruct((NP, 16), F32),
            jax.ShapeDtypeStruct((NP, 16), F32),
        ],
    )(xp, W1, As1, Ad1, bd1)


def _tc2_body(acc_ref, den_ref, p_ref, b1_ref, w2_ref, as2_ref, ad2_ref,
              bd2_ref, h2_ref, asv_ref, adv_ref):
    i = pl.program_id(0)
    accs = acc_ref[0] + acc_ref[1]
    dens = den_ref[0] + den_ref[1]
    denb = jnp.dot(dens, p_ref[...], preferred_element_type=F32)
    o = accs / (denb + 1e-16) + b1_ref[...]
    z = jnp.where(o > 0, o, jnp.exp(jnp.minimum(o, 0.0)) - 1.0)
    h2 = jnp.dot(z, w2_ref[...], preferred_element_type=F32)
    h2_ref[...] = h2
    asv_ref[...] = jnp.dot(h2, as2_ref[...], preferred_element_type=F32)
    a_d = jnp.dot(h2, ad2_ref[...], preferred_element_type=F32) + bd2_ref[...]
    rows = i * BR + lax.broadcasted_iota(jnp.int32, (BR, 16), 0)
    adv_ref[...] = jnp.where(rows < N, a_d, NEG)


def _tc2(accp, denp, P1, b1r, W2, As2, Ad2, bd2):
    return pl.pallas_call(
        _tc2_body,
        grid=(NP // BR,),
        in_specs=[
            pl.BlockSpec((2, BR, D), lambda i: (0, i, 0)),
            pl.BlockSpec((2, BR, 16), lambda i: (0, i, 0)),
            pl.BlockSpec((16, D), lambda i: (0, 0)),
            pl.BlockSpec((1, D), lambda i: (0, 0)),
            pl.BlockSpec((D, D), lambda i: (0, 0)),
            pl.BlockSpec((D, 16), lambda i: (0, 0)),
            pl.BlockSpec((D, 16), lambda i: (0, 0)),
            pl.BlockSpec((1, 16), lambda i: (0, 0)),
        ],
        out_specs=[
            pl.BlockSpec((BR, D), lambda i: (i, 0)),
            pl.BlockSpec((BR, 16), lambda i: (i, 0)),
            pl.BlockSpec((BR, 16), lambda i: (i, 0)),
        ],
        out_shape=[
            jax.ShapeDtypeStruct((NP, D), F32),
            jax.ShapeDtypeStruct((NP, 16), F32),
            jax.ShapeDtypeStruct((NP, 16), F32),
        ],
    )(accp, denp, P1, b1r, W2, As2, Ad2, bd2)


def _tc3_body(acc_ref, den_ref, p_ref, b2_ref, out_ref):
    accs = acc_ref[0] + acc_ref[1]
    dens = den_ref[0] + den_ref[1]
    denb = jnp.dot(dens, p_ref[...], preferred_element_type=F32)
    out_ref[...] = accs / (denb + 1e-16) + b2_ref[...]


def _tc3(accp, denp, P2, b2r):
    return pl.pallas_call(
        _tc3_body,
        grid=(NP // BR,),
        in_specs=[
            pl.BlockSpec((2, BR, D), lambda i: (0, i, 0)),
            pl.BlockSpec((2, BR, 16), lambda i: (0, i, 0)),
            pl.BlockSpec((16, D), lambda i: (0, 0)),
            pl.BlockSpec((1, D), lambda i: (0, 0)),
        ],
        out_specs=pl.BlockSpec((BR, D), lambda i: (i, 0)),
        out_shape=jax.ShapeDtypeStruct((NP, D), F32),
    )(accp, denp, P2, b2r)



def _make_sc(l2):
    mesh = plsc.VectorSubcoreMesh(core_axis_name="c", subcore_axis_name="s")

    def body(src_hbm, dst_hbm, h_hbm, as_hbm, ad_hbm, acc_out, den_out,
             sidx, didx, asv, adv, hv, zv, semh, sema, semd, semsa, semsd):
        cid = lax.axis_index("c")
        sid = lax.axis_index("s")
        wid = sid * 2 + cid
        base = sid * BR
        ebase = wid * EW

        def zrow(i, _):
            for q in range(8):
                hv[0, i, pl.ds(q * 16, 16)] = jnp.zeros((16,), F32)
            zv[i, :] = jnp.zeros((16,), F32)
            return 0
        lax.fori_loop(0, C, zrow, 0)

        def zacc(i, _):
            pltpu.sync_copy(hv.at[0], acc_sh.at[pl.ds(base + i * C, C)])
            pltpu.sync_copy(zv, den_sh.at[pl.ds(base + i * C, C)])
            return 0
        lax.fori_loop(0, BR // C, zacc, 0)
        tail = BR - (BR // C) * C
        if tail:
            pltpu.sync_copy(hv.at[0, pl.ds(0, tail)],
                            acc_sh.at[pl.ds(base + (BR // C) * C, tail)])
            pltpu.sync_copy(zv.at[pl.ds(0, tail)],
                            den_sh.at[pl.ds(base + (BR // C) * C, tail)])
        plsc.subcore_barrier()

        def step(j, _):
            b = lax.rem(j, 2)
            b2 = 1 - b

            @pl.when(j < NCH)
            def _():
                @pl.when(j >= 2)
                def _():
                    pltpu.make_async_copy(hv.at[b], acc_sh.at[didx.at[b]],
                                          semsa.at[b]).wait()
                    pltpu.make_async_copy(asv.at[b], den_sh.at[didx.at[b]],
                                          semsd.at[b]).wait()
                off = ebase + j * C
                pltpu.sync_copy(src_hbm.at[pl.ds(off, C)], sidx.at[b])
                pltpu.sync_copy(dst_hbm.at[pl.ds(off, C)], didx.at[b])
                pltpu.async_copy(h_hbm.at[sidx.at[b]], hv.at[b], semh.at[b])
                pltpu.async_copy(as_hbm.at[sidx.at[b]], asv.at[b], sema.at[b])
                pltpu.async_copy(ad_hbm.at[didx.at[b]], adv.at[b], semd.at[b])

            @pl.when(j >= 1)
            def _():
                pltpu.make_async_copy(as_hbm.at[sidx.at[b2]], asv.at[b2],
                                      sema.at[b2]).wait()
                pltpu.make_async_copy(ad_hbm.at[didx.at[b2]], adv.at[b2],
                                      semd.at[b2]).wait()

                pltpu.make_async_copy(h_hbm.at[sidx.at[b2]], hv.at[b2],
                                      semh.at[b2]).wait()

                def scale(i, _):
                    e = asv[b2, i, :] + adv[b2, i, :]
                    e = jnp.where(e >= 0, e, 0.2 * e)
                    wrow = jnp.exp(e)
                    asv[b2, i, :] = wrow
                    if l2:
                        ws = [wrow[0]] * 8
                    else:
                        ws = [wrow[q // 2] for q in range(8)]
                    for q in range(8):
                        hv[b2, i, pl.ds(q * 16, 16)] = (
                            hv[b2, i, pl.ds(q * 16, 16)] * ws[q])
                    return 0
                lax.fori_loop(0, C, scale, 0)

                pltpu.async_copy(hv.at[b2], acc_sh.at[didx.at[b2]],
                                 semsa.at[b2], add=True)
                pltpu.async_copy(asv.at[b2], den_sh.at[didx.at[b2]],
                                 semsd.at[b2], add=True)
            return 0
        lax.fori_loop(0, NCH + 1, step, 0)

        for s in range(2):
            pltpu.make_async_copy(hv.at[s], acc_sh.at[didx.at[s]],
                                  semsa.at[s]).wait()
            pltpu.make_async_copy(asv.at[s], den_sh.at[didx.at[s]],
                                  semsd.at[s]).wait()
        plsc.subcore_barrier()
        pltpu.sync_copy(acc_sh.at[pl.ds(base, BR)],
                        acc_out.at[cid, pl.ds(base, BR)])
        pltpu.sync_copy(den_sh.at[pl.ds(base, BR)],
                        den_out.at[cid, pl.ds(base, BR)])

    acc_sh = None
    den_sh = None

    def body_wrap(src_hbm, dst_hbm, h_hbm, as_hbm, ad_hbm, acc_out, den_out,
                  sidx, didx, asv, adv, hv, zv, acc_sh_, den_sh_, semh,
                  sema, semd, semsa, semsd):
        nonlocal acc_sh, den_sh
        acc_sh = acc_sh_
        den_sh = den_sh_
        body(src_hbm, dst_hbm, h_hbm, as_hbm, ad_hbm, acc_out, den_out,
             sidx, didx, asv, adv, hv, zv, semh, sema, semd, semsa, semsd)

    return pl.kernel(
        body_wrap,
        out_type=[
            jax.ShapeDtypeStruct((2, NP, D), F32),
            jax.ShapeDtypeStruct((2, NP, 16), F32),
        ],
        mesh=mesh,
        compiler_params=pltpu.CompilerParams(use_tc_tiling_on_sc=False),
        scratch_types=[
            pltpu.VMEM((2, C), jnp.int32),
            pltpu.VMEM((2, C), jnp.int32),
            pltpu.VMEM((2, C, 16), F32),
            pltpu.VMEM((2, C, 16), F32),
            pltpu.VMEM((2, C, D), F32),
            pltpu.VMEM((C, 16), F32),
            pltpu.VMEM_SHARED((NP, D), F32),
            pltpu.VMEM_SHARED((NP, 16), F32),
            pltpu.SemaphoreType.DMA((2,)),
            pltpu.SemaphoreType.DMA((2,)),
            pltpu.SemaphoreType.DMA((2,)),
            pltpu.SemaphoreType.DMA((2,)),
            pltpu.SemaphoreType.DMA((2,)),
        ],
    )


_sc1 = _make_sc(l2=False)
_sc2 = _make_sc(l2=True)



def kernel(x, edge_index, W1, a_src1, a_dst1, b1, W2, a_src2, a_dst2, b2):
    loop = jnp.arange(N, dtype=jnp.int32)
    src = jnp.concatenate([edge_index[0], loop,
                           jnp.zeros((EP - ET,), jnp.int32)])
    dst = jnp.concatenate([edge_index[1], loop,
                           jnp.full((EP - ET,), N, jnp.int32)])
    xp = jnp.pad(x, ((0, NP - N), (0, 0)))
    idx = jnp.arange(D)
    As1 = jnp.zeros((D, 16), F32).at[idx, idx // 32].set(a_src1.reshape(-1))
    Ad1 = jnp.zeros((D, 16), F32).at[idx, idx // 32].set(a_dst1.reshape(-1))
    bd1 = jnp.where(jnp.arange(16) < 4, 0.0, NEG).reshape(1, 16).astype(F32)
    As2 = jnp.zeros((D, 16), F32).at[:, 0].set(a_src2[0])
    Ad2 = jnp.zeros((D, 16), F32).at[:, 0].set(a_dst2[0])
    bd2 = jnp.where(jnp.arange(16) < 1, 0.0, NEG).reshape(1, 16).astype(F32)
    P1 = jnp.zeros((16, D), F32).at[idx // 32, idx].set(1.0)
    P2 = jnp.zeros((16, D), F32).at[0, :].set(1.0)
    b1r = b1.reshape(1, D)
    b2r = b2.reshape(1, D)

    h1, as1, ad1 = _tc1(xp, W1, As1, Ad1, bd1)
    accp, denp = _sc1(src, dst, h1, as1, ad1)
    h2, as2, ad2 = _tc2(accp, denp, P1, b1r, W2, As2, Ad2, bd2)
    accp2, denp2 = _sc2(src, dst, h2, as2, ad2)
    out = _tc3(accp2, denp2, P2, b2r)
    return out[:N]

# --- scband reference (transcript-rebuilt; emitter-appended) ---
"""Pipeline reference for scband-attention-gnn-19155554140460 (READ-ONLY COPY).

The authoritative reference and input builder live on the scoring server;
editing this copy changes nothing except your own understanding.
"""

import jax, jax.numpy as jnp
import numpy as np

N = 10000
E = 320000
D_IN = 128
HID = 32
HEADS = 4
D_OUT = 128


def setup_inputs(seed: int = 0):
    key = jax.random.key(seed)
    ks = jax.random.split(key, 10)
    x = jax.random.normal(ks[0], (N, D_IN), dtype=jnp.float32)
    edge_index = jax.random.randint(ks[1], (2, E), 0, N, dtype=jnp.int32)
    W1 = jax.random.normal(ks[2], (D_IN, HEADS * HID), dtype=jnp.float32) * (1.0 / np.sqrt(D_IN))
    a_src1 = jax.random.normal(ks[3], (HEADS, HID), dtype=jnp.float32) * (1.0 / np.sqrt(HID))
    a_dst1 = jax.random.normal(ks[4], (HEADS, HID), dtype=jnp.float32) * (1.0 / np.sqrt(HID))
    b1 = jnp.zeros((HEADS * HID,), dtype=jnp.float32)
    W2 = jax.random.normal(ks[5], (HEADS * HID, 1 * D_OUT), dtype=jnp.float32) * (1.0 / np.sqrt(HEADS * HID))
    a_src2 = jax.random.normal(ks[6], (1, D_OUT), dtype=jnp.float32) * (1.0 / np.sqrt(D_OUT))
    a_dst2 = jax.random.normal(ks[7], (1, D_OUT), dtype=jnp.float32) * (1.0 / np.sqrt(D_OUT))
    b2 = jnp.zeros((D_OUT,), dtype=jnp.float32)
    return {"x": x, "edge_index": edge_index, "W1": W1, "a_src1": a_src1, "a_dst1": a_dst1, "b1": b1, "W2": W2, "a_src2": a_src2, "a_dst2": a_dst2, "b2": b2}


def _gat_conv(x, src, dst, W, a_s, a_d, b, heads, outc, concat):
    # PyG-style GATConv: linear -> per-head additive attention -> segment softmax over dst -> weighted scatter-add
    n = x.shape[0]
    h = (x @ W).reshape(n, heads, outc)
    alpha_s = jnp.sum(h * a_s[None, :, :], axis=-1)  # [N, heads]
    alpha_d = jnp.sum(h * a_d[None, :, :], axis=-1)  # [N, heads]
    e = alpha_s[src] + alpha_d[dst]                  # gather -> [E, heads]
    e = jax.nn.leaky_relu(e, negative_slope=0.2)
    m = jax.ops.segment_max(e, dst, num_segments=n)
    m = jnp.where(jnp.isfinite(m), m, 0.0)
    ex = jnp.exp(e - m[dst])
    denom = jax.ops.segment_sum(ex, dst, num_segments=n)
    alpha = ex / (denom[dst] + 1e-16)                # softmax per destination node
    msg = h[src] * alpha[:, :, None]                 # [E, heads, outc]
    out = jax.ops.segment_sum(msg, dst, num_segments=n)
    if concat:
        out = out.reshape(n, heads * outc)
    else:
        out = out.mean(axis=1)
    return out + b


def reference(x, edge_index, W1, a_src1, a_dst1, b1, W2, a_src2, a_dst2, b2):
    n = x.shape[0]
    # GATConv adds self-loops by default
    loop = jnp.arange(n, dtype=edge_index.dtype)
    src = jnp.concatenate([edge_index[0], loop])
    dst = jnp.concatenate([edge_index[1], loop])
    h = _gat_conv(x, src, dst, W1, a_src1, a_dst1, b1, HEADS, HID, True)
    h = jax.nn.elu(h)
    # dropout(p=0.5) is identity in eval mode
    out = _gat_conv(h, src, dst, W2, a_src2, a_dst2, b2, 1, D_OUT, False)
    return out

if __name__ == "__main__":
    import jax
    _d = setup_inputs()
    print(jax.jit(kernel)(*tuple(_d.values())))

</pallas_src>

<mosaic_0001>
#map = affine_map<(d0, d1) -> (0)>
#map1 = affine_map<(d0, d1) -> (0, 0)>
#map2 = affine_map<(d0, d1) -> (0, 0, 0)>
module attributes {stable_mosaic.version = 14 : i64} {
  func.func @body_wrap(%arg0: i32, %arg1: i32, %arg2: memref<333312xi32, #tpu.memory_space<hbm>>, %arg3: memref<333312xi32, #tpu.memory_space<hbm>>, %arg4: memref<10112x128xf32, #tpu.memory_space<hbm>>, %arg5: memref<10112x16xf32, #tpu.memory_space<hbm>>, %arg6: memref<10112x16xf32, #tpu.memory_space<hbm>>, %arg7: memref<2x10112x128xf32, #tpu.memory_space<hbm>>, %arg8: memref<2x10112x16xf32, #tpu.memory_space<hbm>>, %arg9: memref<2x112xi32, #tpu.memory_space<vmem>>, %arg10: memref<2x112xi32, #tpu.memory_space<vmem>>, %arg11: memref<2x112x16xf32, #tpu.memory_space<vmem>>, %arg12: memref<2x112x16xf32, #tpu.memory_space<vmem>>, %arg13: memref<2x112x128xf32, #tpu.memory_space<vmem>>, %arg14: memref<112x16xf32, #tpu.memory_space<vmem>>, %arg15: memref<10112x128xf32, #tpu.memory_space<vmem_shared>>, %arg16: memref<10112x16xf32, #tpu.memory_space<vmem_shared>>, %arg17: memref<2x!tpu.dma_semaphore, #tpu.memory_space<semaphore_mem>>, %arg18: memref<2x!tpu.dma_semaphore, #tpu.memory_space<semaphore_mem>>, %arg19: memref<2x!tpu.dma_semaphore, #tpu.memory_space<semaphore_mem>>, %arg20: memref<2x!tpu.dma_semaphore, #tpu.memory_space<semaphore_mem>>, %arg21: memref<2x!tpu.dma_semaphore, #tpu.memory_space<semaphore_mem>>) attributes {dimension_semantics = [#tpu.dimension_semantics<core_parallel>, #tpu.dimension_semantics<subcore_parallel>], iteration_bounds = array<i64: 2, 16>, scalar_prefetch = 0 : i64, scratch_operands = 13 : i64, tpu.core_type = #tpu.core_type<sc_vector_subcore>, window_params = [{transform_indices = #map}, {transform_indices = #map}, {transform_indices = #map1}, {transform_indices = #map1}, {transform_indices = #map1}, {transform_indices = #map2}, {transform_indices = #map2}]} {
    %mul3A = arith.constant 2 : i32
    %mul3A_0 = arith.muli %arg1, %mul3A : i32
    %add3A = arith.addi %mul3A_0, %arg0 : i32
    %mul3A_1 = arith.constant 632 : i32
    %mul3A_2 = arith.muli %arg1, %mul3A_1 : i32
    %mul3A_3 = arith.constant 10416 : i32
    %mul3A_4 = arith.muli %add3A, %mul3A_3 : i32
    %scan3A = arith.constant 0 : i32
    %scan3A_5 = arith.constant 0 : i32
    %scan3A_6 = arith.constant 112 : i32
    %scan3A_7 = arith.addi %scan3A_5, %scan3A_6 : i32
    %scan3A_8 = arith.constant 1 : i32
    %scan3A_9 = scf.for %scan3A_89 = %scan3A_5 to %scan3A_7 step %scan3A_8 iter_args(%scan3A_90 = %scan3A) -> (i32)  : i32 {
      %broadcast_in_dim3A = arith.constant 0.000000e+00 : f32
      %broadcast_in_dim3A_91 = vector.broadcast %broadcast_in_dim3A : f32 to vector<16xf32>
      %swap3A = arith.constant 0 : i32
      %swap3A_92 = arith.index_cast %swap3A : i32 to index
      %swap3A_93 = arith.index_cast %scan3A_89 : i32 to index
      %swap3A_94 = arith.constant 0 : index
      %swap3A_95 = tpu.vector_load %arg13[%swap3A_92, %swap3A_93, %swap3A_94] {strides = array<i32>} : memref<2x112x128xf32, #tpu.memory_space<vmem>>, vector<1x1x16xf32>,
      %swap3A_96 = vector.shape_cast %swap3A_95 : vector<1x1x16xf32> to vector<16xf32>
      %swap3A_97 = vector.shape_cast %broadcast_in_dim3A_91 : vector<16xf32> to vector<1x1x16xf32>
      tpu.vector_store %arg13[%swap3A_92, %swap3A_93, %swap3A_94], %swap3A_97 {strides = array<i32>} : memref<2x112x128xf32, #tpu.memory_space<vmem>>, vector<1x1x16xf32>,
      %broadcast_in_dim3A_98 = arith.constant 0.000000e+00 : f32
      %broadcast_in_dim3A_99 = vector.broadcast %broadcast_in_dim3A_98 : f32 to vector<16xf32>
      %swap3A_100 = arith.constant 0 : i32
      %swap3A_101 = arith.index_cast %swap3A_100 : i32 to index
      %swap3A_102 = arith.index_cast %scan3A_89 : i32 to index
      %swap3A_103 = arith.constant 16 : index
      %swap3A_104 = tpu.vector_load %arg13[%swap3A_101, %swap3A_102, %swap3A_103] {strides = array<i32>} : memref<2x112x128xf32, #tpu.memory_space<vmem>>, vector<1x1x16xf32>,
      %swap3A_105 = vector.shape_cast %swap3A_104 : vector<1x1x16xf32> to vector<16xf32>
      %swap3A_106 = vector.shape_cast %broadcast_in_dim3A_99 : vector<16xf32> to vector<1x1x16xf32>
      tpu.vector_store %arg13[%swap3A_101, %swap3A_102, %swap3A_103], %swap3A_106 {strides = array<i32>} : memref<2x112x128xf32, #tpu.memory_space<vmem>>, vector<1x1x16xf32>,
      %broadcast_in_dim3A_107 = arith.constant 0.000000e+00 : f32
      %broadcast_in_dim3A_108 = vector.broadcast %broadcast_in_dim3A_107 : f32 to vector<16xf32>
      %swap3A_109 = arith.constant 0 : i32
      %swap3A_110 = arith.index_cast %swap3A_109 : i32 to index
      %swap3A_111 = arith.index_cast %scan3A_89 : i32 to index
      %swap3A_112 = arith.constant 32 : index
      %swap3A_113 = tpu.vector_load %arg13[%swap3A_110, %swap3A_111, %swap3A_112] {strides = array<i32>} : memref<2x112x128xf32, #tpu.memory_space<vmem>>, vector<1x1x16xf32>,
      %swap3A_114 = vector.shape_cast %swap3A_113 : vector<1x1x16xf32> to vector<16xf32>
      %swap3A_115 = vector.shape_cast %broadcast_in_dim3A_108 : vector<16xf32> to vector<1x1x16xf32>
      tpu.vector_store %arg13[%swap3A_110, %swap3A_111, %swap3A_112], %swap3A_115 {strides = array<i32>} : memref<2x112x128xf32, #tpu.memory_space<vmem>>, vector<1x1x16xf32>,
      %broadcast_in_dim3A_116 = arith.constant 0.000000e+00 : f32
      %broadcast_in_dim3A_117 = vector.broadcast %broadcast_in_dim3A_116 : f32 to vector<16xf32>
      %swap3A_118 = arith.constant 0 : i32
      %swap3A_119 = arith.index_cast %swap3A_118 : i32 to index
      %swap3A_120 = arith.index_cast %scan3A_89 : i32 to index
      %swap3A_121 = arith.constant 48 : index
      %swap3A_122 = tpu.vector_load %arg13[%swap3A_119, %swap3A_120, %swap3A_121] {strides = array<i32>} : memref<2x112x128xf32, #tpu.memory_space<vmem>>, vector<1x1x16xf32>,
      %swap3A_123 = vector.shape_cast %swap3A_122 : vector<1x1x16xf32> to vector<16xf32>
      %swap3A_124 = vector.shape_cast %broadcast_in_dim3A_117 : vector<16xf32> to vector<1x1x16xf32>
      tpu.vector_store %arg13[%swap3A_119, %swap3A_120, %swap3A_121], %swap3A_124 {strides = array<i32>} : memref<2x112x128xf32, #tpu.memory_space<vmem>>, vector<1x1x16xf32>,
      %broadcast_in_dim3A_125 = arith.constant 0.000000e+00 : f32
      %broadcast_in_dim3A_126 = vector.broadcast %broadcast_in_dim3A_125 : f32 to vector<16xf32>
      %swap3A_127 = arith.constant 0 : i32
      %swap3A_128 = arith.index_cast %swap3A_127 : i32 to index
      %swap3A_129 = arith.index_cast %scan3A_89 : i32 to index
      %swap3A_130 = arith.constant 64 : index
      %swap3A_131 = tpu.vector_load %arg13[%swap3A_128, %swap3A_129, %swap3A_130] {strides = array<i32>} : memref<2x112x128xf32, #tpu.memory_space<vmem>>, vector<1x1x16xf32>,
      %swap3A_132 = vector.shape_cast %swap3A_131 : vector<1x1x16xf32> to vector<16xf32>
      %swap3A_133 = vector.shape_cast %broadcast_in_dim3A_126 : vector<16xf32> to vector<1x1x16xf32>
      tpu.vector_store %arg13[%swap3A_128, %swap3A_129, %swap3A_130], %swap3A_133 {strides = array<i32>} : memref<2x112x128xf32, #tpu.memory_space<vmem>>, vector<1x1x16xf32>,
      %broadcast_in_dim3A_134 = arith.constant 0.000000e+00 : f32
      %broadcast_in_dim3A_135 = vector.broadcast %broadcast_in_dim3A_134 : f32 to vector<16xf32>
      %swap3A_136 = arith.constant 0 : i32
      %swap3A_137 = arith.index_cast %swap3A_136 : i32 to index
      %swap3A_138 = arith.index_cast %scan3A_89 : i32 to index
      %swap3A_139 = arith.constant 80 : index
      %swap3A_140 = tpu.vector_load %arg13[%swap3A_137, %swap3A_138, %swap3A_139] {strides = array<i32>} : memref<2x112x128xf32, #tpu.memory_space<vmem>>, vector<1x1x16xf32>,
      %swap3A_141 = vector.shape_cast %swap3A_140 : vector<1x1x16xf32> to vector<16xf32>
      %swap3A_142 = vector.shape_cast %broadcast_in_dim3A_135 : vector<16xf32> to vector<1x1x16xf32>
      tpu.vector_store %arg13[%swap3A_137, %swap3A_138, %swap3A_139], %swap3A_142 {strides = array<i32>} : memref<2x112x128xf32, #tpu.memory_space<vmem>>, vector<1x1x16xf32>,
      %broadcast_in_dim3A_143 = arith.constant 0.000000e+00 : f32
      %broadcast_in_dim3A_144 = vector.broadcast %broadcast_in_dim3A_143 : f32 to vector<16xf32>
      %swap3A_145 = arith.constant 0 : i32
      %swap3A_146 = arith.index_cast %swap3A_145 : i32 to index
      %swap3A_147 = arith.index_cast %scan3A_89 : i32 to index
      %swap3A_148 = arith.constant 96 : index
      %swap3A_149 = tpu.vector_load %arg13[%swap3A_146, %swap3A_147, %swap3A_148] {strides = array<i32>} : memref<2x112x128xf32, #tpu.memory_space<vmem>>, vector<1x1x16xf32>,
      %swap3A_150 = vector.shape_cast %swap3A_149 : vector<1x1x16xf32> to vector<16xf32>
      %swap3A_151 = vector.shape_cast %broadcast_in_dim3A_144 : vector<16xf32> to vector<1x1x16xf32>
      tpu.vector_store %arg13[%swap3A_146, %swap3A_147, %swap3A_148], %swap3A_151 {strides = array<i32>} : memref<2x112x128xf32, #tpu.memory_space<vmem>>, vector<1x1x16xf32>,
      %broadcast_in_dim3A_152 = arith.constant 0.000000e+00 : f32
      %broadcast_in_dim3A_153 = vector.broadcast %broadcast_in_dim3A_152 : f32 to vector<16xf32>
      %swap3A_154 = arith.constant 0 : i32
      %swap3A_155 = arith.index_cast %swap3A_154 : i32 to index
      %swap3A_156 = arith.index_cast %scan3A_89 : i32 to index
      %swap3A_157 = arith.constant 112 : index
      %swap3A_158 = tpu.vector_load %arg13[%swap3A_155, %swap3A_156, %swap3A_157] {strides = array<i32>} : memref<2x112x128xf32, #tpu.memory_space<vmem>>, vector<1x1x16xf32>,
      %swap3A_159 = vector.shape_cast %swap3A_158 : vector<1x1x16xf32> to vector<16xf32>
      %swap3A_160 = vector.shape_cast %broadcast_in_dim3A_153 : vector<16xf32> to vector<1x1x16xf32>
      tpu.vector_store %arg13[%swap3A_155, %swap3A_156, %swap3A_157], %swap3A_160 {strides = array<i32>} : memref<2x112x128xf32, #tpu.memory_space<vmem>>, vector<1x1x16xf32>,
      %broadcast_in_dim3A_161 = arith.constant 0.000000e+00 : f32
      %broadcast_in_dim3A_162 = vector.broadcast %broadcast_in_dim3A_161 : f32 to vector<16xf32>
      %swap3A_163 = arith.index_cast %scan3A_89 : i32 to index
      %swap3A_164 = arith.constant 0 : index
      %swap3A_165 = tpu.vector_load %arg14[%swap3A_163, %swap3A_164] {strides = array<i32>} : memref<112x16xf32, #tpu.memory_space<vmem>>, vector<1x16xf32>,
      %swap3A_166 = vector.shape_cast %swap3A_165 : vector<1x16xf32> to vector<16xf32>
      %swap3A_167 = vector.shape_cast %broadcast_in_dim3A_162 : vector<16xf32> to vector<1x16xf32>
      tpu.vector_store %arg14[%swap3A_163, %swap3A_164], %swap3A_167 {strides = array<i32>} : memref<112x16xf32, #tpu.memory_space<vmem>>, vector<1x16xf32>,
      %scan3A_168 = arith.constant 0 : i32
      scf.yield %scan3A_168 : i32
    }
    %scan3A_10 = arith.constant 112 : i32
    %scan3A_11 = arith.constant 0 : i32
    %scan3A_12 = arith.constant 0 : i32
    %scan3A_13 = arith.constant 5 : i32
    %scan3A_14 = arith.addi %scan3A_12, %scan3A_13 : i32
    %scan3A_15 = arith.constant 1 : i32
    %scan3A_16 = scf.for %scan3A_89 = %scan3A_12 to %scan3A_14 step %scan3A_15 iter_args(%scan3A_90 = %scan3A_11) -> (i32)  : i32 {
      %mul3A_91 = arith.constant 112 : i32
      %mul3A_92 = arith.muli %scan3A_89, %mul3A_91 : i32
      %add3A_93 = arith.addi %mul3A_2, %mul3A_92 : i32
      %run_scoped3A_94 = arith.constant 0 : i32
      "tpu.region"() ({
        %run_scoped3A_99 = tpu.sem_alloc : memref<!tpu.dma_semaphore, #tpu.memory_space<semaphore_mem>>
        %dma_start3A = arith.constant 0 : i32
        %dma_start3A_100 = arith.constant 0 : i32
        %dma_start3A_101 = tpu.memref_slice %arg13[%run_scoped3A_94, %dma_start3A, %dma_start3A_100] : memref<2x112x128xf32, #tpu.memory_space<vmem>> -> memref<1x112x128xf32, #tpu.memory_space<vmem>>
        %dma_start3A_102 = tpu.memref_squeeze %dma_start3A_101 : memref<1x112x128xf32, #tpu.memory_space<vmem>> -> memref<112x128xf32, #tpu.memory_space<vmem>>
        %dma_start3A_103 = arith.constant 0 : i32
        %dma_start3A_104 = tpu.memref_slice %arg15[%add3A_93, %dma_start3A_103] : memref<10112x128xf32, #tpu.memory_space<vmem_shared>> -> memref<112x128xf32, #tpu.memory_space<vmem_shared>>
        %dma_start3A_105 = arith.constant 0 : i32
        %dma_start3A_106 = tpu.memref_slice %arg15[%add3A_93, %dma_start3A_105] : memref<10112x128xf32, #tpu.memory_space<vmem_shared>> -> memref<112x128xf32, #tpu.memory_space<vmem_shared>>
        %dma_start3A_107 = arith.constant 0 : i32
        %dma_start3A_108 = arith.constant 0 : i32
        %dma_start3A_109 = tpu.memref_slice %arg13[%run_scoped3A_94, %dma_start3A_107, %dma_start3A_108] : memref<2x112x128xf32, #tpu.memory_space<vmem>> -> memref<1x112x128xf32, #tpu.memory_space<vmem>>
        %dma_start3A_110 = tpu.memref_squeeze %dma_start3A_109 : memref<1x112x128xf32, #tpu.memory_space<vmem>> -> memref<112x128xf32, #tpu.memory_space<vmem>>
        tpu.enqueue_dma source(%dma_start3A_110 : memref<112x128xf32, #tpu.memory_space<vmem>>) target(%dma_start3A_106 : memref<112x128xf32, #tpu.memory_space<vmem_shared>>) target_semaphore(%run_scoped3A_99 : memref<!tpu.dma_semaphore, #tpu.memory_space<semaphore_mem>>)
        %dma_wait3A_111 = arith.constant 0 : i32
        %dma_wait3A_112 = arith.constant 0 : i32
        %dma_wait3A_113 = tpu.memref_slice %arg13[%run_scoped3A_94, %dma_wait3A_111, %dma_wait3A_112] : memref<2x112x128xf32, #tpu.memory_space<vmem>> -> memref<1x112x128xf32, #tpu.memory_space<vmem>>
        %dma_wait3A_114 = tpu.memref_squeeze %dma_wait3A_113 : memref<1x112x128xf32, #tpu.memory_space<vmem>> -> memref<112x128xf32, #tpu.memory_space<vmem>>
        %dma_wait3A_115 = arith.constant 0 : i32
        %dma_wait3A_116 = tpu.memref_slice %arg15[%add3A_93, %dma_wait3A_115] : memref<10112x128xf32, #tpu.memory_space<vmem_shared>> -> memref<112x128xf32, #tpu.memory_space<vmem_shared>>
        %dma_wait3A_117 = arith.constant 0 : i32
        %dma_wait3A_118 = tpu.memref_slice %arg15[%add3A_93, %dma_wait3A_117] : memref<10112x128xf32, #tpu.memory_space<vmem_shared>> -> memref<112x128xf32, #tpu.memory_space<vmem_shared>>
        %dma_wait3A_119 = arith.constant 0 : i32
        %dma_wait3A_120 = arith.constant 0 : i32
        %dma_wait3A_121 = tpu.memref_slice %arg13[%run_scoped3A_94, %dma_wait3A_119, %dma_wait3A_120] : memref<2x112x128xf32, #tpu.memory_space<vmem>> -> memref<1x112x128xf32, #tpu.memory_space<vmem>>
        %dma_wait3A_122 = tpu.memref_squeeze %dma_wait3A_121 : memref<1x112x128xf32, #tpu.memory_space<vmem>> -> memref<112x128xf32, #tpu.memory_space<vmem>>
        tpu.wait_dma2 semaphore(%run_scoped3A_99 : memref<!tpu.dma_semaphore, #tpu.memory_space<semaphore_mem>>) src(%dma_wait3A_122 : memref<112x128xf32, #tpu.memory_space<vmem>>) dst(%dma_wait3A_118 : memref<112x128xf32, #tpu.memory_space<vmem_shared>>)
        tpu.yield
      }) : () -> ()
      %mul3A_95 = arith.constant 112 : i32
      %mul3A_96 = arith.muli %scan3A_89, %mul3A_95 : i32
      %add3A_97 = arith.addi %mul3A_2, %mul3A_96 : i32
      "tpu.region"() ({
        %run_scoped3A_99 = tpu.sem_alloc : memref<!tpu.dma_semaphore, #tpu.memory_space<semaphore_mem>>
        %dma_start3A = arith.constant 0 : i32
        %dma_start3A_100 = tpu.memref_slice %arg16[%add3A_97, %dma_start3A] : memref<10112x16xf32, #tpu.memory_space<vmem_shared>> -> memref<112x16xf32, #tpu.memory_space<vmem_shared>>
        %dma_start3A_101 = arith.constant 0 : i32
        %dma_start3A_102 = tpu.memref_slice %arg16[%add3A_97, %dma_start3A_101] : memref<10112x16xf32, #tpu.memory_space<vmem_shared>> -> memref<112x16xf32, #tpu.memory_space<vmem_shared>>
        tpu.enqueue_dma source(%arg14 : memref<112x16xf32, #tpu.memory_space<vmem>>) target(%dma_start3A_102 : memref<112x16xf32, #tpu.memory_space<vmem_shared>>) target_semaphore(%run_scoped3A_99 : memref<!tpu.dma_semaphore, #tpu.memory_space<semaphore_mem>>)
        %dma_wait3A_103 = arith.constant 0 : i32
        %dma_wait3A_104 = tpu.memref_slice %arg16[%add3A_97, %dma_wait3A_103] : memref<10112x16xf32, #tpu.memory_space<vmem_shared>> -> memref<112x16xf32, #tpu.memory_space<vmem_shared>>
        %dma_wait3A_105 = arith.constant 0 : i32
        %dma_wait3A_106 = tpu.memref_slice %arg16[%add3A_97, %dma_wait3A_105] : memref<10112x16xf32, #tpu.memory_space<vmem_shared>> -> memref<112x16xf32, #tpu.memory_space<vmem_shared>>
        tpu.wait_dma2 semaphore(%run_scoped3A_99 : memref<!tpu.dma_semaphore, #tpu.memory_space<semaphore_mem>>) src(%arg14 : memref<112x16xf32, #tpu.memory_space<vmem>>) dst(%dma_wait3A_106 : memref<112x16xf32, #tpu.memory_space<vmem_shared>>)
        tpu.yield
      }) : () -> ()
      %scan3A_98 = arith.constant 0 : i32
      scf.yield %scan3A_98 : i32
    }
    %scan3A_17 = arith.constant 5 : i32
    %add3A_18 = arith.constant 560 : i32
    %add3A_19 = arith.addi %mul3A_2, %add3A_18 : i32
    %run_scoped3A = arith.constant 0 : i32
    "tpu.region"() ({
      %run_scoped3A_89 = tpu.sem_alloc : memref<!tpu.dma_semaphore, #tpu.memory_space<semaphore_mem>>
      %dma_start3A = arith.constant 0 : i32
      %dma_start3A_90 = arith.constant 0 : i32
      %dma_start3A_91 = tpu.memref_slice %arg13[%run_scoped3A, %dma_start3A, %dma_start3A_90] : memref<2x112x128xf32, #tpu.memory_space<vmem>> -> memref<1x72x128xf32, #tpu.memory_space<vmem>>
      %dma_start3A_92 = tpu.memref_squeeze %dma_start3A_91 : memref<1x72x128xf32, #tpu.memory_space<vmem>> -> memref<72x128xf32, #tpu.memory_space<vmem>>
      %dma_start3A_93 = arith.constant 0 : i32
      %dma_start3A_94 = tpu.memref_slice %arg15[%add3A_19, %dma_start3A_93] : memref<10112x128xf32, #tpu.memory_space<vmem_shared>> -> memref<72x128xf32, #tpu.memory_space<vmem_shared>>
      %dma_start3A_95 = arith.constant 0 : i32
      %dma_start3A_96 = tpu.memref_slice %arg15[%add3A_19, %dma_start3A_95] : memref<10112x128xf32, #tpu.memory_space<vmem_shared>> -> memref<72x128xf32, #tpu.memory_space<vmem_shared>>
      %dma_start3A_97 = arith.constant 0 : i32
      %dma_start3A_98 = arith.constant 0 : i32
      %dma_start3A_99 = tpu.memref_slice %arg13[%run_scoped3A, %dma_start3A_97, %dma_start3A_98] : memref<2x112x128xf32, #tpu.memory_space<vmem>> -> memref<1x72x128xf32, #tpu.memory_space<vmem>>
      %dma_start3A_100 = tpu.memref_squeeze %dma_start3A_99 : memref<1x72x128xf32, #tpu.memory_space<vmem>> -> memref<72x128xf32, #tpu.memory_space<vmem>>
      tpu.enqueue_dma source(%dma_start3A_100 : memref<72x128xf32, #tpu.memory_space<vmem>>) target(%dma_start3A_96 : memref<72x128xf32, #tpu.memory_space<vmem_shared>>) target_semaphore(%run_scoped3A_89 : memref<!tpu.dma_semaphore, #tpu.memory_space<semaphore_mem>>)
      %dma_wait3A_101 = arith.constant 0 : i32
      %dma_wait3A_102 = arith.constant 0 : i32
      %dma_wait3A_103 = tpu.memref_slice %arg13[%run_scoped3A, %dma_wait3A_101, %dma_wait3A_102] : memref<2x112x128xf32, #tpu.memory_space<vmem>> -> memref<1x72x128xf32, #tpu.memory_space<vmem>>
      %dma_wait3A_104 = tpu.memref_squeeze %dma_wait3A_103 : memref<1x72x128xf32, #tpu.memory_space<vmem>> -> memref<72x128xf32, #tpu.memory_space<vmem>>
      %dma_wait3A_105 = arith.constant 0 : i32
      %dma_wait3A_106 = tpu.memref_slice %arg15[%add3A_19, %dma_wait3A_105] : memref<10112x128xf32, #tpu.memory_space<vmem_shared>> -> memref<72x128xf32, #tpu.memory_space<vmem_shared>>
      %dma_wait3A_107 = arith.constant 0 : i32
      %dma_wait3A_108 = tpu.memref_slice %arg15[%add3A_19, %dma_wait3A_107] : memref<10112x128xf32, #tpu.memory_space<vmem_shared>> -> memref<72x128xf32, #tpu.memory_space<vmem_shared>>
      %dma_wait3A_109 = arith.constant 0 : i32
      %dma_wait3A_110 = arith.constant 0 : i32
      %dma_wait3A_111 = tpu.memref_slice %arg13[%run_scoped3A, %dma_wait3A_109, %dma_wait3A_110] : memref<2x112x128xf32, #tpu.memory_space<vmem>> -> memref<1x72x128xf32, #tpu.memory_space<vmem>>
      %dma_wait3A_112 = tpu.memref_squeeze %dma_wait3A_111 : memref<1x72x128xf32, #tpu.memory_space<vmem>> -> memref<72x128xf32, #tpu.memory_space<vmem>>
      tpu.wait_dma2 semaphore(%run_scoped3A_89 : memref<!tpu.dma_semaphore, #tpu.memory_space<semaphore_mem>>) src(%dma_wait3A_112 : memref<72x128xf32, #tpu.memory_space<vmem>>) dst(%dma_wait3A_108 : memref<72x128xf32, #tpu.memory_space<vmem_shared>>)
      tpu.yield
    }) : () -> ()
    %add3A_20 = arith.constant 560 : i32
    %add3A_21 = arith.addi %mul3A_2, %add3A_20 : i32
    "tpu.region"() ({
      %run_scoped3A_89 = tpu.sem_alloc : memref<!tpu.dma_semaphore, #tpu.memory_space<semaphore_mem>>
      %dma_start3A = arith.constant 0 : i32
      %dma_start3A_90 = arith.constant 0 : i32
      %dma_start3A_91 = tpu.memref_slice %arg14[%dma_start3A, %dma_start3A_90] : memref<112x16xf32, #tpu.memory_space<vmem>> -> memref<72x16xf32, #tpu.memory_space<vmem>>
      %dma_start3A_92 = arith.constant 0 : i32
      %dma_start3A_93 = tpu.memref_slice %arg16[%add3A_21, %dma_start3A_92] : memref<10112x16xf32, #tpu.memory_space<vmem_shared>> -> memref<72x16xf32, #tpu.memory_space<vmem_shared>>
      %dma_start3A_94 = arith.constant 0 : i32
      %dma_start3A_95 = tpu.memref_slice %arg16[%add3A_21, %dma_start3A_94] : memref<10112x16xf32, #tpu.memory_space<vmem_shared>> -> memref<72x16xf32, #tpu.memory_space<vmem_shared>>
      %dma_start3A_96 = arith.constant 0 : i32
      %dma_start3A_97 = arith.constant 0 : i32
      %dma_start3A_98 = tpu.memref_slice %arg14[%dma_start3A_96, %dma_start3A_97] : memref<112x16xf32, #tpu.memory_space<vmem>> -> memref<72x16xf32, #tpu.memory_space<vmem>>
      tpu.enqueue_dma source(%dma_start3A_98 : memref<72x16xf32, #tpu.memory_space<vmem>>) target(%dma_start3A_95 : memref<72x16xf32, #tpu.memory_space<vmem_shared>>) target_semaphore(%run_scoped3A_89 : memref<!tpu.dma_semaphore, #tpu.memory_space<semaphore_mem>>)
      %dma_wait3A_99 = arith.constant 0 : i32
      %dma_wait3A_100 = arith.constant 0 : i32
      %dma_wait3A_101 = tpu.memref_slice %arg14[%dma_wait3A_99, %dma_wait3A_100] : memref<112x16xf32, #tpu.memory_space<vmem>> -> memref<72x16xf32, #tpu.memory_space<vmem>>
      %dma_wait3A_102 = arith.constant 0 : i32
      %dma_wait3A_103 = tpu.memref_slice %arg16[%add3A_21, %dma_wait3A_102] : memref<10112x16xf32, #tpu.memory_space<vmem_shared>> -> memref<72x16xf32, #tpu.memory_space<vmem_shared>>
      %dma_wait3A_104 = arith.constant 0 : i32
      %dma_wait3A_105 = tpu.memref_slice %arg16[%add3A_21, %dma_wait3A_104] : memref<10112x16xf32, #tpu.memory_space<vmem_shared>> -> memref<72x16xf32, #tpu.memory_space<vmem_shared>>
      %dma_wait3A_106 = arith.constant 0 : i32
      %dma_wait3A_107 = arith.constant 0 : i32
      %dma_wait3A_108 = tpu.memref_slice %arg14[%dma_wait3A_106, %dma_wait3A_107] : memref<112x16xf32, #tpu.memory_space<vmem>> -> memref<72x16xf32, #tpu.memory_space<vmem>>
      tpu.wait_dma2 semaphore(%run_scoped3A_89 : memref<!tpu.dma_semaphore, #tpu.memory_space<semaphore_mem>>) src(%dma_wait3A_108 : memref<72x16xf32, #tpu.memory_space<vmem>>) dst(%dma_wait3A_105 : memref<72x16xf32, #tpu.memory_space<vmem_shared>>)
      tpu.yield
    }) : () -> ()
    %barrier3A = arith.constant 0 : index
    tpu.barrier barrier_id(%barrier3A)
    %scan3A_22 = arith.constant 0 : i32
    %scan3A_23 = arith.constant 0 : i32
    %scan3A_24 = arith.constant 94 : i32
    %scan3A_25 = arith.addi %scan3A_23, %scan3A_24 : i32
    %scan3A_26 = arith.constant 1 : i32
    %scan3A_27 = scf.for %scan3A_89 = %scan3A_23 to %scan3A_25 step %scan3A_26 iter_args(%scan3A_90 = %scan3A_22) -> (i32)  : i32 {
      %rem3A = arith.constant 2 : i32
      %rem3A_91 = arith.remsi %scan3A_89, %rem3A : i32
      %sub3A = arith.constant 1 : i32
      %sub3A_92 = arith.subi %sub3A, %rem3A_91 : i32
      %lt3A = arith.constant 93 : i32
      %lt3A_93 = arith.cmpi slt, %scan3A_89, %lt3A : i32
      %convert_element_type3A = arith.extui %lt3A_93 : i1 to i32
      %cond3A = arith.constant 0 : i32
      %cond3A_94 = arith.cmpi ne, %convert_element_type3A, %cond3A : i32
      scf.if %cond3A_94 {
        %ge3A_100 = arith.constant 2 : i32
        %ge3A_101 = arith.cmpi sge, %scan3A_89, %ge3A_100 : i32
        %convert_element_type3A_102 = arith.extui %ge3A_101 : i1 to i32
        %cond3A_103 = arith.constant 0 : i32
        %cond3A_104 = arith.cmpi ne, %convert_element_type3A_102, %cond3A_103 : i32
        scf.if %cond3A_104 {
          %dma_wait3A_143 = arith.constant 0 : i32
          %dma_wait3A_144 = arith.constant 0 : i32
          %dma_wait3A_145 = tpu.memref_slice %arg13[%rem3A_91, %dma_wait3A_143, %dma_wait3A_144] : memref<2x112x128xf32, #tpu.memory_space<vmem>> -> memref<1x112x128xf32, #tpu.memory_space<vmem>>
          %dma_wait3A_146 = tpu.memref_squeeze %dma_wait3A_145 : memref<1x112x128xf32, #tpu.memory_space<vmem>> -> memref<112x128xf32, #tpu.memory_space<vmem>>
          %dma_wait3A_147 = arith.constant 0 : i32
          %dma_wait3A_148 = tpu.memref_slice %arg10[%rem3A_91, %dma_wait3A_147] : memref<2x112xi32, #tpu.memory_space<vmem>> -> memref<1x112xi32, #tpu.memory_space<vmem>>
          %dma_wait3A_149 = tpu.memref_squeeze %dma_wait3A_148 : memref<1x112xi32, #tpu.memory_space<vmem>> -> memref<112xi32, #tpu.memory_space<vmem>>
          %dma_wait3A_150 = arith.constant 0 : i32
          %dma_wait3A_151 = arith.constant 0 : i32
          %dma_wait3A_152 = tpu.memref_slice %arg15[%dma_wait3A_150, %dma_wait3A_151] : memref<10112x128xf32, #tpu.memory_space<vmem_shared>> -> memref<10112x128xf32, #tpu.memory_space<vmem_shared>>
          %dma_wait3A_153 = tpu.memref_slice %arg20[%rem3A_91] : memref<2x!tpu.dma_semaphore, #tpu.memory_space<semaphore_mem>> -> memref<1x!tpu.dma_semaphore, #tpu.memory_space<semaphore_mem>>
          %dma_wait3A_154 = tpu.memref_squeeze %dma_wait3A_153 : memref<1x!tpu.dma_semaphore, #tpu.memory_space<semaphore_mem>> -> memref<!tpu.dma_semaphore, #tpu.memory_space<semaphore_mem>>
          tpu.wait_indirect_dma semaphore(%dma_wait3A_154 : memref<!tpu.dma_semaphore, #tpu.memory_space<semaphore_mem>>) src(%dma_wait3A_146 : memref<112x128xf32, #tpu.memory_space<vmem>>) dst(%dma_wait3A_152 : memref<10112x128xf32, #tpu.memory_space<vmem_shared>>)
          %dma_wait3A_155 = arith.constant 0 : i32
          %dma_wait3A_156 = arith.constant 0 : i32
          %dma_wait3A_157 = tpu.memref_slice %arg11[%rem3A_91, %dma_wait3A_155, %dma_wait3A_156] : memref<2x112x16xf32, #tpu.memory_space<vmem>> -> memref<1x112x16xf32, #tpu.memory_space<vmem>>
          %dma_wait3A_158 = tpu.memref_squeeze %dma_wait3A_157 : memref<1x112x16xf32, #tpu.memory_space<vmem>> -> memref<112x16xf32, #tpu.memory_space<vmem>>
          %dma_wait3A_159 = arith.constant 0 : i32
          %dma_wait3A_160 = tpu.memref_slice %arg10[%rem3A_91, %dma_wait3A_159] : memref<2x112xi32, #tpu.memory_space<vmem>> -> memref<1x112xi32, #tpu.memory_space<vmem>>
          %dma_wait3A_161 = tpu.memref_squeeze %dma_wait3A_160 : memref<1x112xi32, #tpu.memory_space<vmem>> -> memref<112xi32, #tpu.memory_space<vmem>>
          %dma_wait3A_162 = arith.constant 0 : i32
          %dma_wait3A_163 = arith.constant 0 : i32
          %dma_wait3A_164 = tpu.memref_slice %arg16[%dma_wait3A_162, %dma_wait3A_163] : memref<10112x16xf32, #tpu.memory_space<vmem_shared>> -> memref<10112x16xf32, #tpu.memory_space<vmem_shared>>
          %dma_wait3A_165 = tpu.memref_slice %arg21[%rem3A_91] : memref<2x!tpu.dma_semaphore, #tpu.memory_space<semaphore_mem>> -> memref<1x!tpu.dma_semaphore, #tpu.memory_space<semaphore_mem>>
          %dma_wait3A_166 = tpu.memref_squeeze %dma_wait3A_165 : memref<1x!tpu.dma_semaphore, #tpu.memory_space<semaphore_mem>> -> memref<!tpu.dma_semaphore, #tpu.memory_space<semaphore_mem>>
          tpu.wait_indirect_dma semaphore(%dma_wait3A_166 : memref<!tpu.dma_semaphore, #tpu.memory_space<semaphore_mem>>) src(%dma_wait3A_158 : memref<112x16xf32, #tpu.memory_space<vmem>>) dst(%dma_wait3A_164 : memref<10112x16xf32, #tpu.memory_space<vmem_shared>>)
        } else {
        }
        %mul3A_105 = arith.constant 112 : i32
        %mul3A_106 = arith.muli %scan3A_89, %mul3A_105 : i32
        %add3A_107 = arith.addi %mul3A_4, %mul3A_106 : i32
        "tpu.region"() ({
          %run_scoped3A_143 = tpu.sem_alloc : memref<!tpu.dma_semaphore, #tpu.memory_space<semaphore_mem>>
          %dma_start3A_144 = arith.constant 0 : i32
          %dma_start3A_145 = tpu.memref_slice %arg9[%rem3A_91, %dma_start3A_144] : memref<2x112xi32, #tpu.memory_space<vmem>> -> memref<1x112xi32, #tpu.memory_space<vmem>>
          %dma_start3A_146 = tpu.memref_squeeze %dma_start3A_145 : memref<1x112xi32, #tpu.memory_space<vmem>> -> memref<112xi32, #tpu.memory_space<vmem>>
          %dma_start3A_147 = tpu.memref_slice %arg2[%add3A_107] : memref<333312xi32, #tpu.memory_space<hbm>> -> memref<112xi32, #tpu.memory_space<hbm>>
          %dma_start3A_148 = arith.constant 0 : i32
          %dma_start3A_149 = tpu.memref_slice %arg9[%rem3A_91, %dma_start3A_148] : memref<2x112xi32, #tpu.memory_space<vmem>> -> memref<1x112xi32, #tpu.memory_space<vmem>>
          %dma_start3A_150 = tpu.memref_squeeze %dma_start3A_149 : memref<1x112xi32, #tpu.memory_space<vmem>> -> memref<112xi32, #tpu.memory_space<vmem>>
          %dma_start3A_151 = tpu.memref_slice %arg2[%add3A_107] : memref<333312xi32, #tpu.memory_space<hbm>> -> memref<112xi32, #tpu.memory_space<hbm>>
          tpu.enqueue_dma source(%dma_start3A_151 : memref<112xi32, #tpu.memory_space<hbm>>) target(%dma_start3A_150 : memref<112xi32, #tpu.memory_space<vmem>>) target_semaphore(%run_scoped3A_143 : memref<!tpu.dma_semaphore, #tpu.memory_space<semaphore_mem>>)
          %dma_wait3A_152 = arith.constant 0 : i32
          %dma_wait3A_153 = tpu.memref_slice %arg9[%rem3A_91, %dma_wait3A_152] : memref<2x112xi32, #tpu.memory_space<vmem>> -> memref<1x112xi32, #tpu.memory_space<vmem>>
          %dma_wait3A_154 = tpu.memref_squeeze %dma_wait3A_153 : memref<1x112xi32, #tpu.memory_space<vmem>> -> memref<112xi32, #tpu.memory_space<vmem>>
          %dma_wait3A_155 = tpu.memref_slice %arg2[%add3A_107] : memref<333312xi32, #tpu.memory_space<hbm>> -> memref<112xi32, #tpu.memory_space<hbm>>
          %dma_wait3A_156 = arith.constant 0 : i32
          %dma_wait3A_157 = tpu.memref_slice %arg9[%rem3A_91, %dma_wait3A_156] : memref<2x112xi32, #tpu.memory_space<vmem>> -> memref<1x112xi32, #tpu.memory_space<vmem>>
          %dma_wait3A_158 = tpu.memref_squeeze %dma_wait3A_157 : memref<1x112xi32, #tpu.memory_space<vmem>> -> memref<112xi32, #tpu.memory_space<vmem>>
          %dma_wait3A_159 = tpu.memref_slice %arg2[%add3A_107] : memref<333312xi32, #tpu.memory_space<hbm>> -> memref<112xi32, #tpu.memory_space<hbm>>
          tpu.wait_dma2 semaphore(%run_scoped3A_143 : memref<!tpu.dma_semaphore, #tpu.memory_space<semaphore_mem>>) src(%dma_wait3A_159 : memref<112xi32, #tpu.memory_space<hbm>>) dst(%dma_wait3A_158 : memref<112xi32, #tpu.memory_space<vmem>>)
          tpu.yield
        }) : () -> ()
        "tpu.region"() ({
          %run_scoped3A_143 = tpu.sem_alloc : memref<!tpu.dma_semaphore, #tpu.memory_space<semaphore_mem>>
          %dma_start3A_144 = arith.constant 0 : i32
          %dma_start3A_145 = tpu.memref_slice %arg10[%rem3A_91, %dma_start3A_144] : memref<2x112xi32, #tpu.memory_space<vmem>> -> memref<1x112xi32, #tpu.memory_space<vmem>>
          %dma_start3A_146 = tpu.memref_squeeze %dma_start3A_145 : memref<1x112xi32, #tpu.memory_space<vmem>> -> memref<112xi32, #tpu.memory_space<vmem>>
          %dma_start3A_147 = tpu.memref_slice %arg3[%add3A_107] : memref<333312xi32, #tpu.memory_space<hbm>> -> memref<112xi32, #tpu.memory_space<hbm>>
          %dma_start3A_148 = arith.constant 0 : i32
          %dma_start3A_149 = tpu.memref_slice %arg10[%rem3A_91, %dma_start3A_148] : memref<2x112xi32, #tpu.memory_space<vmem>> -> memref<1x112xi32, #tpu.memory_space<vmem>>
          %dma_start3A_150 = tpu.memref_squeeze %dma_start3A_149 : memref<1x112xi32, #tpu.memory_space<vmem>> -> memref<112xi32, #tpu.memory_space<vmem>>
          %dma_start3A_151 = tpu.memref_slice %arg3[%add3A_107] : memref<333312xi32, #tpu.memory_space<hbm>> -> memref<112xi32, #tpu.memory_space<hbm>>
          tpu.enqueue_dma source(%dma_start3A_151 : memref<112xi32, #tpu.memory_space<hbm>>) target(%dma_start3A_150 : memref<112xi32, #tpu.memory_space<vmem>>) target_semaphore(%run_scoped3A_143 : memref<!tpu.dma_semaphore, #tpu.memory_space<semaphore_mem>>)
          %dma_wait3A_152 = arith.constant 0 : i32
          %dma_wait3A_153 = tpu.memref_slice %arg10[%rem3A_91, %dma_wait3A_152] : memref<2x112xi32, #tpu.memory_space<vmem>> -> memref<1x112xi32, #tpu.memory_space<vmem>>
          %dma_wait3A_154 = tpu.memref_squeeze %dma_wait3A_153 : memref<1x112xi32, #tpu.memory_space<vmem>> -> memref<112xi32, #tpu.memory_space<vmem>>
          %dma_wait3A_155 = tpu.memref_slice %arg3[%add3A_107] : memref<333312xi32, #tpu.memory_space<hbm>> -> memref<112xi32, #tpu.memory_space<hbm>>
          %dma_wait3A_156 = arith.constant 0 : i32
          %dma_wait3A_157 = tpu.memref_slice %arg10[%rem3A_91, %dma_wait3A_156] : memref<2x112xi32, #tpu.memory_space<vmem>> -> memref<1x112xi32, #tpu.memory_space<vmem>>
          %dma_wait3A_158 = tpu.memref_squeeze %dma_wait3A_157 : memref<1x112xi32, #tpu.memory_space<vmem>> -> memref<112xi32, #tpu.memory_space<vmem>>
          %dma_wait3A_159 = tpu.memref_slice %arg3[%add3A_107] : memref<333312xi32, #tpu.memory_space<hbm>> -> memref<112xi32, #tpu.memory_space<hbm>>
          tpu.wait_dma2 semaphore(%run_scoped3A_143 : memref<!tpu.dma_semaphore, #tpu.memory_space<semaphore_mem>>) src(%dma_wait3A_159 : memref<112xi32, #tpu.memory_space<hbm>>) dst(%dma_wait3A_158 : memref<112xi32, #tpu.memory_space<vmem>>)
          tpu.yield
        }) : () -> ()
        %dma_start3A = arith.constant 0 : i32
        %dma_start3A_108 = arith.constant 0 : i32
        %dma_start3A_109 = tpu.memref_slice %arg13[%rem3A_91, %dma_start3A, %dma_start3A_108] : memref<2x112x128xf32, #tpu.memory_space<vmem>> -> memref<1x112x128xf32, #tpu.memory_space<vmem>>
        %dma_start3A_110 = tpu.memref_squeeze %dma_start3A_109 : memref<1x112x128xf32, #tpu.memory_space<vmem>> -> memref<112x128xf32, #tpu.memory_space<vmem>>
        %dma_start3A_111 = arith.constant 0 : i32
        %dma_start3A_112 = tpu.memref_slice %arg9[%rem3A_91, %dma_start3A_111] : memref<2x112xi32, #tpu.memory_space<vmem>> -> memref<1x112xi32, #tpu.memory_space<vmem>>
        %dma_start3A_113 = tpu.memref_squeeze %dma_start3A_112 : memref<1x112xi32, #tpu.memory_space<vmem>> -> memref<112xi32, #tpu.memory_space<vmem>>
        %dma_start3A_114 = arith.constant 0 : i32
        %dma_start3A_115 = arith.constant 0 : i32
        %dma_start3A_116 = tpu.memref_slice %arg4[%dma_start3A_114, %dma_start3A_115] : memref<10112x128xf32, #tpu.memory_space<hbm>> -> memref<10112x128xf32, #tpu.memory_space<hbm>>
        %dma_start3A_117 = tpu.memref_slice %arg17[%rem3A_91] : memref<2x!tpu.dma_semaphore, #tpu.memory_space<semaphore_mem>> -> memref<1x!tpu.dma_semaphore, #tpu.memory_space<semaphore_mem>>
        %dma_start3A_118 = tpu.memref_squeeze %dma_start3A_117 : memref<1x!tpu.dma_semaphore, #tpu.memory_space<semaphore_mem>> -> memref<!tpu.dma_semaphore, #tpu.memory_space<semaphore_mem>>
        tpu.enqueue_indirect_dma source(%dma_start3A_116 : memref<10112x128xf32, #tpu.memory_space<hbm>>) target(%dma_start3A_110 : memref<112x128xf32, #tpu.memory_space<vmem>>) offsets(%dma_start3A_113 : memref<112xi32, #tpu.memory_space<vmem>>) semaphore(%dma_start3A_118 : memref<!tpu.dma_semaphore, #tpu.memory_space<semaphore_mem>>)
        %dma_start3A_119 = arith.constant 0 : i32
        %dma_start3A_120 = arith.constant 0 : i32
        %dma_start3A_121 = tpu.memref_slice %arg11[%rem3A_91, %dma_start3A_119, %dma_start3A_120] : memref<2x112x16xf32, #tpu.memory_space<vmem>> -> memref<1x112x16xf32, #tpu.memory_space<vmem>>
        %dma_start3A_122 = tpu.memref_squeeze %dma_start3A_121 : memref<1x112x16xf32, #tpu.memory_space<vmem>> -> memref<112x16xf32, #tpu.memory_space<vmem>>
        %dma_start3A_123 = arith.constant 0 : i32
        %dma_start3A_124 = tpu.memref_slice %arg9[%rem3A_91, %dma_start3A_123] : memref<2x112xi32, #tpu.memory_space<vmem>> -> memref<1x112xi32, #tpu.memory_space<vmem>>
        %dma_start3A_125 = tpu.memref_squeeze %dma_start3A_124 : memref<1x112xi32, #tpu.memory_space<vmem>> -> memref<112xi32, #tpu.memory_space<vmem>>
        %dma_start3A_126 = arith.constant 0 : i32
        %dma_start3A_127 = arith.constant 0 : i32
        %dma_start3A_128 = tpu.memref_slice %arg5[%dma_start3A_126, %dma_start3A_127] : memref<10112x16xf32, #tpu.memory_space<hbm>> -> memref<10112x16xf32, #tpu.memory_space<hbm>>
        %dma_start3A_129 = tpu.memref_slice %arg18[%rem3A_91] : memref<2x!tpu.dma_semaphore, #tpu.memory_space<semaphore_mem>> -> memref<1x!tpu.dma_semaphore, #tpu.memory_space<semaphore_mem>>
        %dma_start3A_130 = tpu.memref_squeeze %dma_start3A_129 : memref<1x!tpu.dma_semaphore, #tpu.memory_space<semaphore_mem>> -> memref<!tpu.dma_semaphore, #tpu.memory_space<semaphore_mem>>
        tpu.enqueue_indirect_dma source(%dma_start3A_128 : memref<10112x16xf32, #tpu.memory_space<hbm>>) target(%dma_start3A_122 : memref<112x16xf32, #tpu.memory_space<vmem>>) offsets(%dma_start3A_125 : memref<112xi32, #tpu.memory_space<vmem>>) semaphore(%dma_start3A_130 : memref<!tpu.dma_semaphore, #tpu.memory_space<semaphore_mem>>)
        %dma_start3A_131 = arith.constant 0 : i32
        %dma_start3A_132 = arith.constant 0 : i32
        %dma_start3A_133 = tpu.memref_slice %arg12[%rem3A_91, %dma_start3A_131, %dma_start3A_132] : memref<2x112x16xf32, #tpu.memory_space<vmem>> -> memref<1x112x16xf32, #tpu.memory_space<vmem>>
        %dma_start3A_134 = tpu.memref_squeeze %dma_start3A_133 : memref<1x112x16xf32, #tpu.memory_space<vmem>> -> memref<112x16xf32, #tpu.memory_space<vmem>>
        %dma_start3A_135 = arith.constant 0 : i32
        %dma_start3A_136 = tpu.memref_slice %arg10[%rem3A_91, %dma_start3A_135] : memref<2x112xi32, #tpu.memory_space<vmem>> -> memref<1x112xi32, #tpu.memory_space<vmem>>
        %dma_start3A_137 = tpu.memref_squeeze %dma_start3A_136 : memref<1x112xi32, #tpu.memory_space<vmem>> -> memref<112xi32, #tpu.memory_space<vmem>>
        %dma_start3A_138 = arith.constant 0 : i32
        %dma_start3A_139 = arith.constant 0 : i32
        %dma_start3A_140 = tpu.memref_slice %arg6[%dma_start3A_138, %dma_start3A_139] : memref<10112x16xf32, #tpu.memory_space<hbm>> -> memref<10112x16xf32, #tpu.memory_space<hbm>>
        %dma_start3A_141 = tpu.memref_slice %arg19[%rem3A_91] : memref<2x!tpu.dma_semaphore, #tpu.memory_space<semaphore_mem>> -> memref<1x!tpu.dma_semaphore, #tpu.memory_space<semaphore_mem>>
        %dma_start3A_142 = tpu.memref_squeeze %dma_start3A_141 : memref<1x!tpu.dma_semaphore, #tpu.memory_space<semaphore_mem>> -> memref<!tpu.dma_semaphore, #tpu.memory_space<semaphore_mem>>
        tpu.enqueue_indirect_dma source(%dma_start3A_140 : memref<10112x16xf32, #tpu.memory_space<hbm>>) target(%dma_start3A_134 : memref<112x16xf32, #tpu.memory_space<vmem>>) offsets(%dma_start3A_137 : memref<112xi32, #tpu.memory_space<vmem>>) semaphore(%dma_start3A_142 : memref<!tpu.dma_semaphore, #tpu.memory_space<semaphore_mem>>)
      } else {
      }
      %ge3A = arith.constant 1 : i32
      %ge3A_95 = arith.cmpi sge, %scan3A_89, %ge3A : i32
      %convert_element_type3A_96 = arith.extui %ge3A_95 : i1 to i32
      %cond3A_97 = arith.constant 0 : i32
      %cond3A_98 = arith.cmpi ne, %convert_element_type3A_96, %cond3A_97 : i32
      scf.if %cond3A_98 {
        %dma_wait3A_100 = arith.constant 0 : i32
        %dma_wait3A_101 = arith.constant 0 : i32
        %dma_wait3A_102 = tpu.memref_slice %arg11[%sub3A_92, %dma_wait3A_100, %dma_wait3A_101] : memref<2x112x16xf32, #tpu.memory_space<vmem>> -> memref<1x112x16xf32, #tpu.memory_space<vmem>>
        %dma_wait3A_103 = tpu.memref_squeeze %dma_wait3A_102 : memref<1x112x16xf32, #tpu.memory_space<vmem>> -> memref<112x16xf32, #tpu.memory_space<vmem>>
        %dma_wait3A_104 = arith.constant 0 : i32
        %dma_wait3A_105 = tpu.memref_slice %arg9[%sub3A_92, %dma_wait3A_104] : memref<2x112xi32, #tpu.memory_space<vmem>> -> memref<1x112xi32, #tpu.memory_space<vmem>>
        %dma_wait3A_106 = tpu.memref_squeeze %dma_wait3A_105 : memref<1x112xi32, #tpu.memory_space<vmem>> -> memref<112xi32, #tpu.memory_space<vmem>>
        %dma_wait3A_107 = arith.constant 0 : i32
        %dma_wait3A_108 = arith.constant 0 : i32
        %dma_wait3A_109 = tpu.memref_slice %arg5[%dma_wait3A_107, %dma_wait3A_108] : memref<10112x16xf32, #tpu.memory_space<hbm>> -> memref<10112x16xf32, #tpu.memory_space<hbm>>
        %dma_wait3A_110 = tpu.memref_slice %arg18[%sub3A_92] : memref<2x!tpu.dma_semaphore, #tpu.memory_space<semaphore_mem>> -> memref<1x!tpu.dma_semaphore, #tpu.memory_space<semaphore_mem>>
        %dma_wait3A_111 = tpu.memref_squeeze %dma_wait3A_110 : memref<1x!tpu.dma_semaphore, #tpu.memory_space<semaphore_mem>> -> memref<!tpu.dma_semaphore, #tpu.memory_space<semaphore_mem>>
        tpu.wait_indirect_dma semaphore(%dma_wait3A_111 : memref<!tpu.dma_semaphore, #tpu.memory_space<semaphore_mem>>) src(%dma_wait3A_109 : memref<10112x16xf32, #tpu.memory_space<hbm>>) dst(%dma_wait3A_103 : memref<112x16xf32, #tpu.memory_space<vmem>>)
        %dma_wait3A_112 = arith.constant 0 : i32
        %dma_wait3A_113 = arith.constant 0 : i32
        %dma_wait3A_114 = tpu.memref_slice %arg12[%sub3A_92, %dma_wait3A_112, %dma_wait3A_113] : memref<2x112x16xf32, #tpu.memory_space<vmem>> -> memref<1x112x16xf32, #tpu.memory_space<vmem>>
        %dma_wait3A_115 = tpu.memref_squeeze %dma_wait3A_114 : memref<1x112x16xf32, #tpu.memory_space<vmem>> -> memref<112x16xf32, #tpu.memory_space<vmem>>
        %dma_wait3A_116 = arith.constant 0 : i32
        %dma_wait3A_117 = tpu.memref_slice %arg10[%sub3A_92, %dma_wait3A_116] : memref<2x112xi32, #tpu.memory_space<vmem>> -> memref<1x112xi32, #tpu.memory_space<vmem>>
        %dma_wait3A_118 = tpu.memref_squeeze %dma_wait3A_117 : memref<1x112xi32, #tpu.memory_space<vmem>> -> memref<112xi32, #tpu.memory_space<vmem>>
        %dma_wait3A_119 = arith.constant 0 : i32
        %dma_wait3A_120 = arith.constant 0 : i32
        %dma_wait3A_121 = tpu.memref_slice %arg6[%dma_wait3A_119, %dma_wait3A_120] : memref<10112x16xf32, #tpu.memory_space<hbm>> -> memref<10112x16xf32, #tpu.memory_space<hbm>>
        %dma_wait3A_122 = tpu.memref_slice %arg19[%sub3A_92] : memref<2x!tpu.dma_semaphore, #tpu.memory_space<semaphore_mem>> -> memref<1x!tpu.dma_semaphore, #tpu.memory_space<semaphore_mem>>
        %dma_wait3A_123 = tpu.memref_squeeze %dma_wait3A_122 : memref<1x!tpu.dma_semaphore, #tpu.memory_space<semaphore_mem>> -> memref<!tpu.dma_semaphore, #tpu.memory_space<semaphore_mem>>
        tpu.wait_indirect_dma semaphore(%dma_wait3A_123 : memref<!tpu.dma_semaphore, #tpu.memory_space<semaphore_mem>>) src(%dma_wait3A_121 : memref<10112x16xf32, #tpu.memory_space<hbm>>) dst(%dma_wait3A_115 : memref<112x16xf32, #tpu.memory_space<vmem>>)
        %dma_wait3A_124 = arith.constant 0 : i32
        %dma_wait3A_125 = arith.constant 0 : i32
        %dma_wait3A_126 = tpu.memref_slice %arg13[%sub3A_92, %dma_wait3A_124, %dma_wait3A_125] : memref<2x112x128xf32, #tpu.memory_space<vmem>> -> memref<1x112x128xf32, #tpu.memory_space<vmem>>
        %dma_wait3A_127 = tpu.memref_squeeze %dma_wait3A_126 : memref<1x112x128xf32, #tpu.memory_space<vmem>> -> memref<112x128xf32, #tpu.memory_space<vmem>>
        %dma_wait3A_128 = arith.constant 0 : i32
        %dma_wait3A_129 = tpu.memref_slice %arg9[%sub3A_92, %dma_wait3A_128] : memref<2x112xi32, #tpu.memory_space<vmem>> -> memref<1x112xi32, #tpu.memory_space<vmem>>
        %dma_wait3A_130 = tpu.memref_squeeze %dma_wait3A_129 : memref<1x112xi32, #tpu.memory_space<vmem>> -> memref<112xi32, #tpu.memory_space<vmem>>
        %dma_wait3A_131 = arith.constant 0 : i32
        %dma_wait3A_132 = arith.constant 0 : i32
        %dma_wait3A_133 = tpu.memref_slice %arg4[%dma_wait3A_131, %dma_wait3A_132] : memref<10112x128xf32, #tpu.memory_space<hbm>> -> memref<10112x128xf32, #tpu.memory_space<hbm>>
        %dma_wait3A_134 = tpu.memref_slice %arg17[%sub3A_92] : memref<2x!tpu.dma_semaphore, #tpu.memory_space<semaphore_mem>> -> memref<1x!tpu.dma_semaphore, #tpu.memory_space<semaphore_mem>>
        %dma_wait3A_135 = tpu.memref_squeeze %dma_wait3A_134 : memref<1x!tpu.dma_semaphore, #tpu.memory_space<semaphore_mem>> -> memref<!tpu.dma_semaphore, #tpu.memory_space<semaphore_mem>>
        tpu.wait_indirect_dma semaphore(%dma_wait3A_135 : memref<!tpu.dma_semaphore, #tpu.memory_space<semaphore_mem>>) src(%dma_wait3A_133 : memref<10112x128xf32, #tpu.memory_space<hbm>>) dst(%dma_wait3A_127 : memref<112x128xf32, #tpu.memory_space<vmem>>)
        %scan3A_136 = arith.constant 0 : i32
        %scan3A_137 = arith.constant 0 : i32
        %scan3A_138 = arith.constant 112 : i32
        %scan3A_139 = arith.addi %scan3A_137, %scan3A_138 : i32
        %scan3A_140 = arith.constant 1 : i32
        %scan3A_141 = scf.for %scan3A_166 = %scan3A_137 to %scan3A_139 step %scan3A_140 iter_args(%scan3A_167 = %scan3A_136) -> (i32)  : i32 {
          %get3A = arith.index_cast %sub3A_92 : i32 to index
          %get3A_168 = arith.index_cast %scan3A_166 : i32 to index
          %get3A_169 = arith.constant 0 : index
          %get3A_170 = tpu.vector_load %arg11[%get3A, %get3A_168, %get3A_169] {strides = array<i32>} : memref<2x112x16xf32, #tpu.memory_space<vmem>>, vector<1x1x16xf32>,
          %get3A_171 = vector.shape_cast %get3A_170 : vector<1x1x16xf32> to vector<16xf32>
          %get3A_172 = arith.index_cast %sub3A_92 : i32 to index
          %get3A_173 = arith.index_cast %scan3A_166 : i32 to index
          %get3A_174 = arith.constant 0 : index
          %get3A_175 = tpu.vector_load %arg12[%get3A_172, %get3A_173, %get3A_174] {strides = array<i32>} : memref<2x112x16xf32, #tpu.memory_space<vmem>>, vector<1x1x16xf32>,
          %get3A_176 = vector.shape_cast %get3A_175 : vector<1x1x16xf32> to vector<16xf32>
          %add3A_177 = arith.addf %get3A_171, %get3A_176 : vector<16xf32>
          %ge3A_178 = arith.constant 0.000000e+00 : f32
          %ge3A_179 = vector.broadcast %ge3A_178 : f32 to vector<16xf32>
          %ge3A_180 = arith.cmpf oge, %add3A_177, %ge3A_179 : vector<16xf32>
          %mul3A_181 = arith.constant 2.000000e-01 : f32
          %mul3A_182 = vector.broadcast %mul3A_181 : f32 to vector<16xf32>
          %mul3A_183 = arith.mulf %mul3A_182, %add3A_177 : vector<16xf32>
          %select_n3A = arith.select %ge3A_180, %add3A_177, %mul3A_183 : vector<16xi1>, vector<16xf32>
          %exp3A = math.exp %select_n3A : vector<16xf32>
          %swap3A = arith.index_cast %sub3A_92 : i32 to index
          %swap3A_184 = arith.index_cast %scan3A_166 : i32 to index
          %swap3A_185 = arith.constant 0 : index
          %swap3A_186 = tpu.vector_load %arg11[%swap3A, %swap3A_184, %swap3A_185] {strides = array<i32>} : memref<2x112x16xf32, #tpu.memory_space<vmem>>, vector<1x1x16xf32>,
          %swap3A_187 = vector.shape_cast %swap3A_186 : vector<1x1x16xf32> to vector<16xf32>
          %swap3A_188 = vector.shape_cast %exp3A : vector<16xf32> to vector<1x1x16xf32>
          tpu.vector_store %arg11[%swap3A, %swap3A_184, %swap3A_185], %swap3A_188 {strides = array<i32>} : memref<2x112x16xf32, #tpu.memory_space<vmem>>, vector<1x1x16xf32>,
          %slice3A = vector.extract_strided_slice %exp3A {offsets = [0], sizes = [1], strides = [1]} : vector<16xf32> to vector<1xf32>
          %squeeze3A = vector.extract %slice3A[0] : f32 from vector<1xf32>
          %slice3A_189 = vector.extract_strided_slice %exp3A {offsets = [0], sizes = [1], strides = [1]} : vector<16xf32> to vector<1xf32>
          %squeeze3A_190 = vector.extract %slice3A_189[0] : f32 from vector<1xf32>
          %slice3A_191 = vector.extract_strided_slice %exp3A {offsets = [1], sizes = [1], strides = [1]} : vector<16xf32> to vector<1xf32>
          %squeeze3A_192 = vector.extract %slice3A_191[0] : f32 from vector<1xf32>
          %slice3A_193 = vector.extract_strided_slice %exp3A {offsets = [1], sizes = [1], strides = [1]} : vector<16xf32> to vector<1xf32>
          %squeeze3A_194 = vector.extract %slice3A_193[0] : f32 from vector<1xf32>
          %slice3A_195 = vector.extract_strided_slice %exp3A {offsets = [2], sizes = [1], strides = [1]} : vector<16xf32> to vector<1xf32>
          %squeeze3A_196 = vector.extract %slice3A_195[0] : f32 from vector<1xf32>
          %slice3A_197 = vector.extract_strided_slice %exp3A {offsets = [2], sizes = [1], strides = [1]} : vector<16xf32> to vector<1xf32>
          %squeeze3A_198 = vector.extract %slice3A_197[0] : f32 from vector<1xf32>
          %slice3A_199 = vector.extract_strided_slice %exp3A {offsets = [3], sizes = [1], strides = [1]} : vector<16xf32> to vector<1xf32>
          %squeeze3A_200 = vector.extract %slice3A_199[0] : f32 from vector<1xf32>
          %slice3A_201 = vector.extract_strided_slice %exp3A {offsets = [3], sizes = [1], strides = [1]} : vector<16xf32> to vector<1xf32>
          %squeeze3A_202 = vector.extract %slice3A_201[0] : f32 from vector<1xf32>
          %get3A_203 = arith.index_cast %sub3A_92 : i32 to index
          %get3A_204 = arith.index_cast %scan3A_166 : i32 to index
          %get3A_205 = arith.constant 0 : index
          %get3A_206 = tpu.vector_load %arg13[%get3A_203, %get3A_204, %get3A_205] {strides = array<i32>} : memref<2x112x128xf32, #tpu.memory_space<vmem>>, vector<1x1x16xf32>,
          %get3A_207 = vector.shape_cast %get3A_206 : vector<1x1x16xf32> to vector<16xf32>
          %mul3A_208 = vector.broadcast %squeeze3A : f32 to vector<16xf32>
          %mul3A_209 = arith.mulf %get3A_207, %mul3A_208 : vector<16xf32>
          %swap3A_210 = arith.index_cast %sub3A_92 : i32 to index
          %swap3A_211 = arith.index_cast %scan3A_166 : i32 to index
          %swap3A_212 = arith.constant 0 : index
          %swap3A_213 = tpu.vector_load %arg13[%swap3A_210, %swap3A_211, %swap3A_212] {strides = array<i32>} : memref<2x112x128xf32, #tpu.memory_space<vmem>>, vector<1x1x16xf32>,
          %swap3A_214 = vector.shape_cast %swap3A_213 : vector<1x1x16xf32> to vector<16xf32>
          %swap3A_215 = vector.shape_cast %mul3A_209 : vector<16xf32> to vector<1x1x16xf32>
          tpu.vector_store %arg13[%swap3A_210, %swap3A_211, %swap3A_212], %swap3A_215 {strides = array<i32>} : memref<2x112x128xf32, #tpu.memory_space<vmem>>, vector<1x1x16xf32>,
          %get3A_216 = arith.index_cast %sub3A_92 : i32 to index
          %get3A_217 = arith.index_cast %scan3A_166 : i32 to index
          %get3A_218 = arith.constant 16 : index
          %get3A_219 = tpu.vector_load %arg13[%get3A_216, %get3A_217, %get3A_218] {strides = array<i32>} : memref<2x112x128xf32, #tpu.memory_space<vmem>>, vector<1x1x16xf32>,
          %get3A_220 = vector.shape_cast %get3A_219 : vector<1x1x16xf32> to vector<16xf32>
          %mul3A_221 = vector.broadcast %squeeze3A_190 : f32 to vector<16xf32>
          %mul3A_222 = arith.mulf %get3A_220, %mul3A_221 : vector<16xf32>
          %swap3A_223 = arith.index_cast %sub3A_92 : i32 to index
          %swap3A_224 = arith.index_cast %scan3A_166 : i32 to index
          %swap3A_225 = arith.constant 16 : index
          %swap3A_226 = tpu.vector_load %arg13[%swap3A_223, %swap3A_224, %swap3A_225] {strides = array<i32>} : memref<2x112x128xf32, #tpu.memory_space<vmem>>, vector<1x1x16xf32>,
          %swap3A_227 = vector.shape_cast %swap3A_226 : vector<1x1x16xf32> to vector<16xf32>
          %swap3A_228 = vector.shape_cast %mul3A_222 : vector<16xf32> to vector<1x1x16xf32>
          tpu.vector_store %arg13[%swap3A_223, %swap3A_224, %swap3A_225], %swap3A_228 {strides = array<i32>} : memref<2x112x128xf32, #tpu.memory_space<vmem>>, vector<1x1x16xf32>,
          %get3A_229 = arith.index_cast %sub3A_92 : i32 to index
          %get3A_230 = arith.index_cast %scan3A_166 : i32 to index
          %get3A_231 = arith.constant 32 : index
          %get3A_232 = tpu.vector_load %arg13[%get3A_229, %get3A_230, %get3A_231] {strides = array<i32>} : memref<2x112x128xf32, #tpu.memory_space<vmem>>, vector<1x1x16xf32>,
          %get3A_233 = vector.shape_cast %get3A_232 : vector<1x1x16xf32> to vector<16xf32>
          %mul3A_234 = vector.broadcast %squeeze3A_192 : f32 to vector<16xf32>
          %mul3A_235 = arith.mulf %get3A_233, %mul3A_234 : vector<16xf32>
          %swap3A_236 = arith.index_cast %sub3A_92 : i32 to index
          %swap3A_237 = arith.index_cast %scan3A_166 : i32 to index
          %swap3A_238 = arith.constant 32 : index
          %swap3A_239 = tpu.vector_load %arg13[%swap3A_236, %swap3A_237, %swap3A_238] {strides = array<i32>} : memref<2x112x128xf32, #tpu.memory_space<vmem>>, vector<1x1x16xf32>,
          %swap3A_240 = vector.shape_cast %swap3A_239 : vector<1x1x16xf32> to vector<16xf32>
          %swap3A_241 = vector.shape_cast %mul3A_235 : vector<16xf32> to vector<1x1x16xf32>
          tpu.vector_store %arg13[%swap3A_236, %swap3A_237, %swap3A_238], %swap3A_241 {strides = array<i32>} : memref<2x112x128xf32, #tpu.memory_space<vmem>>, vector<1x1x16xf32>,
          %get3A_242 = arith.index_cast %sub3A_92 : i32 to index
          %get3A_243 = arith.index_cast %scan3A_166 : i32 to index
          %get3A_244 = arith.constant 48 : index
          %get3A_245 = tpu.vector_load %arg13[%get3A_242, %get3A_243, %get3A_244] {strides = array<i32>} : memref<2x112x128xf32, #tpu.memory_space<vmem>>, vector<1x1x16xf32>,
          %get3A_246 = vector.shape_cast %get3A_245 : vector<1x1x16xf32> to vector<16xf32>
          %mul3A_247 = vector.broadcast %squeeze3A_194 : f32 to vector<16xf32>
          %mul3A_248 = arith.mulf %get3A_246, %mul3A_247 : vector<16xf32>
          %swap3A_249 = arith.index_cast %sub3A_92 : i32 to index
          %swap3A_250 = arith.index_cast %scan3A_166 : i32 to index
          %swap3A_251 = arith.constant 48 : index
          %swap3A_252 = tpu.vector_load %arg13[%swap3A_249, %swap3A_250, %swap3A_251] {strides = array<i32>} : memref<2x112x128xf32, #tpu.memory_space<vmem>>, vector<1x1x16xf32>,
          %swap3A_253 = vector.shape_cast %swap3A_252 : vector<1x1x16xf32> to vector<16xf32>
          %swap3A_254 = vector.shape_cast %mul3A_248 : vector<16xf32> to vector<1x1x16xf32>
          tpu.vector_store %arg13[%swap3A_249, %swap3A_250, %swap3A_251], %swap3A_254 {strides = array<i32>} : memref<2x112x128xf32, #tpu.memory_space<vmem>>, vector<1x1x16xf32>,
          %get3A_255 = arith.index_cast %sub3A_92 : i32 to index
          %get3A_256 = arith.index_cast %scan3A_166 : i32 to index
          %get3A_257 = arith.constant 64 : index
          %get3A_258 = tpu.vector_load %arg13[%get3A_255, %get3A_256, %get3A_257] {strides = array<i32>} : memref<2x112x128xf32, #tpu.memory_space<vmem>>, vector<1x1x16xf32>,
          %get3A_259 = vector.shape_cast %get3A_258 : vector<1x1x16xf32> to vector<16xf32>
          %mul3A_260 = vector.broadcast %squeeze3A_196 : f32 to vector<16xf32>
          %mul3A_261 = arith.mulf %get3A_259, %mul3A_260 : vector<16xf32>
          %swap3A_262 = arith.index_cast %sub3A_92 : i32 to index
          %swap3A_263 = arith.index_cast %scan3A_166 : i32 to index
          %swap3A_264 = arith.constant 64 : index
          %swap3A_265 = tpu.vector_load %arg13[%swap3A_262, %swap3A_263, %swap3A_264] {strides = array<i32>} : memref<2x112x128xf32, #tpu.memory_space<vmem>>, vector<1x1x16xf32>,
          %swap3A_266 = vector.shape_cast %swap3A_265 : vector<1x1x16xf32> to vector<16xf32>
          %swap3A_267 = vector.shape_cast %mul3A_261 : vector<16xf32> to vector<1x1x16xf32>
          tpu.vector_store %arg13[%swap3A_262, %swap3A_263, %swap3A_264], %swap3A_267 {strides = array<i32>} : memref<2x112x128xf32, #tpu.memory_space<vmem>>, vector<1x1x16xf32>,
          %get3A_268 = arith.index_cast %sub3A_92 : i32 to index
          %get3A_269 = arith.index_cast %scan3A_166 : i32 to index
          %get3A_270 = arith.constant 80 : index
          %get3A_271 = tpu.vector_load %arg13[%get3A_268, %get3A_269, %get3A_270] {strides = array<i32>} : memref<2x112x128xf32, #tpu.memory_space<vmem>>, vector<1x1x16xf32>,
          %get3A_272 = vector.shape_cast %get3A_271 : vector<1x1x16xf32> to vector<16xf32>
          %mul3A_273 = vector.broadcast %squeeze3A_198 : f32 to vector<16xf32>
          %mul3A_274 = arith.mulf %get3A_272, %mul3A_273 : vector<16xf32>
          %swap3A_275 = arith.index_cast %sub3A_92 : i32 to index
          %swap3A_276 = arith.index_cast %scan3A_166 : i32 to index
          %swap3A_277 = arith.constant 80 : index
          %swap3A_278 = tpu.vector_load %arg13[%swap3A_275, %swap3A_276, %swap3A_277] {strides = array<i32>} : memref<2x112x128xf32, #tpu.memory_space<vmem>>, vector<1x1x16xf32>,
          %swap3A_279 = vector.shape_cast %swap3A_278 : vector<1x1x16xf32> to vector<16xf32>
          %swap3A_280 = vector.shape_cast %mul3A_274 : vector<16xf32> to vector<1x1x16xf32>
          tpu.vector_store %arg13[%swap3A_275, %swap3A_276, %swap3A_277], %swap3A_280 {strides = array<i32>} : memref<2x112x128xf32, #tpu.memory_space<vmem>>, vector<1x1x16xf32>,
          %get3A_281 = arith.index_cast %sub3A_92 : i32 to index
          %get3A_282 = arith.index_cast %scan3A_166 : i32 to index
          %get3A_283 = arith.constant 96 : index
          %get3A_284 = tpu.vector_load %arg13[%get3A_281, %get3A_282, %get3A_283] {strides = array<i32>} : memref<2x112x128xf32, #tpu.memory_space<vmem>>, vector<1x1x16xf32>,
          %get3A_285 = vector.shape_cast %get3A_284 : vector<1x1x16xf32> to vector<16xf32>
          %mul3A_286 = vector.broadcast %squeeze3A_200 : f32 to vector<16xf32>
          %mul3A_287 = arith.mulf %get3A_285, %mul3A_286 : vector<16xf32>
          %swap3A_288 = arith.index_cast %sub3A_92 : i32 to index
          %swap3A_289 = arith.index_cast %scan3A_166 : i32 to index
          %swap3A_290 = arith.constant 96 : index
          %swap3A_291 = tpu.vector_load %arg13[%swap3A_288, %swap3A_289, %swap3A_290] {strides = array<i32>} : memref<2x112x128xf32, #tpu.memory_space<vmem>>, vector<1x1x16xf32>,
          %swap3A_292 = vector.shape_cast %swap3A_291 : vector<1x1x16xf32> to vector<16xf32>
          %swap3A_293 = vector.shape_cast %mul3A_287 : vector<16xf32> to vector<1x1x16xf32>
          tpu.vector_store %arg13[%swap3A_288, %swap3A_289, %swap3A_290], %swap3A_293 {strides = array<i32>} : memref<2x112x128xf32, #tpu.memory_space<vmem>>, vector<1x1x16xf32>,
          %get3A_294 = arith.index_cast %sub3A_92 : i32 to index
          %get3A_295 = arith.index_cast %scan3A_166 : i32 to index
          %get3A_296 = arith.constant 112 : index
          %get3A_297 = tpu.vector_load %arg13[%get3A_294, %get3A_295, %get3A_296] {strides = array<i32>} : memref<2x112x128xf32, #tpu.memory_space<vmem>>, vector<1x1x16xf32>,
          %get3A_298 = vector.shape_cast %get3A_297 : vector<1x1x16xf32> to vector<16xf32>
          %mul3A_299 = vector.broadcast %squeeze3A_202 : f32 to vector<16xf32>
          %mul3A_300 = arith.mulf %get3A_298, %mul3A_299 : vector<16xf32>
          %swap3A_301 = arith.index_cast %sub3A_92 : i32 to index
          %swap3A_302 = arith.index_cast %scan3A_166 : i32 to index
          %swap3A_303 = arith.constant 112 : index
          %swap3A_304 = tpu.vector_load %arg13[%swap3A_301, %swap3A_302, %swap3A_303] {strides = array<i32>} : memref<2x112x128xf32, #tpu.memory_space<vmem>>, vector<1x1x16xf32>,
          %swap3A_305 = vector.shape_cast %swap3A_304 : vector<1x1x16xf32> to vector<16xf32>
          %swap3A_306 = vector.shape_cast %mul3A_300 : vector<16xf32> to vector<1x1x16xf32>
          tpu.vector_store %arg13[%swap3A_301, %swap3A_302, %swap3A_303], %swap3A_306 {strides = array<i32>} : memref<2x112x128xf32, #tpu.memory_space<vmem>>, vector<1x1x16xf32>,
          %scan3A_307 = arith.constant 0 : i32
          scf.yield %scan3A_307 : i32
        }
        %scan3A_142 = arith.constant 112 : i32
        %dma_start3A = arith.constant 0 : i32
        %dma_start3A_143 = arith.constant 0 : i32
        %dma_start3A_144 = tpu.memref_slice %arg13[%sub3A_92, %dma_start3A, %dma_start3A_143] : memref<2x112x128xf32, #tpu.memory_space<vmem>> -> memref<1x112x128xf32, #tpu.memory_space<vmem>>
        %dma_start3A_145 = tpu.memref_squeeze %dma_start3A_144 : memref<1x112x128xf32, #tpu.memory_space<vmem>> -> memref<112x128xf32, #tpu.memory_space<vmem>>
        %dma_start3A_146 = arith.constant 0 : i32
        %dma_start3A_147 = tpu.memref_slice %arg10[%sub3A_92, %dma_start3A_146] : memref<2x112xi32, #tpu.memory_space<vmem>> -> memref<1x112xi32, #tpu.memory_space<vmem>>
        %dma_start3A_148 = tpu.memref_squeeze %dma_start3A_147 : memref<1x112xi32, #tpu.memory_space<vmem>> -> memref<112xi32, #tpu.memory_space<vmem>>
        %dma_start3A_149 = arith.constant 0 : i32
        %dma_start3A_150 = arith.constant 0 : i32
        %dma_start3A_151 = tpu.memref_slice %arg15[%dma_start3A_149, %dma_start3A_150] : memref<10112x128xf32, #tpu.memory_space<vmem_shared>> -> memref<10112x128xf32, #tpu.memory_space<vmem_shared>>
        %dma_start3A_152 = tpu.memref_slice %arg20[%sub3A_92] : memref<2x!tpu.dma_semaphore, #tpu.memory_space<semaphore_mem>> -> memref<1x!tpu.dma_semaphore, #tpu.memory_space<semaphore_mem>>
        %dma_start3A_153 = tpu.memref_squeeze %dma_start3A_152 : memref<1x!tpu.dma_semaphore, #tpu.memory_space<semaphore_mem>> -> memref<!tpu.dma_semaphore, #tpu.memory_space<semaphore_mem>>
        tpu.enqueue_indirect_dma source(%dma_start3A_145 : memref<112x128xf32, #tpu.memory_space<vmem>>) target(%dma_start3A_151 : memref<10112x128xf32, #tpu.memory_space<vmem_shared>>) offsets(%dma_start3A_148 : memref<112xi32, #tpu.memory_space<vmem>>) semaphore(%dma_start3A_153 : memref<!tpu.dma_semaphore, #tpu.memory_space<semaphore_mem>>) {add = true}
        %dma_start3A_154 = arith.constant 0 : i32
        %dma_start3A_155 = arith.constant 0 : i32
        %dma_start3A_156 = tpu.memref_slice %arg11[%sub3A_92, %dma_start3A_154, %dma_start3A_155] : memref<2x112x16xf32, #tpu.memory_space<vmem>> -> memref<1x112x16xf32, #tpu.memory_space<vmem>>
        %dma_start3A_157 = tpu.memref_squeeze %dma_start3A_156 : memref<1x112x16xf32, #tpu.memory_space<vmem>> -> memref<112x16xf32, #tpu.memory_space<vmem>>
        %dma_start3A_158 = arith.constant 0 : i32
        %dma_start3A_159 = tpu.memref_slice %arg10[%sub3A_92, %dma_start3A_158] : memref<2x112xi32, #tpu.memory_space<vmem>> -> memref<1x112xi32, #tpu.memory_space<vmem>>
        %dma_start3A_160 = tpu.memref_squeeze %dma_start3A_159 : memref<1x112xi32, #tpu.memory_space<vmem>> -> memref<112xi32, #tpu.memory_space<vmem>>
        %dma_start3A_161 = arith.constant 0 : i32
        %dma_start3A_162 = arith.constant 0 : i32
        %dma_start3A_163 = tpu.memref_slice %arg16[%dma_start3A_161, %dma_start3A_162] : memref<10112x16xf32, #tpu.memory_space<vmem_shared>> -> memref<10112x16xf32, #tpu.memory_space<vmem_shared>>
        %dma_start3A_164 = tpu.memref_slice %arg21[%sub3A_92] : memref<2x!tpu.dma_semaphore, #tpu.memory_space<semaphore_mem>> -> memref<1x!tpu.dma_semaphore, #tpu.memory_space<semaphore_mem>>
        %dma_start3A_165 = tpu.memref_squeeze %dma_start3A_164 : memref<1x!tpu.dma_semaphore, #tpu.memory_space<semaphore_mem>> -> memref<!tpu.dma_semaphore, #tpu.memory_space<semaphore_mem>>
        tpu.enqueue_indirect_dma source(%dma_start3A_157 : memref<112x16xf32, #tpu.memory_space<vmem>>) target(%dma_start3A_163 : memref<10112x16xf32, #tpu.memory_space<vmem_shared>>) offsets(%dma_start3A_160 : memref<112xi32, #tpu.memory_space<vmem>>) semaphore(%dma_start3A_165 : memref<!tpu.dma_semaphore, #tpu.memory_space<semaphore_mem>>) {add = true}
      } else {
      }
      %scan3A_99 = arith.constant 0 : i32
      scf.yield %scan3A_99 : i32
    }
    %scan3A_28 = arith.constant 94 : i32
    %dma_wait3A = arith.constant 0 : i32
    %dma_wait3A_29 = arith.constant 0 : i32
    %dma_wait3A_30 = arith.constant 0 : i32
    %dma_wait3A_31 = arith.constant 0 : i32
    %dma_wait3A_32 = arith.constant 0 : i32
    %dma_wait3A_33 = tpu.memref_slice %arg13[%dma_wait3A, %dma_wait3A_31, %dma_wait3A_32] : memref<2x112x128xf32, #tpu.memory_space<vmem>> -> memref<1x112x128xf32, #tpu.memory_space<vmem>>
    %dma_wait3A_34 = tpu.memref_squeeze %dma_wait3A_33 : memref<1x112x128xf32, #tpu.memory_space<vmem>> -> memref<112x128xf32, #tpu.memory_space<vmem>>
    %dma_wait3A_35 = arith.constant 0 : i32
    %dma_wait3A_36 = tpu.memref_slice %arg10[%dma_wait3A_29, %dma_wait3A_35] : memref<2x112xi32, #tpu.memory_space<vmem>> -> memref<1x112xi32, #tpu.memory_space<vmem>>
    %dma_wait3A_37 = tpu.memref_squeeze %dma_wait3A_36 : memref<1x112xi32, #tpu.memory_space<vmem>> -> memref<112xi32, #tpu.memory_space<vmem>>
    %dma_wait3A_38 = arith.constant 0 : i32
    %dma_wait3A_39 = arith.constant 0 : i32
    %dma_wait3A_40 = tpu.memref_slice %arg15[%dma_wait3A_38, %dma_wait3A_39] : memref<10112x128xf32, #tpu.memory_space<vmem_shared>> -> memref<10112x128xf32, #tpu.memory_space<vmem_shared>>
    %dma_wait3A_41 = tpu.memref_slice %arg20[%dma_wait3A_30] : memref<2x!tpu.dma_semaphore, #tpu.memory_space<semaphore_mem>> -> memref<1x!tpu.dma_semaphore, #tpu.memory_space<semaphore_mem>>
    %dma_wait3A_42 = tpu.memref_squeeze %dma_wait3A_41 : memref<1x!tpu.dma_semaphore, #tpu.memory_space<semaphore_mem>> -> memref<!tpu.dma_semaphore, #tpu.memory_space<semaphore_mem>>
    tpu.wait_indirect_dma semaphore(%dma_wait3A_42 : memref<!tpu.dma_semaphore, #tpu.memory_space<semaphore_mem>>) src(%dma_wait3A_34 : memref<112x128xf32, #tpu.memory_space<vmem>>) dst(%dma_wait3A_40 : memref<10112x128xf32, #tpu.memory_space<vmem_shared>>)
    %dma_wait3A_43 = arith.constant 0 : i32
    %dma_wait3A_44 = arith.constant 0 : i32
    %dma_wait3A_45 = arith.constant 0 : i32
    %dma_wait3A_46 = arith.constant 0 : i32
    %dma_wait3A_47 = arith.constant 0 : i32
    %dma_wait3A_48 = tpu.memref_slice %arg11[%dma_wait3A_43, %dma_wait3A_46, %dma_wait3A_47] : memref<2x112x16xf32, #tpu.memory_space<vmem>> -> memref<1x112x16xf32, #tpu.memory_space<vmem>>
    %dma_wait3A_49 = tpu.memref_squeeze %dma_wait3A_48 : memref<1x112x16xf32, #tpu.memory_space<vmem>> -> memref<112x16xf32, #tpu.memory_space<vmem>>
    %dma_wait3A_50 = arith.constant 0 : i32
    %dma_wait3A_51 = tpu.memref_slice %arg10[%dma_wait3A_44, %dma_wait3A_50] : memref<2x112xi32, #tpu.memory_space<vmem>> -> memref<1x112xi32, #tpu.memory_space<vmem>>
    %dma_wait3A_52 = tpu.memref_squeeze %dma_wait3A_51 : memref<1x112xi32, #tpu.memory_space<vmem>> -> memref<112xi32, #tpu.memory_space<vmem>>
    %dma_wait3A_53 = arith.constant 0 : i32
    %dma_wait3A_54 = arith.constant 0 : i32
    %dma_wait3A_55 = tpu.memref_slice %arg16[%dma_wait3A_53, %dma_wait3A_54] : memref<10112x16xf32, #tpu.memory_space<vmem_shared>> -> memref<10112x16xf32, #tpu.memory_space<vmem_shared>>
    %dma_wait3A_56 = tpu.memref_slice %arg21[%dma_wait3A_45] : memref<2x!tpu.dma_semaphore, #tpu.memory_space<semaphore_mem>> -> memref<1x!tpu.dma_semaphore, #tpu.memory_space<semaphore_mem>>
    %dma_wait3A_57 = tpu.memref_squeeze %dma_wait3A_56 : memref<1x!tpu.dma_semaphore, #tpu.memory_space<semaphore_mem>> -> memref<!tpu.dma_semaphore, #tpu.memory_space<semaphore_mem>>
    tpu.wait_indirect_dma semaphore(%dma_wait3A_57 : memref<!tpu.dma_semaphore, #tpu.memory_space<semaphore_mem>>) src(%dma_wait3A_49 : memref<112x16xf32, #tpu.memory_space<vmem>>) dst(%dma_wait3A_55 : memref<10112x16xf32, #tpu.memory_space<vmem_shared>>)
    %dma_wait3A_58 = arith.constant 1 : i32
    %dma_wait3A_59 = arith.constant 1 : i32
    %dma_wait3A_60 = arith.constant 1 : i32
    %dma_wait3A_61 = arith.constant 0 : i32
    %dma_wait3A_62 = arith.constant 0 : i32
    %dma_wait3A_63 = tpu.memref_slice %arg13[%dma_wait3A_58, %dma_wait3A_61, %dma_wait3A_62] : memref<2x112x128xf32, #tpu.memory_space<vmem>> -> memref<1x112x128xf32, #tpu.memory_space<vmem>>
    %dma_wait3A_64 = tpu.memref_squeeze %dma_wait3A_63 : memref<1x112x128xf32, #tpu.memory_space<vmem>> -> memref<112x128xf32, #tpu.memory_space<vmem>>
    %dma_wait3A_65 = arith.constant 0 : i32
    %dma_wait3A_66 = tpu.memref_slice %arg10[%dma_wait3A_59, %dma_wait3A_65] : memref<2x112xi32, #tpu.memory_space<vmem>> -> memref<1x112xi32, #tpu.memory_space<vmem>>
    %dma_wait3A_67 = tpu.memref_squeeze %dma_wait3A_66 : memref<1x112xi32, #tpu.memory_space<vmem>> -> memref<112xi32, #tpu.memory_space<vmem>>
    %dma_wait3A_68 = arith.constant 0 : i32
    %dma_wait3A_69 = arith.constant 0 : i32
    %dma_wait3A_70 = tpu.memref_slice %arg15[%dma_wait3A_68, %dma_wait3A_69] : memref<10112x128xf32, #tpu.memory_space<vmem_shared>> -> memref<10112x128xf32, #tpu.memory_space<vmem_shared>>
    %dma_wait3A_71 = tpu.memref_slice %arg20[%dma_wait3A_60] : memref<2x!tpu.dma_semaphore, #tpu.memory_space<semaphore_mem>> -> memref<1x!tpu.dma_semaphore, #tpu.memory_space<semaphore_mem>>
    %dma_wait3A_72 = tpu.memref_squeeze %dma_wait3A_71 : memref<1x!tpu.dma_semaphore, #tpu.memory_space<semaphore_mem>> -> memref<!tpu.dma_semaphore, #tpu.memory_space<semaphore_mem>>
    tpu.wait_indirect_dma semaphore(%dma_wait3A_72 : memref<!tpu.dma_semaphore, #tpu.memory_space<semaphore_mem>>) src(%dma_wait3A_64 : memref<112x128xf32, #tpu.memory_space<vmem>>) dst(%dma_wait3A_70 : memref<10112x128xf32, #tpu.memory_space<vmem_shared>>)
    %dma_wait3A_73 = arith.constant 1 : i32
    %dma_wait3A_74 = arith.constant 1 : i32
    %dma_wait3A_75 = arith.constant 1 : i32
    %dma_wait3A_76 = arith.constant 0 : i32
    %dma_wait3A_77 = arith.constant 0 : i32
    %dma_wait3A_78 = tpu.memref_slice %arg11[%dma_wait3A_73, %dma_wait3A_76, %dma_wait3A_77] : memref<2x112x16xf32, #tpu.memory_space<vmem>> -> memref<1x112x16xf32, #tpu.memory_space<vmem>>
    %dma_wait3A_79 = tpu.memref_squeeze %dma_wait3A_78 : memref<1x112x16xf32, #tpu.memory_space<vmem>> -> memref<112x16xf32, #tpu.memory_space<vmem>>
    %dma_wait3A_80 = arith.constant 0 : i32
    %dma_wait3A_81 = tpu.memref_slice %arg10[%dma_wait3A_74, %dma_wait3A_80] : memref<2x112xi32, #tpu.memory_space<vmem>> -> memref<1x112xi32, #tpu.memory_space<vmem>>
    %dma_wait3A_82 = tpu.memref_squeeze %dma_wait3A_81 : memref<1x112xi32, #tpu.memory_space<vmem>> -> memref<112xi32, #tpu.memory_space<vmem>>
    %dma_wait3A_83 = arith.constant 0 : i32
    %dma_wait3A_84 = arith.constant 0 : i32
    %dma_wait3A_85 = tpu.memref_slice %arg16[%dma_wait3A_83, %dma_wait3A_84] : memref<10112x16xf32, #tpu.memory_space<vmem_shared>> -> memref<10112x16xf32, #tpu.memory_space<vmem_shared>>
    %dma_wait3A_86 = tpu.memref_slice %arg21[%dma_wait3A_75] : memref<2x!tpu.dma_semaphore, #tpu.memory_space<semaphore_mem>> -> memref<1x!tpu.dma_semaphore, #tpu.memory_space<semaphore_mem>>
    %dma_wait3A_87 = tpu.memref_squeeze %dma_wait3A_86 : memref<1x!tpu.dma_semaphore, #tpu.memory_space<semaphore_mem>> -> memref<!tpu.dma_semaphore, #tpu.memory_space<semaphore_mem>>
    tpu.wait_indirect_dma semaphore(%dma_wait3A_87 : memref<!tpu.dma_semaphore, #tpu.memory_space<semaphore_mem>>) src(%dma_wait3A_79 : memref<112x16xf32, #tpu.memory_space<vmem>>) dst(%dma_wait3A_85 : memref<10112x16xf32, #tpu.memory_space<vmem_shared>>)
    %barrier3A_88 = arith.constant 0 : index
    tpu.barrier barrier_id(%barrier3A_88)
    "tpu.region"() ({
      %run_scoped3A_89 = tpu.sem_alloc : memref<!tpu.dma_semaphore, #tpu.memory_space<semaphore_mem>>
      %dma_start3A = arith.constant 0 : i32
      %dma_start3A_90 = tpu.memref_slice %arg7[%arg0, %mul3A_2, %dma_start3A] : memref<2x10112x128xf32, #tpu.memory_space<hbm>> -> memref<1x632x128xf32, #tpu.memory_space<hbm>>
      %dma_start3A_91 = tpu.memref_squeeze %dma_start3A_90 : memref<1x632x128xf32, #tpu.memory_space<hbm>> -> memref<632x128xf32, #tpu.memory_space<hbm>>
      %dma_start3A_92 = arith.constant 0 : i32
      %dma_start3A_93 = tpu.memref_slice %arg15[%mul3A_2, %dma_start3A_92] : memref<10112x128xf32, #tpu.memory_space<vmem_shared>> -> memref<632x128xf32, #tpu.memory_space<vmem_shared>>
      tpu.enqueue_dma source(%dma_start3A_93 : memref<632x128xf32, #tpu.memory_space<vmem_shared>>) target(%dma_start3A_91 : memref<632x128xf32, #tpu.memory_space<hbm>>) target_semaphore(%run_scoped3A_89 : memref<!tpu.dma_semaphore, #tpu.memory_space<semaphore_mem>>)
      %dma_wait3A_94 = arith.constant 0 : i32
      %dma_wait3A_95 = tpu.memref_slice %arg7[%arg0, %mul3A_2, %dma_wait3A_94] : memref<2x10112x128xf32, #tpu.memory_space<hbm>> -> memref<1x632x128xf32, #tpu.memory_space<hbm>>
      %dma_wait3A_96 = tpu.memref_squeeze %dma_wait3A_95 : memref<1x632x128xf32, #tpu.memory_space<hbm>> -> memref<632x128xf32, #tpu.memory_space<hbm>>
      %dma_wait3A_97 = arith.constant 0 : i32
      %dma_wait3A_98 = tpu.memref_slice %arg15[%mul3A_2, %dma_wait3A_97] : memref<10112x128xf32, #tpu.memory_space<vmem_shared>> -> memref<632x128xf32, #tpu.memory_space<vmem_shared>>
      tpu.wait_dma2 semaphore(%run_scoped3A_89 : memref<!tpu.dma_semaphore, #tpu.memory_space<semaphore_mem>>) src(%dma_wait3A_98 : memref<632x128xf32, #tpu.memory_space<vmem_shared>>) dst(%dma_wait3A_96 : memref<632x128xf32, #tpu.memory_space<hbm>>)
      tpu.yield
    }) : () -> ()
    "tpu.region"() ({
      %run_scoped3A_89 = tpu.sem_alloc : memref<!tpu.dma_semaphore, #tpu.memory_space<semaphore_mem>>
      %dma_start3A = arith.constant 0 : i32
      %dma_start3A_90 = tpu.memref_slice %arg8[%arg0, %mul3A_2, %dma_start3A] : memref<2x10112x16xf32, #tpu.memory_space<hbm>> -> memref<1x632x16xf32, #tpu.memory_space<hbm>>
      %dma_start3A_91 = tpu.memref_squeeze %dma_start3A_90 : memref<1x632x16xf32, #tpu.memory_space<hbm>> -> memref<632x16xf32, #tpu.memory_space<hbm>>
      %dma_start3A_92 = arith.constant 0 : i32
      %dma_start3A_93 = tpu.memref_slice %arg16[%mul3A_2, %dma_start3A_92] : memref<10112x16xf32, #tpu.memory_space<vmem_shared>> -> memref<632x16xf32, #tpu.memory_space<vmem_shared>>
      tpu.enqueue_dma source(%dma_start3A_93 : memref<632x16xf32, #tpu.memory_space<vmem_shared>>) target(%dma_start3A_91 : memref<632x16xf32, #tpu.memory_space<hbm>>) target_semaphore(%run_scoped3A_89 : memref<!tpu.dma_semaphore, #tpu.memory_space<semaphore_mem>>)
      %dma_wait3A_94 = arith.constant 0 : i32
      %dma_wait3A_95 = tpu.memref_slice %arg8[%arg0, %mul3A_2, %dma_wait3A_94] : memref<2x10112x16xf32, #tpu.memory_space<hbm>> -> memref<1x632x16xf32, #tpu.memory_space<hbm>>
      %dma_wait3A_96 = tpu.memref_squeeze %dma_wait3A_95 : memref<1x632x16xf32, #tpu.memory_space<hbm>> -> memref<632x16xf32, #tpu.memory_space<hbm>>
      %dma_wait3A_97 = arith.constant 0 : i32
      %dma_wait3A_98 = tpu.memref_slice %arg16[%mul3A_2, %dma_wait3A_97] : memref<10112x16xf32, #tpu.memory_space<vmem_shared>> -> memref<632x16xf32, #tpu.memory_space<vmem_shared>>
      tpu.wait_dma2 semaphore(%run_scoped3A_89 : memref<!tpu.dma_semaphore, #tpu.memory_space<semaphore_mem>>) src(%dma_wait3A_98 : memref<632x16xf32, #tpu.memory_space<vmem_shared>>) dst(%dma_wait3A_96 : memref<632x16xf32, #tpu.memory_space<hbm>>)
      tpu.yield
    }) : () -> ()
    return
  }
}

#map = affine_map<(d0, d1) -> (0)>
#map1 = affine_map<(d0, d1) -> (0, 0)>
#map2 = affine_map<(d0, d1) -> (0, 0, 0)>
module attributes {stable_mosaic.version = 14 : i64} {
  func.func @body_wrap(%arg0: i32, %arg1: i32, %arg2: memref<333312xi32, #tpu.memory_space<hbm>>, %arg3: memref<333312xi32, #tpu.memory_space<hbm>>, %arg4: memref<10112x128xf32, #tpu.memory_space<hbm>>, %arg5: memref<10112x16xf32, #tpu.memory_space<hbm>>, %arg6: memref<10112x16xf32, #tpu.memory_space<hbm>>, %arg7: memref<2x10112x128xf32, #tpu.memory_space<hbm>>, %arg8: memref<2x10112x16xf32, #tpu.memory_space<hbm>>, %arg9: memref<2x112xi32, #tpu.memory_space<vmem>>, %arg10: memref<2x112xi32, #tpu.memory_space<vmem>>, %arg11: memref<2x112x16xf32, #tpu.memory_space<vmem>>, %arg12: memref<2x112x16xf32, #tpu.memory_space<vmem>>, %arg13: memref<2x112x128xf32, #tpu.memory_space<vmem>>, %arg14: memref<112x16xf32, #tpu.memory_space<vmem>>, %arg15: memref<10112x128xf32, #tpu.memory_space<vmem_shared>>, %arg16: memref<10112x16xf32, #tpu.memory_space<vmem_shared>>, %arg17: memref<2x!tpu.dma_semaphore, #tpu.memory_space<semaphore_mem>>, %arg18: memref<2x!tpu.dma_semaphore, #tpu.memory_space<semaphore_mem>>, %arg19: memref<2x!tpu.dma_semaphore, #tpu.memory_space<semaphore_mem>>, %arg20: memref<2x!tpu.dma_semaphore, #tpu.memory_space<semaphore_mem>>, %arg21: memref<2x!tpu.dma_semaphore, #tpu.memory_space<semaphore_mem>>) attributes {dimension_semantics = [#tpu.dimension_semantics<core_parallel>, #tpu.dimension_semantics<subcore_parallel>], iteration_bounds = array<i64: 2, 16>, scalar_prefetch = 0 : i64, scratch_operands = 13 : i64, tpu.core_type = #tpu.core_type<sc_vector_subcore>, window_params = [{transform_indices = #map}, {transform_indices = #map}, {transform_indices = #map1}, {transform_indices = #map1}, {transform_indices = #map1}, {transform_indices = #map2}, {transform_indices = #map2}]} {
    %mul3A = arith.constant 2 : i32
    %mul3A_0 = arith.muli %arg1, %mul3A : i32
    %add3A = arith.addi %mul3A_0, %arg0 : i32
    %mul3A_1 = arith.constant 632 : i32
    %mul3A_2 = arith.muli %arg1, %mul3A_1 : i32
    %mul3A_3 = arith.constant 10416 : i32
    %mul3A_4 = arith.muli %add3A, %mul3A_3 : i32
    %scan3A = arith.constant 0 : i32
    %scan3A_5 = arith.constant 0 : i32
    %scan3A_6 = arith.constant 112 : i32
    %scan3A_7 = arith.addi %scan3A_5, %scan3A_6 : i32
    %scan3A_8 = arith.constant 1 : i32
    %scan3A_9 = scf.for %scan3A_89 = %scan3A_5 to %scan3A_7 step %scan3A_8 iter_args(%scan3A_90 = %scan3A) -> (i32)  : i32 {
      %broadcast_in_dim3A = arith.constant 0.000000e+00 : f32
      %broadcast_in_dim3A_91 = vector.broadcast %broadcast_in_dim3A : f32 to vector<16xf32>
      %swap3A = arith.constant 0 : i32
      %swap3A_92 = arith.index_cast %swap3A : i32 to index
      %swap3A_93 = arith.index_cast %scan3A_89 : i32 to index
      %swap3A_94 = arith.constant 0 : index
      %swap3A_95 = tpu.vector_load %arg13[%swap3A_92, %swap3A_93, %swap3A_94] {strides = array<i32>} : memref<2x112x128xf32, #tpu.memory_space<vmem>>, vector<1x1x16xf32>,
      %swap3A_96 = vector.shape_cast %swap3A_95 : vector<1x1x16xf32> to vector<16xf32>
      %swap3A_97 = vector.shape_cast %broadcast_in_dim3A_91 : vector<16xf32> to vector<1x1x16xf32>
      tpu.vector_store %arg13[%swap3A_92, %swap3A_93, %swap3A_94], %swap3A_97 {strides = array<i32>} : memref<2x112x128xf32, #tpu.memory_space<vmem>>, vector<1x1x16xf32>,
      %broadcast_in_dim3A_98 = arith.constant 0.000000e+00 : f32
      %broadcast_in_dim3A_99 = vector.broadcast %broadcast_in_dim3A_98 : f32 to vector<16xf32>
      %swap3A_100 = arith.constant 0 : i32
      %swap3A_101 = arith.index_cast %swap3A_100 : i32 to index
      %swap3A_102 = arith.index_cast %scan3A_89 : i32 to index
      %swap3A_103 = arith.constant 16 : index
      %swap3A_104 = tpu.vector_load %arg13[%swap3A_101, %swap3A_102, %swap3A_103] {strides = array<i32>} : memref<2x112x128xf32, #tpu.memory_space<vmem>>, vector<1x1x16xf32>,
      %swap3A_105 = vector.shape_cast %swap3A_104 : vector<1x1x16xf32> to vector<16xf32>
      %swap3A_106 = vector.shape_cast %broadcast_in_dim3A_99 : vector<16xf32> to vector<1x1x16xf32>
      tpu.vector_store %arg13[%swap3A_101, %swap3A_102, %swap3A_103], %swap3A_106 {strides = array<i32>} : memref<2x112x128xf32, #tpu.memory_space<vmem>>, vector<1x1x16xf32>,
      %broadcast_in_dim3A_107 = arith.constant 0.000000e+00 : f32
      %broadcast_in_dim3A_108 = vector.broadcast %broadcast_in_dim3A_107 : f32 to vector<16xf32>
      %swap3A_109 = arith.constant 0 : i32
      %swap3A_110 = arith.index_cast %swap3A_109 : i32 to index
      %swap3A_111 = arith.index_cast %scan3A_89 : i32 to index
      %swap3A_112 = arith.constant 32 : index
      %swap3A_113 = tpu.vector_load %arg13[%swap3A_110, %swap3A_111, %swap3A_112] {strides = array<i32>} : memref<2x112x128xf32, #tpu.memory_space<vmem>>, vector<1x1x16xf32>,
      %swap3A_114 = vector.shape_cast %swap3A_113 : vector<1x1x16xf32> to vector<16xf32>
      %swap3A_115 = vector.shape_cast %broadcast_in_dim3A_108 : vector<16xf32> to vector<1x1x16xf32>
      tpu.vector_store %arg13[%swap3A_110, %swap3A_111, %swap3A_112], %swap3A_115 {strides = array<i32>} : memref<2x112x128xf32, #tpu.memory_space<vmem>>, vector<1x1x16xf32>,
      %broadcast_in_dim3A_116 = arith.constant 0.000000e+00 : f32
      %broadcast_in_dim3A_117 = vector.broadcast %broadcast_in_dim3A_116 : f32 to vector<16xf32>
      %swap3A_118 = arith.constant 0 : i32
      %swap3A_119 = arith.index_cast %swap3A_118 : i32 to index
      %swap3A_120 = arith.index_cast %scan3A_89 : i32 to index
      %swap3A_121 = arith.constant 48 : index
      %swap3A_122 = tpu.vector_load %arg13[%swap3A_119, %swap3A_120, %swap3A_121] {strides = array<i32>} : memref<2x112x128xf32, #tpu.memory_space<vmem>>, vector<1x1x16xf32>,
      %swap3A_123 = vector.shape_cast %swap3A_122 : vector<1x1x16xf32> to vector<16xf32>
      %swap3A_124 = vector.shape_cast %broadcast_in_dim3A_117 : vector<16xf32> to vector<1x1x16xf32>
      tpu.vector_store %arg13[%swap3A_119, %swap3A_120, %swap3A_121], %swap3A_124 {strides = array<i32>} : memref<2x112x128xf32, #tpu.memory_space<vmem>>, vector<1x1x16xf32>,
      %broadcast_in_dim3A_125 = arith.constant 0.000000e+00 : f32
      %broadcast_in_dim3A_126 = vector.broadcast %broadcast_in_dim3A_125 : f32 to vector<16xf32>
      %swap3A_127 = arith.constant 0 : i32
      %swap3A_128 = arith.index_cast %swap3A_127 : i32 to index
      %swap3A_129 = arith.index_cast %scan3A_89 : i32 to index
      %swap3A_130 = arith.constant 64 : index
      %swap3A_131 = tpu.vector_load %arg13[%swap3A_128, %swap3A_129, %swap3A_130] {strides = array<i32>} : memref<2x112x128xf32, #tpu.memory_space<vmem>>, vector<1x1x16xf32>,
      %swap3A_132 = vector.shape_cast %swap3A_131 : vector<1x1x16xf32> to vector<16xf32>
      %swap3A_133 = vector.shape_cast %broadcast_in_dim3A_126 : vector<16xf32> to vector<1x1x16xf32>
      tpu.vector_store %arg13[%swap3A_128, %swap3A_129, %swap3A_130], %swap3A_133 {strides = array<i32>} : memref<2x112x128xf32, #tpu.memory_space<vmem>>, vector<1x1x16xf32>,
      %broadcast_in_dim3A_134 = arith.constant 0.000000e+00 : f32
      %broadcast_in_dim3A_135 = vector.broadcast %broadcast_in_dim3A_134 : f32 to vector<16xf32>
      %swap3A_136 = arith.constant 0 : i32
      %swap3A_137 = arith.index_cast %swap3A_136 : i32 to index
      %swap3A_138 = arith.index_cast %scan3A_89 : i32 to index
      %swap3A_139 = arith.constant 80 : index
      %swap3A_140 = tpu.vector_load %arg13[%swap3A_137, %swap3A_138, %swap3A_139] {strides = array<i32>} : memref<2x112x128xf32, #tpu.memory_space<vmem>>, vector<1x1x16xf32>,
      %swap3A_141 = vector.shape_cast %swap3A_140 : vector<1x1x16xf32> to vector<16xf32>
      %swap3A_142 = vector.shape_cast %broadcast_in_dim3A_135 : vector<16xf32> to vector<1x1x16xf32>
      tpu.vector_store %arg13[%swap3A_137, %swap3A_138, %swap3A_139], %swap3A_142 {strides = array<i32>} : memref<2x112x128xf32, #tpu.memory_space<vmem>>, vector<1x1x16xf32>,
      %broadcast_in_dim3A_143 = arith.constant 0.000000e+00 : f32
      %broadcast_in_dim3A_144 = vector.broadcast %broadcast_in_dim3A_143 : f32 to vector<16xf32>
      %swap3A_145 = arith.constant 0 : i32
      %swap3A_146 = arith.index_cast %swap3A_145 : i32 to index
      %swap3A_147 = arith.index_cast %scan3A_89 : i32 to index
      %swap3A_148 = arith.constant 96 : index
      %swap3A_149 = tpu.vector_load %arg13[%swap3A_146, %swap3A_147, %swap3A_148] {strides = array<i32>} : memref<2x112x128xf32, #tpu.memory_space<vmem>>, vector<1x1x16xf32>,
      %swap3A_150 = vector.shape_cast %swap3A_149 : vector<1x1x16xf32> to vector<16xf32>
      %swap3A_151 = vector.shape_cast %broadcast_in_dim3A_144 : vector<16xf32> to vector<1x1x16xf32>
      tpu.vector_store %arg13[%swap3A_146, %swap3A_147, %swap3A_148], %swap3A_151 {strides = array<i32>} : memref<2x112x128xf32, #tpu.memory_space<vmem>>, vector<1x1x16xf32>,
      %broadcast_in_dim3A_152 = arith.constant 0.000000e+00 : f32
      %broadcast_in_dim3A_153 = vector.broadcast %broadcast_in_dim3A_152 : f32 to vector<16xf32>
      %swap3A_154 = arith.constant 0 : i32
      %swap3A_155 = arith.index_cast %swap3A_154 : i32 to index
      %swap3A_156 = arith.index_cast %scan3A_89 : i32 to index
      %swap3A_157 = arith.constant 112 : index
      %swap3A_158 = tpu.vector_load %arg13[%swap3A_155, %swap3A_156, %swap3A_157] {strides = array<i32>} : memref<2x112x128xf32, #tpu.memory_space<vmem>>, vector<1x1x16xf32>,
      %swap3A_159 = vector.shape_cast %swap3A_158 : vector<1x1x16xf32> to vector<16xf32>
      %swap3A_160 = vector.shape_cast %broadcast_in_dim3A_153 : vector<16xf32> to vector<1x1x16xf32>
      tpu.vector_store %arg13[%swap3A_155, %swap3A_156, %swap3A_157], %swap3A_160 {strides = array<i32>} : memref<2x112x128xf32, #tpu.memory_space<vmem>>, vector<1x1x16xf32>,
      %broadcast_in_dim3A_161 = arith.constant 0.000000e+00 : f32
      %broadcast_in_dim3A_162 = vector.broadcast %broadcast_in_dim3A_161 : f32 to vector<16xf32>
      %swap3A_163 = arith.index_cast %scan3A_89 : i32 to index
      %swap3A_164 = arith.constant 0 : index
      %swap3A_165 = tpu.vector_load %arg14[%swap3A_163, %swap3A_164] {strides = array<i32>} : memref<112x16xf32, #tpu.memory_space<vmem>>, vector<1x16xf32>,
      %swap3A_166 = vector.shape_cast %swap3A_165 : vector<1x16xf32> to vector<16xf32>
      %swap3A_167 = vector.shape_cast %broadcast_in_dim3A_162 : vector<16xf32> to vector<1x16xf32>
      tpu.vector_store %arg14[%swap3A_163, %swap3A_164], %swap3A_167 {strides = array<i32>} : memref<112x16xf32, #tpu.memory_space<vmem>>, vector<1x16xf32>,
      %scan3A_168 = arith.constant 0 : i32
      scf.yield %scan3A_168 : i32
    }
    %scan3A_10 = arith.constant 112 : i32
    %scan3A_11 = arith.constant 0 : i32
    %scan3A_12 = arith.constant 0 : i32
    %scan3A_13 = arith.constant 5 : i32
    %scan3A_14 = arith.addi %scan3A_12, %scan3A_13 : i32
    %scan3A_15 = arith.constant 1 : i32
    %scan3A_16 = scf.for %scan3A_89 = %scan3A_12 to %scan3A_14 step %scan3A_15 iter_args(%scan3A_90 = %scan3A_11) -> (i32)  : i32 {
      %mul3A_91 = arith.constant 112 : i32
      %mul3A_92 = arith.muli %scan3A_89, %mul3A_91 : i32
      %add3A_93 = arith.addi %mul3A_2, %mul3A_92 : i32
      %run_scoped3A_94 = arith.constant 0 : i32
      "tpu.region"() ({
        %run_scoped3A_99 = tpu.sem_alloc : memref<!tpu.dma_semaphore, #tpu.memory_space<semaphore_mem>>
        %dma_start3A = arith.constant 0 : i32
        %dma_start3A_100 = arith.constant 0 : i32
        %dma_start3A_101 = tpu.memref_slice %arg13[%run_scoped3A_94, %dma_start3A, %dma_start3A_100] : memref<2x112x128xf32, #tpu.memory_space<vmem>> -> memref<1x112x128xf32, #tpu.memory_space<vmem>>
        %dma_start3A_102 = tpu.memref_squeeze %dma_start3A_101 : memref<1x112x128xf32, #tpu.memory_space<vmem>> -> memref<112x128xf32, #tpu.memory_space<vmem>>
        %dma_start3A_103 = arith.constant 0 : i32
        %dma_start3A_104 = tpu.memref_slice %arg15[%add3A_93, %dma_start3A_103] : memref<10112x128xf32, #tpu.memory_space<vmem_shared>> -> memref<112x128xf32, #tpu.memory_space<vmem_shared>>
        %dma_start3A_105 = arith.constant 0 : i32
        %dma_start3A_106 = tpu.memref_slice %arg15[%add3A_93, %dma_start3A_105] : memref<10112x128xf32, #tpu.memory_space<vmem_shared>> -> memref<112x128xf32, #tpu.memory_space<vmem_shared>>
        %dma_start3A_107 = arith.constant 0 : i32
        %dma_start3A_108 = arith.constant 0 : i32
        %dma_start3A_109 = tpu.memref_slice %arg13[%run_scoped3A_94, %dma_start3A_107, %dma_start3A_108] : memref<2x112x128xf32, #tpu.memory_space<vmem>> -> memref<1x112x128xf32, #tpu.memory_space<vmem>>
        %dma_start3A_110 = tpu.memref_squeeze %dma_start3A_109 : memref<1x112x128xf32, #tpu.memory_space<vmem>> -> memref<112x128xf32, #tpu.memory_space<vmem>>
        tpu.enqueue_dma source(%dma_start3A_110 : memref<112x128xf32, #tpu.memory_space<vmem>>) target(%dma_start3A_106 : memref<112x128xf32, #tpu.memory_space<vmem_shared>>) target_semaphore(%run_scoped3A_99 : memref<!tpu.dma_semaphore, #tpu.memory_space<semaphore_mem>>)
        %dma_wait3A_111 = arith.constant 0 : i32
        %dma_wait3A_112 = arith.constant 0 : i32
        %dma_wait3A_113 = tpu.memref_slice %arg13[%run_scoped3A_94, %dma_wait3A_111, %dma_wait3A_112] : memref<2x112x128xf32, #tpu.memory_space<vmem>> -> memref<1x112x128xf32, #tpu.memory_space<vmem>>
        %dma_wait3A_114 = tpu.memref_squeeze %dma_wait3A_113 : memref<1x112x128xf32, #tpu.memory_space<vmem>> -> memref<112x128xf32, #tpu.memory_space<vmem>>
        %dma_wait3A_115 = arith.constant 0 : i32
        %dma_wait3A_116 = tpu.memref_slice %arg15[%add3A_93, %dma_wait3A_115] : memref<10112x128xf32, #tpu.memory_space<vmem_shared>> -> memref<112x128xf32, #tpu.memory_space<vmem_shared>>
        %dma_wait3A_117 = arith.constant 0 : i32
        %dma_wait3A_118 = tpu.memref_slice %arg15[%add3A_93, %dma_wait3A_117] : memref<10112x128xf32, #tpu.memory_space<vmem_shared>> -> memref<112x128xf32, #tpu.memory_space<vmem_shared>>
        %dma_wait3A_119 = arith.constant 0 : i32
        %dma_wait3A_120 = arith.constant 0 : i32
        %dma_wait3A_121 = tpu.memref_slice %arg13[%run_scoped3A_94, %dma_wait3A_119, %dma_wait3A_120] : memref<2x112x128xf32, #tpu.memory_space<vmem>> -> memref<1x112x128xf32, #tpu.memory_space<vmem>>
        %dma_wait3A_122 = tpu.memref_squeeze %dma_wait3A_121 : memref<1x112x128xf32, #tpu.memory_space<vmem>> -> memref<112x128xf32, #tpu.memory_space<vmem>>
        tpu.wait_dma2 semaphore(%run_scoped3A_99 : memref<!tpu.dma_semaphore, #tpu.memory_space<semaphore_mem>>) src(%dma_wait3A_122 : memref<112x128xf32, #tpu.memory_space<vmem>>) dst(%dma_wait3A_118 : memref<112x128xf32, #tpu.memory_space<vmem_shared>>)
        tpu.yield
      }) : () -> ()
      %mul3A_95 = arith.constant 112 : i32
      %mul3A_96 = arith.muli %scan3A_89, %mul3A_95 : i32
      %add3A_97 = arith.addi %mul3A_2, %mul3A_96 : i32
      "tpu.region"() ({
        %run_scoped3A_99 = tpu.sem_alloc : memref<!tpu.dma_semaphore, #tpu.memory_space<semaphore_mem>>
        %dma_start3A = arith.constant 0 : i32
        %dma_start3A_100 = tpu.memref_slice %arg16[%add3A_97, %dma_start3A] : memref<10112x16xf32, #tpu.memory_space<vmem_shared>> -> memref<112x16xf32, #tpu.memory_space<vmem_shared>>
        %dma_start3A_101 = arith.constant 0 : i32
        %dma_start3A_102 = tpu.memref_slice %arg16[%add3A_97, %dma_start3A_101] : memref<10112x16xf32, #tpu.memory_space<vmem_shared>> -> memref<112x16xf32, #tpu.memory_space<vmem_shared>>
        tpu.enqueue_dma source(%arg14 : memref<112x16xf32, #tpu.memory_space<vmem>>) target(%dma_start3A_102 : memref<112x16xf32, #tpu.memory_space<vmem_shared>>) target_semaphore(%run_scoped3A_99 : memref<!tpu.dma_semaphore, #tpu.memory_space<semaphore_mem>>)
        %dma_wait3A_103 = arith.constant 0 : i32
        %dma_wait3A_104 = tpu.memref_slice %arg16[%add3A_97, %dma_wait3A_103] : memref<10112x16xf32, #tpu.memory_space<vmem_shared>> -> memref<112x16xf32, #tpu.memory_space<vmem_shared>>
        %dma_wait3A_105 = arith.constant 0 : i32
        %dma_wait3A_106 = tpu.memref_slice %arg16[%add3A_97, %dma_wait3A_105] : memref<10112x16xf32, #tpu.memory_space<vmem_shared>> -> memref<112x16xf32, #tpu.memory_space<vmem_shared>>
        tpu.wait_dma2 semaphore(%run_scoped3A_99 : memref<!tpu.dma_semaphore, #tpu.memory_space<semaphore_mem>>) src(%arg14 : memref<112x16xf32, #tpu.memory_space<vmem>>) dst(%dma_wait3A_106 : memref<112x16xf32, #tpu.memory_space<vmem_shared>>)
        tpu.yield
      }) : () -> ()
      %scan3A_98 = arith.constant 0 : i32
      scf.yield %scan3A_98 : i32
    }
    %scan3A_17 = arith.constant 5 : i32
    %add3A_18 = arith.constant 560 : i32
    %add3A_19 = arith.addi %mul3A_2, %add3A_18 : i32
    %run_scoped3A = arith.constant 0 : i32
    "tpu.region"() ({
      %run_scoped3A_89 = tpu.sem_alloc : memref<!tpu.dma_semaphore, #tpu.memory_space<semaphore_mem>>
      %dma_start3A = arith.constant 0 : i32
      %dma_start3A_90 = arith.constant 0 : i32
      %dma_start3A_91 = tpu.memref_slice %arg13[%run_scoped3A, %dma_start3A, %dma_start3A_90] : memref<2x112x128xf32, #tpu.memory_space<vmem>> -> memref<1x72x128xf32, #tpu.memory_space<vmem>>
      %dma_start3A_92 = tpu.memref_squeeze %dma_start3A_91 : memref<1x72x128xf32, #tpu.memory_space<vmem>> -> memref<72x128xf32, #tpu.memory_space<vmem>>
      %dma_start3A_93 = arith.constant 0 : i32
      %dma_start3A_94 = tpu.memref_slice %arg15[%add3A_19, %dma_start3A_93] : memref<10112x128xf32, #tpu.memory_space<vmem_shared>> -> memref<72x128xf32, #tpu.memory_space<vmem_shared>>
      %dma_start3A_95 = arith.constant 0 : i32
      %dma_start3A_96 = tpu.memref_slice %arg15[%add3A_19, %dma_start3A_95] : memref<10112x128xf32, #tpu.memory_space<vmem_shared>> -> memref<72x128xf32, #tpu.memory_space<vmem_shared>>
      %dma_start3A_97 = arith.constant 0 : i32
      %dma_start3A_98 = arith.constant 0 : i32
      %dma_start3A_99 = tpu.memref_slice %arg13[%run_scoped3A, %dma_start3A_97, %dma_start3A_98] : memref<2x112x128xf32, #tpu.memory_space<vmem>> -> memref<1x72x128xf32, #tpu.memory_space<vmem>>
      %dma_start3A_100 = tpu.memref_squeeze %dma_start3A_99 : memref<1x72x128xf32, #tpu.memory_space<vmem>> -> memref<72x128xf32, #tpu.memory_space<vmem>>
      tpu.enqueue_dma source(%dma_start3A_100 : memref<72x128xf32, #tpu.memory_space<vmem>>) target(%dma_start3A_96 : memref<72x128xf32, #tpu.memory_space<vmem_shared>>) target_semaphore(%run_scoped3A_89 : memref<!tpu.dma_semaphore, #tpu.memory_space<semaphore_mem>>)
      %dma_wait3A_101 = arith.constant 0 : i32
      %dma_wait3A_102 = arith.constant 0 : i32
      %dma_wait3A_103 = tpu.memref_slice %arg13[%run_scoped3A, %dma_wait3A_101, %dma_wait3A_102] : memref<2x112x128xf32, #tpu.memory_space<vmem>> -> memref<1x72x128xf32, #tpu.memory_space<vmem>>
      %dma_wait3A_104 = tpu.memref_squeeze %dma_wait3A_103 : memref<1x72x128xf32, #tpu.memory_space<vmem>> -> memref<72x128xf32, #tpu.memory_space<vmem>>
      %dma_wait3A_105 = arith.constant 0 : i32
      %dma_wait3A_106 = tpu.memref_slice %arg15[%add3A_19, %dma_wait3A_105] : memref<10112x128xf32, #tpu.memory_space<vmem_shared>> -> memref<72x128xf32, #tpu.memory_space<vmem_shared>>
      %dma_wait3A_107 = arith.constant 0 : i32
      %dma_wait3A_108 = tpu.memref_slice %arg15[%add3A_19, %dma_wait3A_107] : memref<10112x128xf32, #tpu.memory_space<vmem_shared>> -> memref<72x128xf32, #tpu.memory_space<vmem_shared>>
      %dma_wait3A_109 = arith.constant 0 : i32
      %dma_wait3A_110 = arith.constant 0 : i32
      %dma_wait3A_111 = tpu.memref_slice %arg13[%run_scoped3A, %dma_wait3A_109, %dma_wait3A_110] : memref<2x112x128xf32, #tpu.memory_space<vmem>> -> memref<1x72x128xf32, #tpu.memory_space<vmem>>
      %dma_wait3A_112 = tpu.memref_squeeze %dma_wait3A_111 : memref<1x72x128xf32, #tpu.memory_space<vmem>> -> memref<72x128xf32, #tpu.memory_space<vmem>>
      tpu.wait_dma2 semaphore(%run_scoped3A_89 : memref<!tpu.dma_semaphore, #tpu.memory_space<semaphore_mem>>) src(%dma_wait3A_112 : memref<72x128xf32, #tpu.memory_space<vmem>>) dst(%dma_wait3A_108 : memref<72x128xf32, #tpu.memory_space<vmem_shared>>)
      tpu.yield
    }) : () -> ()
    %add3A_20 = arith.constant 560 : i32
    %add3A_21 = arith.addi %mul3A_2, %add3A_20 : i32
    "tpu.region"() ({
      %run_scoped3A_89 = tpu.sem_alloc : memref<!tpu.dma_semaphore, #tpu.memory_space<semaphore_mem>>
      %dma_start3A = arith.constant 0 : i32
      %dma_start3A_90 = arith.constant 0 : i32
      %dma_start3A_91 = tpu.memref_slice %arg14[%dma_start3A, %dma_start3A_90] : memref<112x16xf32, #tpu.memory_space<vmem>> -> memref<72x16xf32, #tpu.memory_space<vmem>>
      %dma_start3A_92 = arith.constant 0 : i32
      %dma_start3A_93 = tpu.memref_slice %arg16[%add3A_21, %dma_start3A_92] : memref<10112x16xf32, #tpu.memory_space<vmem_shared>> -> memref<72x16xf32, #tpu.memory_space<vmem_shared>>
      %dma_start3A_94 = arith.constant 0 : i32
      %dma_start3A_95 = tpu.memref_slice %arg16[%add3A_21, %dma_start3A_94] : memref<10112x16xf32, #tpu.memory_space<vmem_shared>> -> memref<72x16xf32, #tpu.memory_space<vmem_shared>>
      %dma_start3A_96 = arith.constant 0 : i32
      %dma_start3A_97 = arith.constant 0 : i32
      %dma_start3A_98 = tpu.memref_slice %arg14[%dma_start3A_96, %dma_start3A_97] : memref<112x16xf32, #tpu.memory_space<vmem>> -> memref<72x16xf32, #tpu.memory_space<vmem>>
      tpu.enqueue_dma source(%dma_start3A_98 : memref<72x16xf32, #tpu.memory_space<vmem>>) target(%dma_start3A_95 : memref<72x16xf32, #tpu.memory_space<vmem_shared>>) target_semaphore(%run_scoped3A_89 : memref<!tpu.dma_semaphore, #tpu.memory_space<semaphore_mem>>)
      %dma_wait3A_99 = arith.constant 0 : i32
      %dma_wait3A_100 = arith.constant 0 : i32
      %dma_wait3A_101 = tpu.memref_slice %arg14[%dma_wait3A_99, %dma_wait3A_100] : memref<112x16xf32, #tpu.memory_space<vmem>> -> memref<72x16xf32, #tpu.memory_space<vmem>>
      %dma_wait3A_102 = arith.constant 0 : i32
      %dma_wait3A_103 = tpu.memref_slice %arg16[%add3A_21, %dma_wait3A_102] : memref<10112x16xf32, #tpu.memory_space<vmem_shared>> -> memref<72x16xf32, #tpu.memory_space<vmem_shared>>
      %dma_wait3A_104 = arith.constant 0 : i32
      %dma_wait3A_105 = tpu.memref_slice %arg16[%add3A_21, %dma_wait3A_104] : memref<10112x16xf32, #tpu.memory_space<vmem_shared>> -> memref<72x16xf32, #tpu.memory_space<vmem_shared>>
      %dma_wait3A_106 = arith.constant 0 : i32
      %dma_wait3A_107 = arith.constant 0 : i32
      %dma_wait3A_108 = tpu.memref_slice %arg14[%dma_wait3A_106, %dma_wait3A_107] : memref<112x16xf32, #tpu.memory_space<vmem>> -> memref<72x16xf32, #tpu.memory_space<vmem>>
      tpu.wait_dma2 semaphore(%run_scoped3A_89 : memref<!tpu.dma_semaphore, #tpu.memory_space<semaphore_mem>>) src(%dma_wait3A_108 : memref<72x16xf32, #tpu.memory_space<vmem>>) dst(%dma_wait3A_105 : memref<72x16xf32, #tpu.memory_space<vmem_shared>>)
      tpu.yield
    }) : () -> ()
    %barrier3A = arith.constant 0 : index
    tpu.barrier barrier_id(%barrier3A)
    %scan3A_22 = arith.constant 0 : i32
    %scan3A_23 = arith.constant 0 : i32
    %scan3A_24 = arith.constant 94 : i32
    %scan3A_25 = arith.addi %scan3A_23, %scan3A_24 : i32
    %scan3A_26 = arith.constant 1 : i32
    %scan3A_27 = scf.for %scan3A_89 = %scan3A_23 to %scan3A_25 step %scan3A_26 iter_args(%scan3A_90 = %scan3A_22) -> (i32)  : i32 {
      %rem3A = arith.constant 2 : i32
      %rem3A_91 = arith.remsi %scan3A_89, %rem3A : i32
      %sub3A = arith.constant 1 : i32
      %sub3A_92 = arith.subi %sub3A, %rem3A_91 : i32
      %lt3A = arith.constant 93 : i32
      %lt3A_93 = arith.cmpi slt, %scan3A_89, %lt3A : i32
      %convert_element_type3A = arith.extui %lt3A_93 : i1 to i32
      %cond3A = arith.constant 0 : i32
      %cond3A_94 = arith.cmpi ne, %convert_element_type3A, %cond3A : i32
      scf.if %cond3A_94 {
        %ge3A_100 = arith.constant 2 : i32
        %ge3A_101 = arith.cmpi sge, %scan3A_89, %ge3A_100 : i32
        %convert_element_type3A_102 = arith.extui %ge3A_101 : i1 to i32
        %cond3A_103 = arith.constant 0 : i32
        %cond3A_104 = arith.cmpi ne, %convert_element_type3A_102, %cond3A_103 : i32
        scf.if %cond3A_104 {
          %dma_wait3A_143 = arith.constant 0 : i32
          %dma_wait3A_144 = arith.constant 0 : i32
          %dma_wait3A_145 = tpu.memref_slice %arg13[%rem3A_91, %dma_wait3A_143, %dma_wait3A_144] : memref<2x112x128xf32, #tpu.memory_space<vmem>> -> memref<1x112x128xf32, #tpu.memory_space<vmem>>
          %dma_wait3A_146 = tpu.memref_squeeze %dma_wait3A_145 : memref<1x112x128xf32, #tpu.memory_space<vmem>> -> memref<112x128xf32, #tpu.memory_space<vmem>>
          %dma_wait3A_147 = arith.constant 0 : i32
          %dma_wait3A_148 = tpu.memref_slice %arg10[%rem3A_91, %dma_wait3A_147] : memref<2x112xi32, #tpu.memory_space<vmem>> -> memref<1x112xi32, #tpu.memory_space<vmem>>
          %dma_wait3A_149 = tpu.memref_squeeze %dma_wait3A_148 : memref<1x112xi32, #tpu.memory_space<vmem>> -> memref<112xi32, #tpu.memory_space<vmem>>
          %dma_wait3A_150 = arith.constant 0 : i32
          %dma_wait3A_151 = arith.constant 0 : i32
          %dma_wait3A_152 = tpu.memref_slice %arg15[%dma_wait3A_150, %dma_wait3A_151] : memref<10112x128xf32, #tpu.memory_space<vmem_shared>> -> memref<10112x128xf32, #tpu.memory_space<vmem_shared>>
          %dma_wait3A_153 = tpu.memref_slice %arg20[%rem3A_91] : memref<2x!tpu.dma_semaphore, #tpu.memory_space<semaphore_mem>> -> memref<1x!tpu.dma_semaphore, #tpu.memory_space<semaphore_mem>>
          %dma_wait3A_154 = tpu.memref_squeeze %dma_wait3A_153 : memref<1x!tpu.dma_semaphore, #tpu.memory_space<semaphore_mem>> -> memref<!tpu.dma_semaphore, #tpu.memory_space<semaphore_mem>>
          tpu.wait_indirect_dma semaphore(%dma_wait3A_154 : memref<!tpu.dma_semaphore, #tpu.memory_space<semaphore_mem>>) src(%dma_wait3A_146 : memref<112x128xf32, #tpu.memory_space<vmem>>) dst(%dma_wait3A_152 : memref<10112x128xf32, #tpu.memory_space<vmem_shared>>)
          %dma_wait3A_155 = arith.constant 0 : i32
          %dma_wait3A_156 = arith.constant 0 : i32
          %dma_wait3A_157 = tpu.memref_slice %arg11[%rem3A_91, %dma_wait3A_155, %dma_wait3A_156] : memref<2x112x16xf32, #tpu.memory_space<vmem>> -> memref<1x112x16xf32, #tpu.memory_space<vmem>>
          %dma_wait3A_158 = tpu.memref_squeeze %dma_wait3A_157 : memref<1x112x16xf32, #tpu.memory_space<vmem>> -> memref<112x16xf32, #tpu.memory_space<vmem>>
          %dma_wait3A_159 = arith.constant 0 : i32
          %dma_wait3A_160 = tpu.memref_slice %arg10[%rem3A_91, %dma_wait3A_159] : memref<2x112xi32, #tpu.memory_space<vmem>> -> memref<1x112xi32, #tpu.memory_space<vmem>>
          %dma_wait3A_161 = tpu.memref_squeeze %dma_wait3A_160 : memref<1x112xi32, #tpu.memory_space<vmem>> -> memref<112xi32, #tpu.memory_space<vmem>>
          %dma_wait3A_162 = arith.constant 0 : i32
          %dma_wait3A_163 = arith.constant 0 : i32
          %dma_wait3A_164 = tpu.memref_slice %arg16[%dma_wait3A_162, %dma_wait3A_163] : memref<10112x16xf32, #tpu.memory_space<vmem_shared>> -> memref<10112x16xf32, #tpu.memory_space<vmem_shared>>
          %dma_wait3A_165 = tpu.memref_slice %arg21[%rem3A_91] : memref<2x!tpu.dma_semaphore, #tpu.memory_space<semaphore_mem>> -> memref<1x!tpu.dma_semaphore, #tpu.memory_space<semaphore_mem>>
          %dma_wait3A_166 = tpu.memref_squeeze %dma_wait3A_165 : memref<1x!tpu.dma_semaphore, #tpu.memory_space<semaphore_mem>> -> memref<!tpu.dma_semaphore, #tpu.memory_space<semaphore_mem>>
          tpu.wait_indirect_dma semaphore(%dma_wait3A_166 : memref<!tpu.dma_semaphore, #tpu.memory_space<semaphore_mem>>) src(%dma_wait3A_158 : memref<112x16xf32, #tpu.memory_space<vmem>>) dst(%dma_wait3A_164 : memref<10112x16xf32, #tpu.memory_space<vmem_shared>>)
        } else {
        }
        %mul3A_105 = arith.constant 112 : i32
        %mul3A_106 = arith.muli %scan3A_89, %mul3A_105 : i32
        %add3A_107 = arith.addi %mul3A_4, %mul3A_106 : i32
        "tpu.region"() ({
          %run_scoped3A_143 = tpu.sem_alloc : memref<!tpu.dma_semaphore, #tpu.memory_space<semaphore_mem>>
          %dma_start3A_144 = arith.constant 0 : i32
          %dma_start3A_145 = tpu.memref_slice %arg9[%rem3A_91, %dma_start3A_144] : memref<2x112xi32, #tpu.memory_space<vmem>> -> memref<1x112xi32, #tpu.memory_space<vmem>>
          %dma_start3A_146 = tpu.memref_squeeze %dma_start3A_145 : memref<1x112xi32, #tpu.memory_space<vmem>> -> memref<112xi32, #tpu.memory_space<vmem>>
          %dma_start3A_147 = tpu.memref_slice %arg2[%add3A_107] : memref<333312xi32, #tpu.memory_space<hbm>> -> memref<112xi32, #tpu.memory_space<hbm>>
          %dma_start3A_148 = arith.constant 0 : i32
          %dma_start3A_149 = tpu.memref_slice %arg9[%rem3A_91, %dma_start3A_148] : memref<2x112xi32, #tpu.memory_space<vmem>> -> memref<1x112xi32, #tpu.memory_space<vmem>>
          %dma_start3A_150 = tpu.memref_squeeze %dma_start3A_149 : memref<1x112xi32, #tpu.memory_space<vmem>> -> memref<112xi32, #tpu.memory_space<vmem>>
          %dma_start3A_151 = tpu.memref_slice %arg2[%add3A_107] : memref<333312xi32, #tpu.memory_space<hbm>> -> memref<112xi32, #tpu.memory_space<hbm>>
          tpu.enqueue_dma source(%dma_start3A_151 : memref<112xi32, #tpu.memory_space<hbm>>) target(%dma_start3A_150 : memref<112xi32, #tpu.memory_space<vmem>>) target_semaphore(%run_scoped3A_143 : memref<!tpu.dma_semaphore, #tpu.memory_space<semaphore_mem>>)
          %dma_wait3A_152 = arith.constant 0 : i32
          %dma_wait3A_153 = tpu.memref_slice %arg9[%rem3A_91, %dma_wait3A_152] : memref<2x112xi32, #tpu.memory_space<vmem>> -> memref<1x112xi32, #tpu.memory_space<vmem>>
          %dma_wait3A_154 = tpu.memref_squeeze %dma_wait3A_153 : memref<1x112xi32, #tpu.memory_space<vmem>> -> memref<112xi32, #tpu.memory_space<vmem>>
          %dma_wait3A_155 = tpu.memref_slice %arg2[%add3A_107] : memref<333312xi32, #tpu.memory_space<hbm>> -> memref<112xi32, #tpu.memory_space<hbm>>
          %dma_wait3A_156 = arith.constant 0 : i32
          %dma_wait3A_157 = tpu.memref_slice %arg9[%rem3A_91, %dma_wait3A_156] : memref<2x112xi32, #tpu.memory_space<vmem>> -> memref<1x112xi32, #tpu.memory_space<vmem>>
          %dma_wait3A_158 = tpu.memref_squeeze %dma_wait3A_157 : memref<1x112xi32, #tpu.memory_space<vmem>> -> memref<112xi32, #tpu.memory_space<vmem>>
          %dma_wait3A_159 = tpu.memref_slice %arg2[%add3A_107] : memref<333312xi32, #tpu.memory_space<hbm>> -> memref<112xi32, #tpu.memory_space<hbm>>
          tpu.wait_dma2 semaphore(%run_scoped3A_143 : memref<!tpu.dma_semaphore, #tpu.memory_space<semaphore_mem>>) src(%dma_wait3A_159 : memref<112xi32, #tpu.memory_space<hbm>>) dst(%dma_wait3A_158 : memref<112xi32, #tpu.memory_space<vmem>>)
          tpu.yield
        }) : () -> ()
        "tpu.region"() ({
          %run_scoped3A_143 = tpu.sem_alloc : memref<!tpu.dma_semaphore, #tpu.memory_space<semaphore_mem>>
          %dma_start3A_144 = arith.constant 0 : i32
          %dma_start3A_145 = tpu.memref_slice %arg10[%rem3A_91, %dma_start3A_144] : memref<2x112xi32, #tpu.memory_space<vmem>> -> memref<1x112xi32, #tpu.memory_space<vmem>>
          %dma_start3A_146 = tpu.memref_squeeze %dma_start3A_145 : memref<1x112xi32, #tpu.memory_space<vmem>> -> memref<112xi32, #tpu.memory_space<vmem>>
          %dma_start3A_147 = tpu.memref_slice %arg3[%add3A_107] : memref<333312xi32, #tpu.memory_space<hbm>> -> memref<112xi32, #tpu.memory_space<hbm>>
          %dma_start3A_148 = arith.constant 0 : i32
          %dma_start3A_149 = tpu.memref_slice %arg10[%rem3A_91, %dma_start3A_148] : memref<2x112xi32, #tpu.memory_space<vmem>> -> memref<1x112xi32, #tpu.memory_space<vmem>>
          %dma_start3A_150 = tpu.memref_squeeze %dma_start3A_149 : memref<1x112xi32, #tpu.memory_space<vmem>> -> memref<112xi32, #tpu.memory_space<vmem>>
          %dma_start3A_151 = tpu.memref_slice %arg3[%add3A_107] : memref<333312xi32, #tpu.memory_space<hbm>> -> memref<112xi32, #tpu.memory_space<hbm>>
          tpu.enqueue_dma source(%dma_start3A_151 : memref<112xi32, #tpu.memory_space<hbm>>) target(%dma_start3A_150 : memref<112xi32, #tpu.memory_space<vmem>>) target_semaphore(%run_scoped3A_143 : memref<!tpu.dma_semaphore, #tpu.memory_space<semaphore_mem>>)
          %dma_wait3A_152 = arith.constant 0 : i32
          %dma_wait3A_153 = tpu.memref_slice %arg10[%rem3A_91, %dma_wait3A_152] : memref<2x112xi32, #tpu.memory_space<vmem>> -> memref<1x112xi32, #tpu.memory_space<vmem>>
          %dma_wait3A_154 = tpu.memref_squeeze %dma_wait3A_153 : memref<1x112xi32, #tpu.memory_space<vmem>> -> memref<112xi32, #tpu.memory_space<vmem>>
          %dma_wait3A_155 = tpu.memref_slice %arg3[%add3A_107] : memref<333312xi32, #tpu.memory_space<hbm>> -> memref<112xi32, #tpu.memory_space<hbm>>
          %dma_wait3A_156 = arith.constant 0 : i32
          %dma_wait3A_157 = tpu.memref_slice %arg10[%rem3A_91, %dma_wait3A_156] : memref<2x112xi32, #tpu.memory_space<vmem>> -> memref<1x112xi32, #tpu.memory_space<vmem>>
          %dma_wait3A_158 = tpu.memref_squeeze %dma_wait3A_157 : memref<1x112xi32, #tpu.memory_space<vmem>> -> memref<112xi32, #tpu.memory_space<vmem>>
          %dma_wait3A_159 = tpu.memref_slice %arg3[%add3A_107] : memref<333312xi32, #tpu.memory_space<hbm>> -> memref<112xi32, #tpu.memory_space<hbm>>
          tpu.wait_dma2 semaphore(%run_scoped3A_143 : memref<!tpu.dma_semaphore, #tpu.memory_space<semaphore_mem>>) src(%dma_wait3A_159 : memref<112xi32, #tpu.memory_space<hbm>>) dst(%dma_wait3A_158 : memref<112xi32, #tpu.memory_space<vmem>>)
          tpu.yield
        }) : () -> ()
        %dma_start3A = arith.constant 0 : i32
        %dma_start3A_108 = arith.constant 0 : i32
        %dma_start3A_109 = tpu.memref_slice %arg13[%rem3A_91, %dma_start3A, %dma_start3A_108] : memref<2x112x128xf32, #tpu.memory_space<vmem>> -> memref<1x112x128xf32, #tpu.memory_space<vmem>>
        %dma_start3A_110 = tpu.memref_squeeze %dma_start3A_109 : memref<1x112x128xf32, #tpu.memory_space<vmem>> -> memref<112x128xf32, #tpu.memory_space<vmem>>
        %dma_start3A_111 = arith.constant 0 : i32
        %dma_start3A_112 = tpu.memref_slice %arg9[%rem3A_91, %dma_start3A_111] : memref<2x112xi32, #tpu.memory_space<vmem>> -> memref<1x112xi32, #tpu.memory_space<vmem>>
        %dma_start3A_113 = tpu.memref_squeeze %dma_start3A_112 : memref<1x112xi32, #tpu.memory_space<vmem>> -> memref<112xi32, #tpu.memory_space<vmem>>
        %dma_start3A_114 = arith.constant 0 : i32
        %dma_start3A_115 = arith.constant 0 : i32
        %dma_start3A_116 = tpu.memref_slice %arg4[%dma_start3A_114, %dma_start3A_115] : memref<10112x128xf32, #tpu.memory_space<hbm>> -> memref<10112x128xf32, #tpu.memory_space<hbm>>
        %dma_start3A_117 = tpu.memref_slice %arg17[%rem3A_91] : memref<2x!tpu.dma_semaphore, #tpu.memory_space<semaphore_mem>> -> memref<1x!tpu.dma_semaphore, #tpu.memory_space<semaphore_mem>>
        %dma_start3A_118 = tpu.memref_squeeze %dma_start3A_117 : memref<1x!tpu.dma_semaphore, #tpu.memory_space<semaphore_mem>> -> memref<!tpu.dma_semaphore, #tpu.memory_space<semaphore_mem>>
        tpu.enqueue_indirect_dma source(%dma_start3A_116 : memref<10112x128xf32, #tpu.memory_space<hbm>>) target(%dma_start3A_110 : memref<112x128xf32, #tpu.memory_space<vmem>>) offsets(%dma_start3A_113 : memref<112xi32, #tpu.memory_space<vmem>>) semaphore(%dma_start3A_118 : memref<!tpu.dma_semaphore, #tpu.memory_space<semaphore_mem>>)
        %dma_start3A_119 = arith.constant 0 : i32
        %dma_start3A_120 = arith.constant 0 : i32
        %dma_start3A_121 = tpu.memref_slice %arg11[%rem3A_91, %dma_start3A_119, %dma_start3A_120] : memref<2x112x16xf32, #tpu.memory_space<vmem>> -> memref<1x112x16xf32, #tpu.memory_space<vmem>>
        %dma_start3A_122 = tpu.memref_squeeze %dma_start3A_121 : memref<1x112x16xf32, #tpu.memory_space<vmem>> -> memref<112x16xf32, #tpu.memory_space<vmem>>
        %dma_start3A_123 = arith.constant 0 : i32
        %dma_start3A_124 = tpu.memref_slice %arg9[%rem3A_91, %dma_start3A_123] : memref<2x112xi32, #tpu.memory_space<vmem>> -> memref<1x112xi32, #tpu.memory_space<vmem>>
        %dma_start3A_125 = tpu.memref_squeeze %dma_start3A_124 : memref<1x112xi32, #tpu.memory_space<vmem>> -> memref<112xi32, #tpu.memory_space<vmem>>
        %dma_start3A_126 = arith.constant 0 : i32
        %dma_start3A_127 = arith.constant 0 : i32
        %dma_start3A_128 = tpu.memref_slice %arg5[%dma_start3A_126, %dma_start3A_127] : memref<10112x16xf32, #tpu.memory_space<hbm>> -> memref<10112x16xf32, #tpu.memory_space<hbm>>
        %dma_start3A_129 = tpu.memref_slice %arg18[%rem3A_91] : memref<2x!tpu.dma_semaphore, #tpu.memory_space<semaphore_mem>> -> memref<1x!tpu.dma_semaphore, #tpu.memory_space<semaphore_mem>>
        %dma_start3A_130 = tpu.memref_squeeze %dma_start3A_129 : memref<1x!tpu.dma_semaphore, #tpu.memory_space<semaphore_mem>> -> memref<!tpu.dma_semaphore, #tpu.memory_space<semaphore_mem>>
        tpu.enqueue_indirect_dma source(%dma_start3A_128 : memref<10112x16xf32, #tpu.memory_space<hbm>>) target(%dma_start3A_122 : memref<112x16xf32, #tpu.memory_space<vmem>>) offsets(%dma_start3A_125 : memref<112xi32, #tpu.memory_space<vmem>>) semaphore(%dma_start3A_130 : memref<!tpu.dma_semaphore, #tpu.memory_space<semaphore_mem>>)
        %dma_start3A_131 = arith.constant 0 : i32
        %dma_start3A_132 = arith.constant 0 : i32
        %dma_start3A_133 = tpu.memref_slice %arg12[%rem3A_91, %dma_start3A_131, %dma_start3A_132] : memref<2x112x16xf32, #tpu.memory_space<vmem>> -> memref<1x112x16xf32, #tpu.memory_space<vmem>>
        %dma_start3A_134 = tpu.memref_squeeze %dma_start3A_133 : memref<1x112x16xf32, #tpu.memory_space<vmem>> -> memref<112x16xf32, #tpu.memory_space<vmem>>
        %dma_start3A_135 = arith.constant 0 : i32
        %dma_start3A_136 = tpu.memref_slice %arg10[%rem3A_91, %dma_start3A_135] : memref<2x112xi32, #tpu.memory_space<vmem>> -> memref<1x112xi32, #tpu.memory_space<vmem>>
        %dma_start3A_137 = tpu.memref_squeeze %dma_start3A_136 : memref<1x112xi32, #tpu.memory_space<vmem>> -> memref<112xi32, #tpu.memory_space<vmem>>
        %dma_start3A_138 = arith.constant 0 : i32
        %dma_start3A_139 = arith.constant 0 : i32
        %dma_start3A_140 = tpu.memref_slice %arg6[%dma_start3A_138, %dma_start3A_139] : memref<10112x16xf32, #tpu.memory_space<hbm>> -> memref<10112x16xf32, #tpu.memory_space<hbm>>
        %dma_start3A_141 = tpu.memref_slice %arg19[%rem3A_91] : memref<2x!tpu.dma_semaphore, #tpu.memory_space<semaphore_mem>> -> memref<1x!tpu.dma_semaphore, #tpu.memory_space<semaphore_mem>>
        %dma_start3A_142 = tpu.memref_squeeze %dma_start3A_141 : memref<1x!tpu.dma_semaphore, #tpu.memory_space<semaphore_mem>> -> memref<!tpu.dma_semaphore, #tpu.memory_space<semaphore_mem>>
        tpu.enqueue_indirect_dma source(%dma_start3A_140 : memref<10112x16xf32, #tpu.memory_space<hbm>>) target(%dma_start3A_134 : memref<112x16xf32, #tpu.memory_space<vmem>>) offsets(%dma_start3A_137 : memref<112xi32, #tpu.memory_space<vmem>>) semaphore(%dma_start3A_142 : memref<!tpu.dma_semaphore, #tpu.memory_space<semaphore_mem>>)
      } else {
      }
      %ge3A = arith.constant 1 : i32
      %ge3A_95 = arith.cmpi sge, %scan3A_89, %ge3A : i32
      %convert_element_type3A_96 = arith.extui %ge3A_95 : i1 to i32
      %cond3A_97 = arith.constant 0 : i32
      %cond3A_98 = arith.cmpi ne, %convert_element_type3A_96, %cond3A_97 : i32
      scf.if %cond3A_98 {
        %dma_wait3A_100 = arith.constant 0 : i32
        %dma_wait3A_101 = arith.constant 0 : i32
        %dma_wait3A_102 = tpu.memref_slice %arg11[%sub3A_92, %dma_wait3A_100, %dma_wait3A_101] : memref<2x112x16xf32, #tpu.memory_space<vmem>> -> memref<1x112x16xf32, #tpu.memory_space<vmem>>
        %dma_wait3A_103 = tpu.memref_squeeze %dma_wait3A_102 : memref<1x112x16xf32, #tpu.memory_space<vmem>> -> memref<112x16xf32, #tpu.memory_space<vmem>>
        %dma_wait3A_104 = arith.constant 0 : i32
        %dma_wait3A_105 = tpu.memref_slice %arg9[%sub3A_92, %dma_wait3A_104] : memref<2x112xi32, #tpu.memory_space<vmem>> -> memref<1x112xi32, #tpu.memory_space<vmem>>
        %dma_wait3A_106 = tpu.memref_squeeze %dma_wait3A_105 : memref<1x112xi32, #tpu.memory_space<vmem>> -> memref<112xi32, #tpu.memory_space<vmem>>
        %dma_wait3A_107 = arith.constant 0 : i32
        %dma_wait3A_108 = arith.constant 0 : i32
        %dma_wait3A_109 = tpu.memref_slice %arg5[%dma_wait3A_107, %dma_wait3A_108] : memref<10112x16xf32, #tpu.memory_space<hbm>> -> memref<10112x16xf32, #tpu.memory_space<hbm>>
        %dma_wait3A_110 = tpu.memref_slice %arg18[%sub3A_92] : memref<2x!tpu.dma_semaphore, #tpu.memory_space<semaphore_mem>> -> memref<1x!tpu.dma_semaphore, #tpu.memory_space<semaphore_mem>>
        %dma_wait3A_111 = tpu.memref_squeeze %dma_wait3A_110 : memref<1x!tpu.dma_semaphore, #tpu.memory_space<semaphore_mem>> -> memref<!tpu.dma_semaphore, #tpu.memory_space<semaphore_mem>>
        tpu.wait_indirect_dma semaphore(%dma_wait3A_111 : memref<!tpu.dma_semaphore, #tpu.memory_space<semaphore_mem>>) src(%dma_wait3A_109 : memref<10112x16xf32, #tpu.memory_space<hbm>>) dst(%dma_wait3A_103 : memref<112x16xf32, #tpu.memory_space<vmem>>)
        %dma_wait3A_112 = arith.constant 0 : i32
        %dma_wait3A_113 = arith.constant 0 : i32
        %dma_wait3A_114 = tpu.memref_slice %arg12[%sub3A_92, %dma_wait3A_112, %dma_wait3A_113] : memref<2x112x16xf32, #tpu.memory_space<vmem>> -> memref<1x112x16xf32, #tpu.memory_space<vmem>>
        %dma_wait3A_115 = tpu.memref_squeeze %dma_wait3A_114 : memref<1x112x16xf32, #tpu.memory_space<vmem>> -> memref<112x16xf32, #tpu.memory_space<vmem>>
        %dma_wait3A_116 = arith.constant 0 : i32
        %dma_wait3A_117 = tpu.memref_slice %arg10[%sub3A_92, %dma_wait3A_116] : memref<2x112xi32, #tpu.memory_space<vmem>> -> memref<1x112xi32, #tpu.memory_space<vmem>>
        %dma_wait3A_118 = tpu.memref_squeeze %dma_wait3A_117 : memref<1x112xi32, #tpu.memory_space<vmem>> -> memref<112xi32, #tpu.memory_space<vmem>>
        %dma_wait3A_119 = arith.constant 0 : i32
        %dma_wait3A_120 = arith.constant 0 : i32
        %dma_wait3A_121 = tpu.memref_slice %arg6[%dma_wait3A_119, %dma_wait3A_120] : memref<10112x16xf32, #tpu.memory_space<hbm>> -> memref<10112x16xf32, #tpu.memory_space<hbm>>
        %dma_wait3A_122 = tpu.memref_slice %arg19[%sub3A_92] : memref<2x!tpu.dma_semaphore, #tpu.memory_space<semaphore_mem>> -> memref<1x!tpu.dma_semaphore, #tpu.memory_space<semaphore_mem>>
        %dma_wait3A_123 = tpu.memref_squeeze %dma_wait3A_122 : memref<1x!tpu.dma_semaphore, #tpu.memory_space<semaphore_mem>> -> memref<!tpu.dma_semaphore, #tpu.memory_space<semaphore_mem>>
        tpu.wait_indirect_dma semaphore(%dma_wait3A_123 : memref<!tpu.dma_semaphore, #tpu.memory_space<semaphore_mem>>) src(%dma_wait3A_121 : memref<10112x16xf32, #tpu.memory_space<hbm>>) dst(%dma_wait3A_115 : memref<112x16xf32, #tpu.memory_space<vmem>>)
        %dma_wait3A_124 = arith.constant 0 : i32
        %dma_wait3A_125 = arith.constant 0 : i32
        %dma_wait3A_126 = tpu.memref_slice %arg13[%sub3A_92, %dma_wait3A_124, %dma_wait3A_125] : memref<2x112x128xf32, #tpu.memory_space<vmem>> -> memref<1x112x128xf32, #tpu.memory_space<vmem>>
        %dma_wait3A_127 = tpu.memref_squeeze %dma_wait3A_126 : memref<1x112x128xf32, #tpu.memory_space<vmem>> -> memref<112x128xf32, #tpu.memory_space<vmem>>
        %dma_wait3A_128 = arith.constant 0 : i32
        %dma_wait3A_129 = tpu.memref_slice %arg9[%sub3A_92, %dma_wait3A_128] : memref<2x112xi32, #tpu.memory_space<vmem>> -> memref<1x112xi32, #tpu.memory_space<vmem>>
        %dma_wait3A_130 = tpu.memref_squeeze %dma_wait3A_129 : memref<1x112xi32, #tpu.memory_space<vmem>> -> memref<112xi32, #tpu.memory_space<vmem>>
        %dma_wait3A_131 = arith.constant 0 : i32
        %dma_wait3A_132 = arith.constant 0 : i32
        %dma_wait3A_133 = tpu.memref_slice %arg4[%dma_wait3A_131, %dma_wait3A_132] : memref<10112x128xf32, #tpu.memory_space<hbm>> -> memref<10112x128xf32, #tpu.memory_space<hbm>>
        %dma_wait3A_134 = tpu.memref_slice %arg17[%sub3A_92] : memref<2x!tpu.dma_semaphore, #tpu.memory_space<semaphore_mem>> -> memref<1x!tpu.dma_semaphore, #tpu.memory_space<semaphore_mem>>
        %dma_wait3A_135 = tpu.memref_squeeze %dma_wait3A_134 : memref<1x!tpu.dma_semaphore, #tpu.memory_space<semaphore_mem>> -> memref<!tpu.dma_semaphore, #tpu.memory_space<semaphore_mem>>
        tpu.wait_indirect_dma semaphore(%dma_wait3A_135 : memref<!tpu.dma_semaphore, #tpu.memory_space<semaphore_mem>>) src(%dma_wait3A_133 : memref<10112x128xf32, #tpu.memory_space<hbm>>) dst(%dma_wait3A_127 : memref<112x128xf32, #tpu.memory_space<vmem>>)
        %scan3A_136 = arith.constant 0 : i32
        %scan3A_137 = arith.constant 0 : i32
        %scan3A_138 = arith.constant 112 : i32
        %scan3A_139 = arith.addi %scan3A_137, %scan3A_138 : i32
        %scan3A_140 = arith.constant 1 : i32
        %scan3A_141 = scf.for %scan3A_166 = %scan3A_137 to %scan3A_139 step %scan3A_140 iter_args(%scan3A_167 = %scan3A_136) -> (i32)  : i32 {
          %get3A = arith.index_cast %sub3A_92 : i32 to index
          %get3A_168 = arith.index_cast %scan3A_166 : i32 to index
          %get3A_169 = arith.constant 0 : index
          %get3A_170 = tpu.vector_load %arg11[%get3A, %get3A_168, %get3A_169] {strides = array<i32>} : memref<2x112x16xf32, #tpu.memory_space<vmem>>, vector<1x1x16xf32>,
          %get3A_171 = vector.shape_cast %get3A_170 : vector<1x1x16xf32> to vector<16xf32>
          %get3A_172 = arith.index_cast %sub3A_92 : i32 to index
          %get3A_173 = arith.index_cast %scan3A_166 : i32 to index
          %get3A_174 = arith.constant 0 : index
          %get3A_175 = tpu.vector_load %arg12[%get3A_172, %get3A_173, %get3A_174] {strides = array<i32>} : memref<2x112x16xf32, #tpu.memory_space<vmem>>, vector<1x1x16xf32>,
          %get3A_176 = vector.shape_cast %get3A_175 : vector<1x1x16xf32> to vector<16xf32>
          %add3A_177 = arith.addf %get3A_171, %get3A_176 : vector<16xf32>
          %ge3A_178 = arith.constant 0.000000e+00 : f32
          %ge3A_179 = vector.broadcast %ge3A_178 : f32 to vector<16xf32>
          %ge3A_180 = arith.cmpf oge, %add3A_177, %ge3A_179 : vector<16xf32>
          %mul3A_181 = arith.constant 2.000000e-01 : f32
          %mul3A_182 = vector.broadcast %mul3A_181 : f32 to vector<16xf32>
          %mul3A_183 = arith.mulf %mul3A_182, %add3A_177 : vector<16xf32>
          %select_n3A = arith.select %ge3A_180, %add3A_177, %mul3A_183 : vector<16xi1>, vector<16xf32>
          %exp3A = math.exp %select_n3A : vector<16xf32>
          %swap3A = arith.index_cast %sub3A_92 : i32 to index
          %swap3A_184 = arith.index_cast %scan3A_166 : i32 to index
          %swap3A_185 = arith.constant 0 : index
          %swap3A_186 = tpu.vector_load %arg11[%swap3A, %swap3A_184, %swap3A_185] {strides = array<i32>} : memref<2x112x16xf32, #tpu.memory_space<vmem>>, vector<1x1x16xf32>,
          %swap3A_187 = vector.shape_cast %swap3A_186 : vector<1x1x16xf32> to vector<16xf32>
          %swap3A_188 = vector.shape_cast %exp3A : vector<16xf32> to vector<1x1x16xf32>
          tpu.vector_store %arg11[%swap3A, %swap3A_184, %swap3A_185], %swap3A_188 {strides = array<i32>} : memref<2x112x16xf32, #tpu.memory_space<vmem>>, vector<1x1x16xf32>,
          %slice3A = vector.extract_strided_slice %exp3A {offsets = [0], sizes = [1], strides = [1]} : vector<16xf32> to vector<1xf32>
          %squeeze3A = vector.extract %slice3A[0] : f32 from vector<1xf32>
          %get3A_189 = arith.index_cast %sub3A_92 : i32 to index
          %get3A_190 = arith.index_cast %scan3A_166 : i32 to index
          %get3A_191 = arith.constant 0 : index
          %get3A_192 = tpu.vector_load %arg13[%get3A_189, %get3A_190, %get3A_191] {strides = array<i32>} : memref<2x112x128xf32, #tpu.memory_space<vmem>>, vector<1x1x16xf32>,
          %get3A_193 = vector.shape_cast %get3A_192 : vector<1x1x16xf32> to vector<16xf32>
          %mul3A_194 = vector.broadcast %squeeze3A : f32 to vector<16xf32>
          %mul3A_195 = arith.mulf %get3A_193, %mul3A_194 : vector<16xf32>
          %swap3A_196 = arith.index_cast %sub3A_92 : i32 to index
          %swap3A_197 = arith.index_cast %scan3A_166 : i32 to index
          %swap3A_198 = arith.constant 0 : index
          %swap3A_199 = tpu.vector_load %arg13[%swap3A_196, %swap3A_197, %swap3A_198] {strides = array<i32>} : memref<2x112x128xf32, #tpu.memory_space<vmem>>, vector<1x1x16xf32>,
          %swap3A_200 = vector.shape_cast %swap3A_199 : vector<1x1x16xf32> to vector<16xf32>
          %swap3A_201 = vector.shape_cast %mul3A_195 : vector<16xf32> to vector<1x1x16xf32>
          tpu.vector_store %arg13[%swap3A_196, %swap3A_197, %swap3A_198], %swap3A_201 {strides = array<i32>} : memref<2x112x128xf32, #tpu.memory_space<vmem>>, vector<1x1x16xf32>,
          %get3A_202 = arith.index_cast %sub3A_92 : i32 to index
          %get3A_203 = arith.index_cast %scan3A_166 : i32 to index
          %get3A_204 = arith.constant 16 : index
          %get3A_205 = tpu.vector_load %arg13[%get3A_202, %get3A_203, %get3A_204] {strides = array<i32>} : memref<2x112x128xf32, #tpu.memory_space<vmem>>, vector<1x1x16xf32>,
          %get3A_206 = vector.shape_cast %get3A_205 : vector<1x1x16xf32> to vector<16xf32>
          %mul3A_207 = vector.broadcast %squeeze3A : f32 to vector<16xf32>
          %mul3A_208 = arith.mulf %get3A_206, %mul3A_207 : vector<16xf32>
          %swap3A_209 = arith.index_cast %sub3A_92 : i32 to index
          %swap3A_210 = arith.index_cast %scan3A_166 : i32 to index
          %swap3A_211 = arith.constant 16 : index
          %swap3A_212 = tpu.vector_load %arg13[%swap3A_209, %swap3A_210, %swap3A_211] {strides = array<i32>} : memref<2x112x128xf32, #tpu.memory_space<vmem>>, vector<1x1x16xf32>,
          %swap3A_213 = vector.shape_cast %swap3A_212 : vector<1x1x16xf32> to vector<16xf32>
          %swap3A_214 = vector.shape_cast %mul3A_208 : vector<16xf32> to vector<1x1x16xf32>
          tpu.vector_store %arg13[%swap3A_209, %swap3A_210, %swap3A_211], %swap3A_214 {strides = array<i32>} : memref<2x112x128xf32, #tpu.memory_space<vmem>>, vector<1x1x16xf32>,
          %get3A_215 = arith.index_cast %sub3A_92 : i32 to index
          %get3A_216 = arith.index_cast %scan3A_166 : i32 to index
          %get3A_217 = arith.constant 32 : index
          %get3A_218 = tpu.vector_load %arg13[%get3A_215, %get3A_216, %get3A_217] {strides = array<i32>} : memref<2x112x128xf32, #tpu.memory_space<vmem>>, vector<1x1x16xf32>,
          %get3A_219 = vector.shape_cast %get3A_218 : vector<1x1x16xf32> to vector<16xf32>
          %mul3A_220 = vector.broadcast %squeeze3A : f32 to vector<16xf32>
          %mul3A_221 = arith.mulf %get3A_219, %mul3A_220 : vector<16xf32>
          %swap3A_222 = arith.index_cast %sub3A_92 : i32 to index
          %swap3A_223 = arith.index_cast %scan3A_166 : i32 to index
          %swap3A_224 = arith.constant 32 : index
          %swap3A_225 = tpu.vector_load %arg13[%swap3A_222, %swap3A_223, %swap3A_224] {strides = array<i32>} : memref<2x112x128xf32, #tpu.memory_space<vmem>>, vector<1x1x16xf32>,
          %swap3A_226 = vector.shape_cast %swap3A_225 : vector<1x1x16xf32> to vector<16xf32>
          %swap3A_227 = vector.shape_cast %mul3A_221 : vector<16xf32> to vector<1x1x16xf32>
          tpu.vector_store %arg13[%swap3A_222, %swap3A_223, %swap3A_224], %swap3A_227 {strides = array<i32>} : memref<2x112x128xf32, #tpu.memory_space<vmem>>, vector<1x1x16xf32>,
          %get3A_228 = arith.index_cast %sub3A_92 : i32 to index
          %get3A_229 = arith.index_cast %scan3A_166 : i32 to index
          %get3A_230 = arith.constant 48 : index
          %get3A_231 = tpu.vector_load %arg13[%get3A_228, %get3A_229, %get3A_230] {strides = array<i32>} : memref<2x112x128xf32, #tpu.memory_space<vmem>>, vector<1x1x16xf32>,
          %get3A_232 = vector.shape_cast %get3A_231 : vector<1x1x16xf32> to vector<16xf32>
          %mul3A_233 = vector.broadcast %squeeze3A : f32 to vector<16xf32>
          %mul3A_234 = arith.mulf %get3A_232, %mul3A_233 : vector<16xf32>
          %swap3A_235 = arith.index_cast %sub3A_92 : i32 to index
          %swap3A_236 = arith.index_cast %scan3A_166 : i32 to index
          %swap3A_237 = arith.constant 48 : index
          %swap3A_238 = tpu.vector_load %arg13[%swap3A_235, %swap3A_236, %swap3A_237] {strides = array<i32>} : memref<2x112x128xf32, #tpu.memory_space<vmem>>, vector<1x1x16xf32>,
          %swap3A_239 = vector.shape_cast %swap3A_238 : vector<1x1x16xf32> to vector<16xf32>
          %swap3A_240 = vector.shape_cast %mul3A_234 : vector<16xf32> to vector<1x1x16xf32>
          tpu.vector_store %arg13[%swap3A_235, %swap3A_236, %swap3A_237], %swap3A_240 {strides = array<i32>} : memref<2x112x128xf32, #tpu.memory_space<vmem>>, vector<1x1x16xf32>,
          %get3A_241 = arith.index_cast %sub3A_92 : i32 to index
          %get3A_242 = arith.index_cast %scan3A_166 : i32 to index
          %get3A_243 = arith.constant 64 : index
          %get3A_244 = tpu.vector_load %arg13[%get3A_241, %get3A_242, %get3A_243] {strides = array<i32>} : memref<2x112x128xf32, #tpu.memory_space<vmem>>, vector<1x1x16xf32>,
          %get3A_245 = vector.shape_cast %get3A_244 : vector<1x1x16xf32> to vector<16xf32>
          %mul3A_246 = vector.broadcast %squeeze3A : f32 to vector<16xf32>
          %mul3A_247 = arith.mulf %get3A_245, %mul3A_246 : vector<16xf32>
          %swap3A_248 = arith.index_cast %sub3A_92 : i32 to index
          %swap3A_249 = arith.index_cast %scan3A_166 : i32 to index
          %swap3A_250 = arith.constant 64 : index
          %swap3A_251 = tpu.vector_load %arg13[%swap3A_248, %swap3A_249, %swap3A_250] {strides = array<i32>} : memref<2x112x128xf32, #tpu.memory_space<vmem>>, vector<1x1x16xf32>,
          %swap3A_252 = vector.shape_cast %swap3A_251 : vector<1x1x16xf32> to vector<16xf32>
          %swap3A_253 = vector.shape_cast %mul3A_247 : vector<16xf32> to vector<1x1x16xf32>
          tpu.vector_store %arg13[%swap3A_248, %swap3A_249, %swap3A_250], %swap3A_253 {strides = array<i32>} : memref<2x112x128xf32, #tpu.memory_space<vmem>>, vector<1x1x16xf32>,
          %get3A_254 = arith.index_cast %sub3A_92 : i32 to index
          %get3A_255 = arith.index_cast %scan3A_166 : i32 to index
          %get3A_256 = arith.constant 80 : index
          %get3A_257 = tpu.vector_load %arg13[%get3A_254, %get3A_255, %get3A_256] {strides = array<i32>} : memref<2x112x128xf32, #tpu.memory_space<vmem>>, vector<1x1x16xf32>,
          %get3A_258 = vector.shape_cast %get3A_257 : vector<1x1x16xf32> to vector<16xf32>
          %mul3A_259 = vector.broadcast %squeeze3A : f32 to vector<16xf32>
          %mul3A_260 = arith.mulf %get3A_258, %mul3A_259 : vector<16xf32>
          %swap3A_261 = arith.index_cast %sub3A_92 : i32 to index
          %swap3A_262 = arith.index_cast %scan3A_166 : i32 to index
          %swap3A_263 = arith.constant 80 : index
          %swap3A_264 = tpu.vector_load %arg13[%swap3A_261, %swap3A_262, %swap3A_263] {strides = array<i32>} : memref<2x112x128xf32, #tpu.memory_space<vmem>>, vector<1x1x16xf32>,
          %swap3A_265 = vector.shape_cast %swap3A_264 : vector<1x1x16xf32> to vector<16xf32>
          %swap3A_266 = vector.shape_cast %mul3A_260 : vector<16xf32> to vector<1x1x16xf32>
          tpu.vector_store %arg13[%swap3A_261, %swap3A_262, %swap3A_263], %swap3A_266 {strides = array<i32>} : memref<2x112x128xf32, #tpu.memory_space<vmem>>, vector<1x1x16xf32>,
          %get3A_267 = arith.index_cast %sub3A_92 : i32 to index
          %get3A_268 = arith.index_cast %scan3A_166 : i32 to index
          %get3A_269 = arith.constant 96 : index
          %get3A_270 = tpu.vector_load %arg13[%get3A_267, %get3A_268, %get3A_269] {strides = array<i32>} : memref<2x112x128xf32, #tpu.memory_space<vmem>>, vector<1x1x16xf32>,
          %get3A_271 = vector.shape_cast %get3A_270 : vector<1x1x16xf32> to vector<16xf32>
          %mul3A_272 = vector.broadcast %squeeze3A : f32 to vector<16xf32>
          %mul3A_273 = arith.mulf %get3A_271, %mul3A_272 : vector<16xf32>
          %swap3A_274 = arith.index_cast %sub3A_92 : i32 to index
          %swap3A_275 = arith.index_cast %scan3A_166 : i32 to index
          %swap3A_276 = arith.constant 96 : index
          %swap3A_277 = tpu.vector_load %arg13[%swap3A_274, %swap3A_275, %swap3A_276] {strides = array<i32>} : memref<2x112x128xf32, #tpu.memory_space<vmem>>, vector<1x1x16xf32>,
          %swap3A_278 = vector.shape_cast %swap3A_277 : vector<1x1x16xf32> to vector<16xf32>
          %swap3A_279 = vector.shape_cast %mul3A_273 : vector<16xf32> to vector<1x1x16xf32>
          tpu.vector_store %arg13[%swap3A_274, %swap3A_275, %swap3A_276], %swap3A_279 {strides = array<i32>} : memref<2x112x128xf32, #tpu.memory_space<vmem>>, vector<1x1x16xf32>,
          %get3A_280 = arith.index_cast %sub3A_92 : i32 to index
          %get3A_281 = arith.index_cast %scan3A_166 : i32 to index
          %get3A_282 = arith.constant 112 : index
          %get3A_283 = tpu.vector_load %arg13[%get3A_280, %get3A_281, %get3A_282] {strides = array<i32>} : memref<2x112x128xf32, #tpu.memory_space<vmem>>, vector<1x1x16xf32>,
          %get3A_284 = vector.shape_cast %get3A_283 : vector<1x1x16xf32> to vector<16xf32>
          %mul3A_285 = vector.broadcast %squeeze3A : f32 to vector<16xf32>
          %mul3A_286 = arith.mulf %get3A_284, %mul3A_285 : vector<16xf32>
          %swap3A_287 = arith.index_cast %sub3A_92 : i32 to index
          %swap3A_288 = arith.index_cast %scan3A_166 : i32 to index
          %swap3A_289 = arith.constant 112 : index
          %swap3A_290 = tpu.vector_load %arg13[%swap3A_287, %swap3A_288, %swap3A_289] {strides = array<i32>} : memref<2x112x128xf32, #tpu.memory_space<vmem>>, vector<1x1x16xf32>,
          %swap3A_291 = vector.shape_cast %swap3A_290 : vector<1x1x16xf32> to vector<16xf32>
          %swap3A_292 = vector.shape_cast %mul3A_286 : vector<16xf32> to vector<1x1x16xf32>
          tpu.vector_store %arg13[%swap3A_287, %swap3A_288, %swap3A_289], %swap3A_292 {strides = array<i32>} : memref<2x112x128xf32, #tpu.memory_space<vmem>>, vector<1x1x16xf32>,
          %scan3A_293 = arith.constant 0 : i32
          scf.yield %scan3A_293 : i32
        }
        %scan3A_142 = arith.constant 112 : i32
        %dma_start3A = arith.constant 0 : i32
        %dma_start3A_143 = arith.constant 0 : i32
        %dma_start3A_144 = tpu.memref_slice %arg13[%sub3A_92, %dma_start3A, %dma_start3A_143] : memref<2x112x128xf32, #tpu.memory_space<vmem>> -> memref<1x112x128xf32, #tpu.memory_space<vmem>>
        %dma_start3A_145 = tpu.memref_squeeze %dma_start3A_144 : memref<1x112x128xf32, #tpu.memory_space<vmem>> -> memref<112x128xf32, #tpu.memory_space<vmem>>
        %dma_start3A_146 = arith.constant 0 : i32
        %dma_start3A_147 = tpu.memref_slice %arg10[%sub3A_92, %dma_start3A_146] : memref<2x112xi32, #tpu.memory_space<vmem>> -> memref<1x112xi32, #tpu.memory_space<vmem>>
        %dma_start3A_148 = tpu.memref_squeeze %dma_start3A_147 : memref<1x112xi32, #tpu.memory_space<vmem>> -> memref<112xi32, #tpu.memory_space<vmem>>
        %dma_start3A_149 = arith.constant 0 : i32
        %dma_start3A_150 = arith.constant 0 : i32
        %dma_start3A_151 = tpu.memref_slice %arg15[%dma_start3A_149, %dma_start3A_150] : memref<10112x128xf32, #tpu.memory_space<vmem_shared>> -> memref<10112x128xf32, #tpu.memory_space<vmem_shared>>
        %dma_start3A_152 = tpu.memref_slice %arg20[%sub3A_92] : memref<2x!tpu.dma_semaphore, #tpu.memory_space<semaphore_mem>> -> memref<1x!tpu.dma_semaphore, #tpu.memory_space<semaphore_mem>>
        %dma_start3A_153 = tpu.memref_squeeze %dma_start3A_152 : memref<1x!tpu.dma_semaphore, #tpu.memory_space<semaphore_mem>> -> memref<!tpu.dma_semaphore, #tpu.memory_space<semaphore_mem>>
        tpu.enqueue_indirect_dma source(%dma_start3A_145 : memref<112x128xf32, #tpu.memory_space<vmem>>) target(%dma_start3A_151 : memref<10112x128xf32, #tpu.memory_space<vmem_shared>>) offsets(%dma_start3A_148 : memref<112xi32, #tpu.memory_space<vmem>>) semaphore(%dma_start3A_153 : memref<!tpu.dma_semaphore, #tpu.memory_space<semaphore_mem>>) {add = true}
        %dma_start3A_154 = arith.constant 0 : i32
        %dma_start3A_155 = arith.constant 0 : i32
        %dma_start3A_156 = tpu.memref_slice %arg11[%sub3A_92, %dma_start3A_154, %dma_start3A_155] : memref<2x112x16xf32, #tpu.memory_space<vmem>> -> memref<1x112x16xf32, #tpu.memory_space<vmem>>
        %dma_start3A_157 = tpu.memref_squeeze %dma_start3A_156 : memref<1x112x16xf32, #tpu.memory_space<vmem>> -> memref<112x16xf32, #tpu.memory_space<vmem>>
        %dma_start3A_158 = arith.constant 0 : i32
        %dma_start3A_159 = tpu.memref_slice %arg10[%sub3A_92, %dma_start3A_158] : memref<2x112xi32, #tpu.memory_space<vmem>> -> memref<1x112xi32, #tpu.memory_space<vmem>>
        %dma_start3A_160 = tpu.memref_squeeze %dma_start3A_159 : memref<1x112xi32, #tpu.memory_space<vmem>> -> memref<112xi32, #tpu.memory_space<vmem>>
        %dma_start3A_161 = arith.constant 0 : i32
        %dma_start3A_162 = arith.constant 0 : i32
        %dma_start3A_163 = tpu.memref_slice %arg16[%dma_start3A_161, %dma_start3A_162] : memref<10112x16xf32, #tpu.memory_space<vmem_shared>> -> memref<10112x16xf32, #tpu.memory_space<vmem_shared>>
        %dma_start3A_164 = tpu.memref_slice %arg21[%sub3A_92] : memref<2x!tpu.dma_semaphore, #tpu.memory_space<semaphore_mem>> -> memref<1x!tpu.dma_semaphore, #tpu.memory_space<semaphore_mem>>
        %dma_start3A_165 = tpu.memref_squeeze %dma_start3A_164 : memref<1x!tpu.dma_semaphore, #tpu.memory_space<semaphore_mem>> -> memref<!tpu.dma_semaphore, #tpu.memory_space<semaphore_mem>>
        tpu.enqueue_indirect_dma source(%dma_start3A_157 : memref<112x16xf32, #tpu.memory_space<vmem>>) target(%dma_start3A_163 : memref<10112x16xf32, #tpu.memory_space<vmem_shared>>) offsets(%dma_start3A_160 : memref<112xi32, #tpu.memory_space<vmem>>) semaphore(%dma_start3A_165 : memref<!tpu.dma_semaphore, #tpu.memory_space<semaphore_mem>>) {add = true}
      } else {
      }
      %scan3A_99 = arith.constant 0 : i32
      scf.yield %scan3A_99 : i32
    }
    %scan3A_28 = arith.constant 94 : i32
    %dma_wait3A = arith.constant 0 : i32
    %dma_wait3A_29 = arith.constant 0 : i32
    %dma_wait3A_30 = arith.constant 0 : i32
    %dma_wait3A_31 = arith.constant 0 : i32
    %dma_wait3A_32 = arith.constant 0 : i32
    %dma_wait3A_33 = tpu.memref_slice %arg13[%dma_wait3A, %dma_wait3A_31, %dma_wait3A_32] : memref<2x112x128xf32, #tpu.memory_space<vmem>> -> memref<1x112x128xf32, #tpu.memory_space<vmem>>
    %dma_wait3A_34 = tpu.memref_squeeze %dma_wait3A_33 : memref<1x112x128xf32, #tpu.memory_space<vmem>> -> memref<112x128xf32, #tpu.memory_space<vmem>>
    %dma_wait3A_35 = arith.constant 0 : i32
    %dma_wait3A_36 = tpu.memref_slice %arg10[%dma_wait3A_29, %dma_wait3A_35] : memref<2x112xi32, #tpu.memory_space<vmem>> -> memref<1x112xi32, #tpu.memory_space<vmem>>
    %dma_wait3A_37 = tpu.memref_squeeze %dma_wait3A_36 : memref<1x112xi32, #tpu.memory_space<vmem>> -> memref<112xi32, #tpu.memory_space<vmem>>
    %dma_wait3A_38 = arith.constant 0 : i32
    %dma_wait3A_39 = arith.constant 0 : i32
    %dma_wait3A_40 = tpu.memref_slice %arg15[%dma_wait3A_38, %dma_wait3A_39] : memref<10112x128xf32, #tpu.memory_space<vmem_shared>> -> memref<10112x128xf32, #tpu.memory_space<vmem_shared>>
    %dma_wait3A_41 = tpu.memref_slice %arg20[%dma_wait3A_30] : memref<2x!tpu.dma_semaphore, #tpu.memory_space<semaphore_mem>> -> memref<1x!tpu.dma_semaphore, #tpu.memory_space<semaphore_mem>>
    %dma_wait3A_42 = tpu.memref_squeeze %dma_wait3A_41 : memref<1x!tpu.dma_semaphore, #tpu.memory_space<semaphore_mem>> -> memref<!tpu.dma_semaphore, #tpu.memory_space<semaphore_mem>>
    tpu.wait_indirect_dma semaphore(%dma_wait3A_42 : memref<!tpu.dma_semaphore, #tpu.memory_space<semaphore_mem>>) src(%dma_wait3A_34 : memref<112x128xf32, #tpu.memory_space<vmem>>) dst(%dma_wait3A_40 : memref<10112x128xf32, #tpu.memory_space<vmem_shared>>)
    %dma_wait3A_43 = arith.constant 0 : i32
    %dma_wait3A_44 = arith.constant 0 : i32
    %dma_wait3A_45 = arith.constant 0 : i32
    %dma_wait3A_46 = arith.constant 0 : i32
    %dma_wait3A_47 = arith.constant 0 : i32
    %dma_wait3A_48 = tpu.memref_slice %arg11[%dma_wait3A_43, %dma_wait3A_46, %dma_wait3A_47] : memref<2x112x16xf32, #tpu.memory_space<vmem>> -> memref<1x112x16xf32, #tpu.memory_space<vmem>>
    %dma_wait3A_49 = tpu.memref_squeeze %dma_wait3A_48 : memref<1x112x16xf32, #tpu.memory_space<vmem>> -> memref<112x16xf32, #tpu.memory_space<vmem>>
    %dma_wait3A_50 = arith.constant 0 : i32
    %dma_wait3A_51 = tpu.memref_slice %arg10[%dma_wait3A_44, %dma_wait3A_50] : memref<2x112xi32, #tpu.memory_space<vmem>> -> memref<1x112xi32, #tpu.memory_space<vmem>>
    %dma_wait3A_52 = tpu.memref_squeeze %dma_wait3A_51 : memref<1x112xi32, #tpu.memory_space<vmem>> -> memref<112xi32, #tpu.memory_space<vmem>>
    %dma_wait3A_53 = arith.constant 0 : i32
    %dma_wait3A_54 = arith.constant 0 : i32
    %dma_wait3A_55 = tpu.memref_slice %arg16[%dma_wait3A_53, %dma_wait3A_54] : memref<10112x16xf32, #tpu.memory_space<vmem_shared>> -> memref<10112x16xf32, #tpu.memory_space<vmem_shared>>
    %dma_wait3A_56 = tpu.memref_slice %arg21[%dma_wait3A_45] : memref<2x!tpu.dma_semaphore, #tpu.memory_space<semaphore_mem>> -> memref<1x!tpu.dma_semaphore, #tpu.memory_space<semaphore_mem>>
    %dma_wait3A_57 = tpu.memref_squeeze %dma_wait3A_56 : memref<1x!tpu.dma_semaphore, #tpu.memory_space<semaphore_mem>> -> memref<!tpu.dma_semaphore, #tpu.memory_space<semaphore_mem>>
    tpu.wait_indirect_dma semaphore(%dma_wait3A_57 : memref<!tpu.dma_semaphore, #tpu.memory_space<semaphore_mem>>) src(%dma_wait3A_49 : memref<112x16xf32, #tpu.memory_space<vmem>>) dst(%dma_wait3A_55 : memref<10112x16xf32, #tpu.memory_space<vmem_shared>>)
    %dma_wait3A_58 = arith.constant 1 : i32
    %dma_wait3A_59 = arith.constant 1 : i32
    %dma_wait3A_60 = arith.constant 1 : i32
    %dma_wait3A_61 = arith.constant 0 : i32
    %dma_wait3A_62 = arith.constant 0 : i32
    %dma_wait3A_63 = tpu.memref_slice %arg13[%dma_wait3A_58, %dma_wait3A_61, %dma_wait3A_62] : memref<2x112x128xf32, #tpu.memory_space<vmem>> -> memref<1x112x128xf32, #tpu.memory_space<vmem>>
    %dma_wait3A_64 = tpu.memref_squeeze %dma_wait3A_63 : memref<1x112x128xf32, #tpu.memory_space<vmem>> -> memref<112x128xf32, #tpu.memory_space<vmem>>
    %dma_wait3A_65 = arith.constant 0 : i32
    %dma_wait3A_66 = tpu.memref_slice %arg10[%dma_wait3A_59, %dma_wait3A_65] : memref<2x112xi32, #tpu.memory_space<vmem>> -> memref<1x112xi32, #tpu.memory_space<vmem>>
    %dma_wait3A_67 = tpu.memref_squeeze %dma_wait3A_66 : memref<1x112xi32, #tpu.memory_space<vmem>> -> memref<112xi32, #tpu.memory_space<vmem>>
    %dma_wait3A_68 = arith.constant 0 : i32
    %dma_wait3A_69 = arith.constant 0 : i32
    %dma_wait3A_70 = tpu.memref_slice %arg15[%dma_wait3A_68, %dma_wait3A_69] : memref<10112x128xf32, #tpu.memory_space<vmem_shared>> -> memref<10112x128xf32, #tpu.memory_space<vmem_shared>>
    %dma_wait3A_71 = tpu.memref_slice %arg20[%dma_wait3A_60] : memref<2x!tpu.dma_semaphore, #tpu.memory_space<semaphore_mem>> -> memref<1x!tpu.dma_semaphore, #tpu.memory_space<semaphore_mem>>
    %dma_wait3A_72 = tpu.memref_squeeze %dma_wait3A_71 : memref<1x!tpu.dma_semaphore, #tpu.memory_space<semaphore_mem>> -> memref<!tpu.dma_semaphore, #tpu.memory_space<semaphore_mem>>
    tpu.wait_indirect_dma semaphore(%dma_wait3A_72 : memref<!tpu.dma_semaphore, #tpu.memory_space<semaphore_mem>>) src(%dma_wait3A_64 : memref<112x128xf32, #tpu.memory_space<vmem>>) dst(%dma_wait3A_70 : memref<10112x128xf32, #tpu.memory_space<vmem_shared>>)
    %dma_wait3A_73 = arith.constant 1 : i32
    %dma_wait3A_74 = arith.constant 1 : i32
    %dma_wait3A_75 = arith.constant 1 : i32
    %dma_wait3A_76 = arith.constant 0 : i32
    %dma_wait3A_77 = arith.constant 0 : i32
    %dma_wait3A_78 = tpu.memref_slice %arg11[%dma_wait3A_73, %dma_wait3A_76, %dma_wait3A_77] : memref<2x112x16xf32, #tpu.memory_space<vmem>> -> memref<1x112x16xf32, #tpu.memory_space<vmem>>
    %dma_wait3A_79 = tpu.memref_squeeze %dma_wait3A_78 : memref<1x112x16xf32, #tpu.memory_space<vmem>> -> memref<112x16xf32, #tpu.memory_space<vmem>>
    %dma_wait3A_80 = arith.constant 0 : i32
    %dma_wait3A_81 = tpu.memref_slice %arg10[%dma_wait3A_74, %dma_wait3A_80] : memref<2x112xi32, #tpu.memory_space<vmem>> -> memref<1x112xi32, #tpu.memory_space<vmem>>
    %dma_wait3A_82 = tpu.memref_squeeze %dma_wait3A_81 : memref<1x112xi32, #tpu.memory_space<vmem>> -> memref<112xi32, #tpu.memory_space<vmem>>
    %dma_wait3A_83 = arith.constant 0 : i32
    %dma_wait3A_84 = arith.constant 0 : i32
    %dma_wait3A_85 = tpu.memref_slice %arg16[%dma_wait3A_83, %dma_wait3A_84] : memref<10112x16xf32, #tpu.memory_space<vmem_shared>> -> memref<10112x16xf32, #tpu.memory_space<vmem_shared>>
    %dma_wait3A_86 = tpu.memref_slice %arg21[%dma_wait3A_75] : memref<2x!tpu.dma_semaphore, #tpu.memory_space<semaphore_mem>> -> memref<1x!tpu.dma_semaphore, #tpu.memory_space<semaphore_mem>>
    %dma_wait3A_87 = tpu.memref_squeeze %dma_wait3A_86 : memref<1x!tpu.dma_semaphore, #tpu.memory_space<semaphore_mem>> -> memref<!tpu.dma_semaphore, #tpu.memory_space<semaphore_mem>>
    tpu.wait_indirect_dma semaphore(%dma_wait3A_87 : memref<!tpu.dma_semaphore, #tpu.memory_space<semaphore_mem>>) src(%dma_wait3A_79 : memref<112x16xf32, #tpu.memory_space<vmem>>) dst(%dma_wait3A_85 : memref<10112x16xf32, #tpu.memory_space<vmem_shared>>)
    %barrier3A_88 = arith.constant 0 : index
    tpu.barrier barrier_id(%barrier3A_88)
    "tpu.region"() ({
      %run_scoped3A_89 = tpu.sem_alloc : memref<!tpu.dma_semaphore, #tpu.memory_space<semaphore_mem>>
      %dma_start3A = arith.constant 0 : i32
      %dma_start3A_90 = tpu.memref_slice %arg7[%arg0, %mul3A_2, %dma_start3A] : memref<2x10112x128xf32, #tpu.memory_space<hbm>> -> memref<1x632x128xf32, #tpu.memory_space<hbm>>
      %dma_start3A_91 = tpu.memref_squeeze %dma_start3A_90 : memref<1x632x128xf32, #tpu.memory_space<hbm>> -> memref<632x128xf32, #tpu.memory_space<hbm>>
      %dma_start3A_92 = arith.constant 0 : i32
      %dma_start3A_93 = tpu.memref_slice %arg15[%mul3A_2, %dma_start3A_92] : memref<10112x128xf32, #tpu.memory_space<vmem_shared>> -> memref<632x128xf32, #tpu.memory_space<vmem_shared>>
      tpu.enqueue_dma source(%dma_start3A_93 : memref<632x128xf32, #tpu.memory_space<vmem_shared>>) target(%dma_start3A_91 : memref<632x128xf32, #tpu.memory_space<hbm>>) target_semaphore(%run_scoped3A_89 : memref<!tpu.dma_semaphore, #tpu.memory_space<semaphore_mem>>)
      %dma_wait3A_94 = arith.constant 0 : i32
      %dma_wait3A_95 = tpu.memref_slice %arg7[%arg0, %mul3A_2, %dma_wait3A_94] : memref<2x10112x128xf32, #tpu.memory_space<hbm>> -> memref<1x632x128xf32, #tpu.memory_space<hbm>>
      %dma_wait3A_96 = tpu.memref_squeeze %dma_wait3A_95 : memref<1x632x128xf32, #tpu.memory_space<hbm>> -> memref<632x128xf32, #tpu.memory_space<hbm>>
      %dma_wait3A_97 = arith.constant 0 : i32
      %dma_wait3A_98 = tpu.memref_slice %arg15[%mul3A_2, %dma_wait3A_97] : memref<10112x128xf32, #tpu.memory_space<vmem_shared>> -> memref<632x128xf32, #tpu.memory_space<vmem_shared>>
      tpu.wait_dma2 semaphore(%run_scoped3A_89 : memref<!tpu.dma_semaphore, #tpu.memory_space<semaphore_mem>>) src(%dma_wait3A_98 : memref<632x128xf32, #tpu.memory_space<vmem_shared>>) dst(%dma_wait3A_96 : memref<632x128xf32, #tpu.memory_space<hbm>>)
      tpu.yield
    }) : () -> ()
    "tpu.region"() ({
      %run_scoped3A_89 = tpu.sem_alloc : memref<!tpu.dma_semaphore, #tpu.memory_space<semaphore_mem>>
      %dma_start3A = arith.constant 0 : i32
      %dma_start3A_90 = tpu.memref_slice %arg8[%arg0, %mul3A_2, %dma_start3A] : memref<2x10112x16xf32, #tpu.memory_space<hbm>> -> memref<1x632x16xf32, #tpu.memory_space<hbm>>
      %dma_start3A_91 = tpu.memref_squeeze %dma_start3A_90 : memref<1x632x16xf32, #tpu.memory_space<hbm>> -> memref<632x16xf32, #tpu.memory_space<hbm>>
      %dma_start3A_92 = arith.constant 0 : i32
      %dma_start3A_93 = tpu.memref_slice %arg16[%mul3A_2, %dma_start3A_92] : memref<10112x16xf32, #tpu.memory_space<vmem_shared>> -> memref<632x16xf32, #tpu.memory_space<vmem_shared>>
      tpu.enqueue_dma source(%dma_start3A_93 : memref<632x16xf32, #tpu.memory_space<vmem_shared>>) target(%dma_start3A_91 : memref<632x16xf32, #tpu.memory_space<hbm>>) target_semaphore(%run_scoped3A_89 : memref<!tpu.dma_semaphore, #tpu.memory_space<semaphore_mem>>)
      %dma_wait3A_94 = arith.constant 0 : i32
      %dma_wait3A_95 = tpu.memref_slice %arg8[%arg0, %mul3A_2, %dma_wait3A_94] : memref<2x10112x16xf32, #tpu.memory_space<hbm>> -> memref<1x632x16xf32, #tpu.memory_space<hbm>>
      %dma_wait3A_96 = tpu.memref_squeeze %dma_wait3A_95 : memref<1x632x16xf32, #tpu.memory_space<hbm>> -> memref<632x16xf32, #tpu.memory_space<hbm>>
      %dma_wait3A_97 = arith.constant 0 : i32
      %dma_wait3A_98 = tpu.memref_slice %arg16[%mul3A_2, %dma_wait3A_97] : memref<10112x16xf32, #tpu.memory_space<vmem_shared>> -> memref<632x16xf32, #tpu.memory_space<vmem_shared>>
      tpu.wait_dma2 semaphore(%run_scoped3A_89 : memref<!tpu.dma_semaphore, #tpu.memory_space<semaphore_mem>>) src(%dma_wait3A_98 : memref<632x16xf32, #tpu.memory_space<vmem_shared>>) dst(%dma_wait3A_96 : memref<632x16xf32, #tpu.memory_space<hbm>>)
      tpu.yield
    }) : () -> ()
    return
  }
}

module attributes {stable_mosaic.version = 14 : i64} {
  func.func @_tc1_body(%arg0: i32, %arg1: memref<632x128xf32, #tpu.memory_space<vmem>>, %arg2: memref<128x128xf32, #tpu.memory_space<vmem>>, %arg3: memref<128x16xf32, #tpu.memory_space<vmem>>, %arg4: memref<128x16xf32, #tpu.memory_space<vmem>>, %arg5: memref<1x16xf32, #tpu.memory_space<vmem>>, %arg6: memref<632x128xf32, #tpu.memory_space<vmem>>, %arg7: memref<632x16xf32, #tpu.memory_space<vmem>>, %arg8: memref<632x16xf32, #tpu.memory_space<vmem>>) attributes {dimension_semantics = [#tpu.dimension_semantics<arbitrary>], iteration_bounds = array<i64: 16>, scalar_prefetch = 0 : i64, scratch_operands = 0 : i64, tpu.core_type = #tpu.core_type<tc>, window_params = [{transform_indices = @transform_0, window_bounds = array<i64: 632, 128>}, {pipeline_mode = #tpu.pipeline_mode<synchronous>, transform_indices = @transform_1, window_bounds = array<i64: 128, 128>}, {pipeline_mode = #tpu.pipeline_mode<synchronous>, transform_indices = @transform_2, window_bounds = array<i64: 128, 16>}, {pipeline_mode = #tpu.pipeline_mode<synchronous>, transform_indices = @transform_3, window_bounds = array<i64: 128, 16>}, {pipeline_mode = #tpu.pipeline_mode<synchronous>, transform_indices = @transform_4, window_bounds = array<i64: 1, 16>}, {transform_indices = @transform_5, window_bounds = array<i64: 632, 128>}, {transform_indices = @transform_6, window_bounds = array<i64: 632, 16>}, {transform_indices = @transform_7, window_bounds = array<i64: 632, 16>}]} {
    %get3A = arith.constant 0 : index
    %get3A_0 = arith.constant 0 : index
    %get3A_1 = vector.load %arg1[%get3A, %get3A_0] : memref<632x128xf32, #tpu.memory_space<vmem>>, vector<632x128xf32>
    %get3A_2 = arith.constant 0 : index
    %get3A_3 = arith.constant 0 : index
    %get3A_4 = vector.load %arg2[%get3A_2, %get3A_3] : memref<128x128xf32, #tpu.memory_space<vmem>>, vector<128x128xf32>
    %dot_general3A = arith.constant dense<0.000000e+00> : vector<632x128xf32>
    %dot_general3A_5 = tpu.matmul %get3A_1, %get3A_4, %dot_general3A {dimension_numbers = #tpu.dot_dimension_numbers<[1], [0], [0], [1], [0, 0, 1, 1], [], []>, transpose_lhs_hint = false} : vector<632x128xf32>, vector<128x128xf32>, vector<632x128xf32> -> vector<632x128xf32>
    %swap3A = arith.constant 0 : index
    %swap3A_6 = arith.constant 0 : index
    %swap3A_7 = vector.load %arg6[%swap3A, %swap3A_6] : memref<632x128xf32, #tpu.memory_space<vmem>>, vector<632x128xf32>
    tpu.vector_store %arg6[%swap3A, %swap3A_6], %dot_general3A_5 {strides = array<i32>} : memref<632x128xf32, #tpu.memory_space<vmem>>, vector<632x128xf32>,
    %get3A_8 = arith.constant 0 : index
    %get3A_9 = arith.constant 0 : index
    %get3A_10 = vector.load %arg3[%get3A_8, %get3A_9] : memref<128x16xf32, #tpu.memory_space<vmem>>, vector<128x16xf32>
    %dot_general3A_11 = arith.constant dense<0.000000e+00> : vector<632x16xf32>
    %dot_general3A_12 = tpu.matmul %dot_general3A_5, %get3A_10, %dot_general3A_11 {dimension_numbers = #tpu.dot_dimension_numbers<[1], [0], [0], [1], [0, 0, 1, 1], [], []>, transpose_lhs_hint = false} : vector<632x128xf32>, vector<128x16xf32>, vector<632x16xf32> -> vector<632x16xf32>
    %swap3A_13 = arith.constant 0 : index
    %swap3A_14 = arith.constant 0 : index
    %swap3A_15 = vector.load %arg7[%swap3A_13, %swap3A_14] : memref<632x16xf32, #tpu.memory_space<vmem>>, vector<632x16xf32>
    tpu.vector_store %arg7[%swap3A_13, %swap3A_14], %dot_general3A_12 {strides = array<i32>} : memref<632x16xf32, #tpu.memory_space<vmem>>, vector<632x16xf32>,
    %get3A_16 = arith.constant 0 : index
    %get3A_17 = arith.constant 0 : index
    %get3A_18 = vector.load %arg4[%get3A_16, %get3A_17] : memref<128x16xf32, #tpu.memory_space<vmem>>, vector<128x16xf32>
    %dot_general3A_19 = arith.constant dense<0.000000e+00> : vector<632x16xf32>
    %dot_general3A_20 = tpu.matmul %dot_general3A_5, %get3A_18, %dot_general3A_19 {dimension_numbers = #tpu.dot_dimension_numbers<[1], [0], [0], [1], [0, 0, 1, 1], [], []>, transpose_lhs_hint = false} : vector<632x128xf32>, vector<128x16xf32>, vector<632x16xf32> -> vector<632x16xf32>
    %get3A_21 = arith.constant 0 : index
    %get3A_22 = arith.constant 0 : index
    %get3A_23 = vector.load %arg5[%get3A_21, %get3A_22] : memref<1x16xf32, #tpu.memory_space<vmem>>, vector<1x16xf32>
    %add3A = vector.broadcast %get3A_23 : vector<1x16xf32> to vector<632x16xf32>
    %add3A_24 = arith.addf %dot_general3A_20, %add3A : vector<632x16xf32>
    %mul3A = arith.constant 632 : i32
    %mul3A_25 = arith.muli %arg0, %mul3A : i32
    %iota3A = tpu.iota {dimensions = array<i32: 0>} : vector<632x16xi32>
    %add3A_26 = vector.broadcast %mul3A_25 : i32 to vector<632x16xi32>
    %add3A_27 = arith.addi %add3A_26, %iota3A : vector<632x16xi32>
    %lt3A = arith.constant 10000 : i32
    %lt3A_28 = vector.broadcast %lt3A : i32 to vector<632x16xi32>
    %lt3A_29 = arith.cmpi slt, %add3A_27, %lt3A_28 : vector<632x16xi32>
    %jit3A = arith.constant -1.000000e+30 : f32
    %broadcast_in_dim3A = vector.broadcast %jit3A : f32 to vector<632x16xf32>
    %select_n3A = arith.select %lt3A_29, %add3A_24, %broadcast_in_dim3A : vector<632x16xi1>, vector<632x16xf32>
    %swap3A_30 = arith.constant 0 : index
    %swap3A_31 = arith.constant 0 : index
    %swap3A_32 = vector.load %arg8[%swap3A_30, %swap3A_31] : memref<632x16xf32, #tpu.memory_space<vmem>>, vector<632x16xf32>
    tpu.vector_store %arg8[%swap3A_30, %swap3A_31], %select_n3A {strides = array<i32>} : memref<632x16xf32, #tpu.memory_space<vmem>>, vector<632x16xf32>,
    return
  }
  func.func @transform_0(%arg0: i32) -> (i32, i32) {
    %c0_i32 = arith.constant 0 : i32
    %c0_i32_0 = arith.constant 0 : i32
    return %arg0, %c0_i32 : i32, i32
  }
  func.func @transform_1(%arg0: i32) -> (i32, i32) {
    %c0_i32 = arith.constant 0 : i32
    %c0_i32_0 = arith.constant 0 : i32
    %c0_i32_1 = arith.constant 0 : i32
    return %c0_i32, %c0_i32_0 : i32, i32
  }
  func.func @transform_2(%arg0: i32) -> (i32, i32) {
    %c0_i32 = arith.constant 0 : i32
    %c0_i32_0 = arith.constant 0 : i32
    %c0_i32_1 = arith.constant 0 : i32
    return %c0_i32, %c0_i32_0 : i32, i32
  }
  func.func @transform_3(%arg0: i32) -> (i32, i32) {
    %c0_i32 = arith.constant 0 : i32
    %c0_i32_0 = arith.constant 0 : i32
    %c0_i32_1 = arith.constant 0 : i32
    return %c0_i32, %c0_i32_0 : i32, i32
  }
  func.func @transform_4(%arg0: i32) -> (i32, i32) {
    %c0_i32 = arith.constant 0 : i32
    %c0_i32_0 = arith.constant 0 : i32
    %c0_i32_1 = arith.constant 0 : i32
    return %c0_i32, %c0_i32_0 : i32, i32
  }
  func.func @transform_5(%arg0: i32) -> (i32, i32) {
    %c0_i32 = arith.constant 0 : i32
    %c0_i32_0 = arith.constant 0 : i32
    return %arg0, %c0_i32 : i32, i32
  }
  func.func @transform_6(%arg0: i32) -> (i32, i32) {
    %c0_i32 = arith.constant 0 : i32
    %c0_i32_0 = arith.constant 0 : i32
    return %arg0, %c0_i32 : i32, i32
  }
  func.func @transform_7(%arg0: i32) -> (i32, i32) {
    %c0_i32 = arith.constant 0 : i32
    %c0_i32_0 = arith.constant 0 : i32
    return %arg0, %c0_i32 : i32, i32
  }
}

module attributes {stable_mosaic.version = 14 : i64} {
  func.func @_tc2_body(%arg0: i32, %arg1: memref<2x632x128xf32, #tpu.memory_space<vmem>>, %arg2: memref<2x632x16xf32, #tpu.memory_space<vmem>>, %arg3: memref<16x128xf32, #tpu.memory_space<vmem>>, %arg4: memref<1x128xf32, #tpu.memory_space<vmem>>, %arg5: memref<128x128xf32, #tpu.memory_space<vmem>>, %arg6: memref<128x16xf32, #tpu.memory_space<vmem>>, %arg7: memref<128x16xf32, #tpu.memory_space<vmem>>, %arg8: memref<1x16xf32, #tpu.memory_space<vmem>>, %arg9: memref<632x128xf32, #tpu.memory_space<vmem>>, %arg10: memref<632x16xf32, #tpu.memory_space<vmem>>, %arg11: memref<632x16xf32, #tpu.memory_space<vmem>>) attributes {dimension_semantics = [#tpu.dimension_semantics<arbitrary>], iteration_bounds = array<i64: 16>, scalar_prefetch = 0 : i64, scratch_operands = 0 : i64, tpu.core_type = #tpu.core_type<tc>, window_params = [{transform_indices = @transform_0, window_bounds = array<i64: 2, 632, 128>}, {transform_indices = @transform_1, window_bounds = array<i64: 2, 632, 16>}, {pipeline_mode = #tpu.pipeline_mode<synchronous>, transform_indices = @transform_2, window_bounds = array<i64: 16, 128>}, {pipeline_mode = #tpu.pipeline_mode<synchronous>, transform_indices = @transform_3, window_bounds = array<i64: 1, 128>}, {pipeline_mode = #tpu.pipeline_mode<synchronous>, transform_indices = @transform_4, window_bounds = array<i64: 128, 128>}, {pipeline_mode = #tpu.pipeline_mode<synchronous>, transform_indices = @transform_5, window_bounds = array<i64: 128, 16>}, {pipeline_mode = #tpu.pipeline_mode<synchronous>, transform_indices = @transform_6, window_bounds = array<i64: 128, 16>}, {pipeline_mode = #tpu.pipeline_mode<synchronous>, transform_indices = @transform_7, window_bounds = array<i64: 1, 16>}, {transform_indices = @transform_8, window_bounds = array<i64: 632, 128>}, {transform_indices = @transform_9, window_bounds = array<i64: 632, 16>}, {transform_indices = @transform_10, window_bounds = array<i64: 632, 16>}]} {
    %get3A = arith.constant 0 : index
    %get3A_0 = arith.constant 0 : index
    %get3A_1 = arith.constant 0 : index
    %get3A_2 = vector.load %arg1[%get3A, %get3A_0, %get3A_1] : memref<2x632x128xf32, #tpu.memory_space<vmem>>, vector<1x632x128xf32>
    %get3A_3 = vector.shape_cast %get3A_2 : vector<1x632x128xf32> to vector<632x128xf32>
    %get3A_4 = arith.constant 1 : index
    %get3A_5 = arith.constant 0 : index
    %get3A_6 = arith.constant 0 : index
    %get3A_7 = vector.load %arg1[%get3A_4, %get3A_5, %get3A_6] : memref<2x632x128xf32, #tpu.memory_space<vmem>>, vector<1x632x128xf32>
    %get3A_8 = vector.shape_cast %get3A_7 : vector<1x632x128xf32> to vector<632x128xf32>
    %add3A = arith.addf %get3A_3, %get3A_8 : vector<632x128xf32>
    %get3A_9 = arith.constant 0 : index
    %get3A_10 = arith.constant 0 : index
    %get3A_11 = arith.constant 0 : index
    %get3A_12 = vector.load %arg2[%get3A_9, %get3A_10, %get3A_11] : memref<2x632x16xf32, #tpu.memory_space<vmem>>, vector<1x632x16xf32>
    %get3A_13 = vector.shape_cast %get3A_12 : vector<1x632x16xf32> to vector<632x16xf32>
    %get3A_14 = arith.constant 1 : index
    %get3A_15 = arith.constant 0 : index
    %get3A_16 = arith.constant 0 : index
    %get3A_17 = vector.load %arg2[%get3A_14, %get3A_15, %get3A_16] : memref<2x632x16xf32, #tpu.memory_space<vmem>>, vector<1x632x16xf32>
    %get3A_18 = vector.shape_cast %get3A_17 : vector<1x632x16xf32> to vector<632x16xf32>
    %add3A_19 = arith.addf %get3A_13, %get3A_18 : vector<632x16xf32>
    %get3A_20 = arith.constant 0 : index
    %get3A_21 = arith.constant 0 : index
    %get3A_22 = vector.load %arg3[%get3A_20, %get3A_21] : memref<16x128xf32, #tpu.memory_space<vmem>>, vector<16x128xf32>
    %dot_general3A = arith.constant dense<0.000000e+00> : vector<632x128xf32>
    %dot_general3A_23 = tpu.matmul %add3A_19, %get3A_22, %dot_general3A {dimension_numbers = #tpu.dot_dimension_numbers<[1], [0], [0], [1], [0, 0, 1, 1], [], []>, transpose_lhs_hint = false} : vector<632x16xf32>, vector<16x128xf32>, vector<632x128xf32> -> vector<632x128xf32>
    %add3A_24 = arith.constant 1.000000e-16 : f32
    %add3A_25 = vector.broadcast %add3A_24 : f32 to vector<632x128xf32>
    %add3A_26 = arith.addf %dot_general3A_23, %add3A_25 : vector<632x128xf32>
    %div3A = arith.divf %add3A, %add3A_26 : vector<632x128xf32>
    %get3A_27 = arith.constant 0 : index
    %get3A_28 = arith.constant 0 : index
    %get3A_29 = vector.load %arg4[%get3A_27, %get3A_28] : memref<1x128xf32, #tpu.memory_space<vmem>>, vector<1x128xf32>
    %add3A_30 = vector.broadcast %get3A_29 : vector<1x128xf32> to vector<632x128xf32>
    %add3A_31 = arith.addf %div3A, %add3A_30 : vector<632x128xf32>
    %gt3A = arith.constant 0.000000e+00 : f32
    %gt3A_32 = vector.broadcast %gt3A : f32 to vector<632x128xf32>
    %gt3A_33 = arith.cmpf ogt, %add3A_31, %gt3A_32 : vector<632x128xf32>
    %min3A = arith.constant 0.000000e+00 : f32
    %min3A_34 = vector.broadcast %min3A : f32 to vector<632x128xf32>
    %min3A_35 = arith.minimumf %add3A_31, %min3A_34 : vector<632x128xf32>
    %exp3A = math.exp %min3A_35 : vector<632x128xf32>
    %sub3A = arith.constant 1.000000e+00 : f32
    %sub3A_36 = vector.broadcast %sub3A : f32 to vector<632x128xf32>
    %sub3A_37 = arith.subf %exp3A, %sub3A_36 : vector<632x128xf32>
    %select_n3A = arith.select %gt3A_33, %add3A_31, %sub3A_37 : vector<632x128xi1>, vector<632x128xf32>
    %get3A_38 = arith.constant 0 : index
    %get3A_39 = arith.constant 0 : index
    %get3A_40 = vector.load %arg5[%get3A_38, %get3A_39] : memref<128x128xf32, #tpu.memory_space<vmem>>, vector<128x128xf32>
    %dot_general3A_41 = arith.constant dense<0.000000e+00> : vector<632x128xf32>
    %dot_general3A_42 = tpu.matmul %select_n3A, %get3A_40, %dot_general3A_41 {dimension_numbers = #tpu.dot_dimension_numbers<[1], [0], [0], [1], [0, 0, 1, 1], [], []>, transpose_lhs_hint = false} : vector<632x128xf32>, vector<128x128xf32>, vector<632x128xf32> -> vector<632x128xf32>
    %swap3A = arith.constant 0 : index
    %swap3A_43 = arith.constant 0 : index
    %swap3A_44 = vector.load %arg9[%swap3A, %swap3A_43] : memref<632x128xf32, #tpu.memory_space<vmem>>, vector<632x128xf32>
    tpu.vector_store %arg9[%swap3A, %swap3A_43], %dot_general3A_42 {strides = array<i32>} : memref<632x128xf32, #tpu.memory_space<vmem>>, vector<632x128xf32>,
    %get3A_45 = arith.constant 0 : index
    %get3A_46 = arith.constant 0 : index
    %get3A_47 = vector.load %arg6[%get3A_45, %get3A_46] : memref<128x16xf32, #tpu.memory_space<vmem>>, vector<128x16xf32>
    %dot_general3A_48 = arith.constant dense<0.000000e+00> : vector<632x16xf32>
    %dot_general3A_49 = tpu.matmul %dot_general3A_42, %get3A_47, %dot_general3A_48 {dimension_numbers = #tpu.dot_dimension_numbers<[1], [0], [0], [1], [0, 0, 1, 1], [], []>, transpose_lhs_hint = false} : vector<632x128xf32>, vector<128x16xf32>, vector<632x16xf32> -> vector<632x16xf32>
    %swap3A_50 = arith.constant 0 : index
    %swap3A_51 = arith.constant 0 : index
    %swap3A_52 = vector.load %arg10[%swap3A_50, %swap3A_51] : memref<632x16xf32, #tpu.memory_space<vmem>>, vector<632x16xf32>
    tpu.vector_store %arg10[%swap3A_50, %swap3A_51], %dot_general3A_49 {strides = array<i32>} : memref<632x16xf32, #tpu.memory_space<vmem>>, vector<632x16xf32>,
    %get3A_53 = arith.constant 0 : index
    %get3A_54 = arith.constant 0 : index
    %get3A_55 = vector.load %arg7[%get3A_53, %get3A_54] : memref<128x16xf32, #tpu.memory_space<vmem>>, vector<128x16xf32>
    %dot_general3A_56 = arith.constant dense<0.000000e+00> : vector<632x16xf32>
    %dot_general3A_57 = tpu.matmul %dot_general3A_42, %get3A_55, %dot_general3A_56 {dimension_numbers = #tpu.dot_dimension_numbers<[1], [0], [0], [1], [0, 0, 1, 1], [], []>, transpose_lhs_hint = false} : vector<632x128xf32>, vector<128x16xf32>, vector<632x16xf32> -> vector<632x16xf32>
    %get3A_58 = arith.constant 0 : index
    %get3A_59 = arith.constant 0 : index
    %get3A_60 = vector.load %arg8[%get3A_58, %get3A_59] : memref<1x16xf32, #tpu.memory_space<vmem>>, vector<1x16xf32>
    %add3A_61 = vector.broadcast %get3A_60 : vector<1x16xf32> to vector<632x16xf32>
    %add3A_62 = arith.addf %dot_general3A_57, %add3A_61 : vector<632x16xf32>
    %mul3A = arith.constant 632 : i32
    %mul3A_63 = arith.muli %arg0, %mul3A : i32
    %iota3A = tpu.iota {dimensions = array<i32: 0>} : vector<632x16xi32>
    %add3A_64 = vector.broadcast %mul3A_63 : i32 to vector<632x16xi32>
    %add3A_65 = arith.addi %add3A_64, %iota3A : vector<632x16xi32>
    %lt3A = arith.constant 10000 : i32
    %lt3A_66 = vector.broadcast %lt3A : i32 to vector<632x16xi32>
    %lt3A_67 = arith.cmpi slt, %add3A_65, %lt3A_66 : vector<632x16xi32>
    %jit3A = arith.constant -1.000000e+30 : f32
    %broadcast_in_dim3A = vector.broadcast %jit3A : f32 to vector<632x16xf32>
    %select_n3A_68 = arith.select %lt3A_67, %add3A_62, %broadcast_in_dim3A : vector<632x16xi1>, vector<632x16xf32>
    %swap3A_69 = arith.constant 0 : index
    %swap3A_70 = arith.constant 0 : index
    %swap3A_71 = vector.load %arg11[%swap3A_69, %swap3A_70] : memref<632x16xf32, #tpu.memory_space<vmem>>, vector<632x16xf32>
    tpu.vector_store %arg11[%swap3A_69, %swap3A_70], %select_n3A_68 {strides = array<i32>} : memref<632x16xf32, #tpu.memory_space<vmem>>, vector<632x16xf32>,
    return
  }
  func.func @transform_0(%arg0: i32) -> (i32, i32, i32) {
    %c0_i32 = arith.constant 0 : i32
    %c0_i32_0 = arith.constant 0 : i32
    %c0_i32_1 = arith.constant 0 : i32
    return %c0_i32, %arg0, %c0_i32_0 : i32, i32, i32
  }
  func.func @transform_1(%arg0: i32) -> (i32, i32, i32) {
    %c0_i32 = arith.constant 0 : i32
    %c0_i32_0 = arith.constant 0 : i32
    %c0_i32_1 = arith.constant 0 : i32
    return %c0_i32, %arg0, %c0_i32_0 : i32, i32, i32
  }
  func.func @transform_2(%arg0: i32) -> (i32, i32) {
    %c0_i32 = arith.constant 0 : i32
    %c0_i32_0 = arith.constant 0 : i32
    %c0_i32_1 = arith.constant 0 : i32
    return %c0_i32, %c0_i32_0 : i32, i32
  }
  func.func @transform_3(%arg0: i32) -> (i32, i32) {
    %c0_i32 = arith.constant 0 : i32
    %c0_i32_0 = arith.constant 0 : i32
    %c0_i32_1 = arith.constant 0 : i32
    return %c0_i32, %c0_i32_0 : i32, i32
  }
  func.func @transform_4(%arg0: i32) -> (i32, i32) {
    %c0_i32 = arith.constant 0 : i32
    %c0_i32_0 = arith.constant 0 : i32
    %c0_i32_1 = arith.constant 0 : i32
    return %c0_i32, %c0_i32_0 : i32, i32
  }
  func.func @transform_5(%arg0: i32) -> (i32, i32) {
    %c0_i32 = arith.constant 0 : i32
    %c0_i32_0 = arith.constant 0 : i32
    %c0_i32_1 = arith.constant 0 : i32
    return %c0_i32, %c0_i32_0 : i32, i32
  }
  func.func @transform_6(%arg0: i32) -> (i32, i32) {
    %c0_i32 = arith.constant 0 : i32
    %c0_i32_0 = arith.constant 0 : i32
    %c0_i32_1 = arith.constant 0 : i32
    return %c0_i32, %c0_i32_0 : i32, i32
  }
  func.func @transform_7(%arg0: i32) -> (i32, i32) {
    %c0_i32 = arith.constant 0 : i32
    %c0_i32_0 = arith.constant 0 : i32
    %c0_i32_1 = arith.constant 0 : i32
    return %c0_i32, %c0_i32_0 : i32, i32
  }
  func.func @transform_8(%arg0: i32) -> (i32, i32) {
    %c0_i32 = arith.constant 0 : i32
    %c0_i32_0 = arith.constant 0 : i32
    return %arg0, %c0_i32 : i32, i32
  }
  func.func @transform_9(%arg0: i32) -> (i32, i32) {
    %c0_i32 = arith.constant 0 : i32
    %c0_i32_0 = arith.constant 0 : i32
    return %arg0, %c0_i32 : i32, i32
  }
  func.func @transform_10(%arg0: i32) -> (i32, i32) {
    %c0_i32 = arith.constant 0 : i32
    %c0_i32_0 = arith.constant 0 : i32
    return %arg0, %c0_i32 : i32, i32
  }
}

module attributes {stable_mosaic.version = 14 : i64} {
  func.func @_tc3_body(%arg0: i32, %arg1: memref<2x632x128xf32, #tpu.memory_space<vmem>>, %arg2: memref<2x632x16xf32, #tpu.memory_space<vmem>>, %arg3: memref<16x128xf32, #tpu.memory_space<vmem>>, %arg4: memref<1x128xf32, #tpu.memory_space<vmem>>, %arg5: memref<632x128xf32, #tpu.memory_space<vmem>>) attributes {dimension_semantics = [#tpu.dimension_semantics<arbitrary>], iteration_bounds = array<i64: 16>, scalar_prefetch = 0 : i64, scratch_operands = 0 : i64, tpu.core_type = #tpu.core_type<tc>, window_params = [{transform_indices = @transform_0, window_bounds = array<i64: 2, 632, 128>}, {transform_indices = @transform_1, window_bounds = array<i64: 2, 632, 16>}, {pipeline_mode = #tpu.pipeline_mode<synchronous>, transform_indices = @transform_2, window_bounds = array<i64: 16, 128>}, {pipeline_mode = #tpu.pipeline_mode<synchronous>, transform_indices = @transform_3, window_bounds = array<i64: 1, 128>}, {transform_indices = @transform_4, window_bounds = array<i64: 632, 128>}]} {
    %get3A = arith.constant 0 : index
    %get3A_0 = arith.constant 0 : index
    %get3A_1 = arith.constant 0 : index
    %get3A_2 = vector.load %arg1[%get3A, %get3A_0, %get3A_1] : memref<2x632x128xf32, #tpu.memory_space<vmem>>, vector<1x632x128xf32>
    %get3A_3 = vector.shape_cast %get3A_2 : vector<1x632x128xf32> to vector<632x128xf32>
    %get3A_4 = arith.constant 1 : index
    %get3A_5 = arith.constant 0 : index
    %get3A_6 = arith.constant 0 : index
    %get3A_7 = vector.load %arg1[%get3A_4, %get3A_5, %get3A_6] : memref<2x632x128xf32, #tpu.memory_space<vmem>>, vector<1x632x128xf32>
    %get3A_8 = vector.shape_cast %get3A_7 : vector<1x632x128xf32> to vector<632x128xf32>
    %add3A = arith.addf %get3A_3, %get3A_8 : vector<632x128xf32>
    %get3A_9 = arith.constant 0 : index
    %get3A_10 = arith.constant 0 : index
    %get3A_11 = arith.constant 0 : index
    %get3A_12 = vector.load %arg2[%get3A_9, %get3A_10, %get3A_11] : memref<2x632x16xf32, #tpu.memory_space<vmem>>, vector<1x632x16xf32>
    %get3A_13 = vector.shape_cast %get3A_12 : vector<1x632x16xf32> to vector<632x16xf32>
    %get3A_14 = arith.constant 1 : index
    %get3A_15 = arith.constant 0 : index
    %get3A_16 = arith.constant 0 : index
    %get3A_17 = vector.load %arg2[%get3A_14, %get3A_15, %get3A_16] : memref<2x632x16xf32, #tpu.memory_space<vmem>>, vector<1x632x16xf32>
    %get3A_18 = vector.shape_cast %get3A_17 : vector<1x632x16xf32> to vector<632x16xf32>
    %add3A_19 = arith.addf %get3A_13, %get3A_18 : vector<632x16xf32>
    %get3A_20 = arith.constant 0 : index
    %get3A_21 = arith.constant 0 : index
    %get3A_22 = vector.load %arg3[%get3A_20, %get3A_21] : memref<16x128xf32, #tpu.memory_space<vmem>>, vector<16x128xf32>
    %dot_general3A = arith.constant dense<0.000000e+00> : vector<632x128xf32>
    %dot_general3A_23 = tpu.matmul %add3A_19, %get3A_22, %dot_general3A {dimension_numbers = #tpu.dot_dimension_numbers<[1], [0], [0], [1], [0, 0, 1, 1], [], []>, transpose_lhs_hint = false} : vector<632x16xf32>, vector<16x128xf32>, vector<632x128xf32> -> vector<632x128xf32>
    %add3A_24 = arith.constant 1.000000e-16 : f32
    %add3A_25 = vector.broadcast %add3A_24 : f32 to vector<632x128xf32>
    %add3A_26 = arith.addf %dot_general3A_23, %add3A_25 : vector<632x128xf32>
    %div3A = arith.divf %add3A, %add3A_26 : vector<632x128xf32>
    %get3A_27 = arith.constant 0 : index
    %get3A_28 = arith.constant 0 : index
    %get3A_29 = vector.load %arg4[%get3A_27, %get3A_28] : memref<1x128xf32, #tpu.memory_space<vmem>>, vector<1x128xf32>
    %add3A_30 = vector.broadcast %get3A_29 : vector<1x128xf32> to vector<632x128xf32>
    %add3A_31 = arith.addf %div3A, %add3A_30 : vector<632x128xf32>
    %swap3A = arith.constant 0 : index
    %swap3A_32 = arith.constant 0 : index
    %swap3A_33 = vector.load %arg5[%swap3A, %swap3A_32] : memref<632x128xf32, #tpu.memory_space<vmem>>, vector<632x128xf32>
    tpu.vector_store %arg5[%swap3A, %swap3A_32], %add3A_31 {strides = array<i32>} : memref<632x128xf32, #tpu.memory_space<vmem>>, vector<632x128xf32>,
    return
  }
  func.func @transform_0(%arg0: i32) -> (i32, i32, i32) {
    %c0_i32 = arith.constant 0 : i32
    %c0_i32_0 = arith.constant 0 : i32
    %c0_i32_1 = arith.constant 0 : i32
    return %c0_i32, %arg0, %c0_i32_0 : i32, i32, i32
  }
  func.func @transform_1(%arg0: i32) -> (i32, i32, i32) {
    %c0_i32 = arith.constant 0 : i32
    %c0_i32_0 = arith.constant 0 : i32
    %c0_i32_1 = arith.constant 0 : i32
    return %c0_i32, %arg0, %c0_i32_0 : i32, i32, i32
  }
  func.func @transform_2(%arg0: i32) -> (i32, i32) {
    %c0_i32 = arith.constant 0 : i32
    %c0_i32_0 = arith.constant 0 : i32
    %c0_i32_1 = arith.constant 0 : i32
    return %c0_i32, %c0_i32_0 : i32, i32
  }
  func.func @transform_3(%arg0: i32) -> (i32, i32) {
    %c0_i32 = arith.constant 0 : i32
    %c0_i32_0 = arith.constant 0 : i32
    %c0_i32_1 = arith.constant 0 : i32
    return %c0_i32, %c0_i32_0 : i32, i32
  }
  func.func @transform_4(%arg0: i32) -> (i32, i32) {
    %c0_i32 = arith.constant 0 : i32
    %c0_i32_0 = arith.constant 0 : i32
    return %arg0, %c0_i32 : i32, i32
  }
}

</mosaic_0001>

<sc_bundles>
// kernel: kernel.10.cloned.1.call-start
scs
__scs_entry_jumppad:
0x0: {  	(pc) =	sbr.rel $0x88, $3  }
0x1: {  	(tag) =	ssettag $0x0;
	lr =	simm.s32 $0x1  }
0x2: {  	[smem:$0x3F97] =	sst lr;
	_ =	strace $0xD0000000  }
0x3: {  	_ = 	snop  }
0x4: {  	_ = 	snop  }
0x5: {  	_ = 	snop  }
0x6: {  	_ = 	snop  }
0x7: {  	_ = 	snop  }
__scs_overlays_trampoline_lowered:
0x8: {  	[smem:$0x3FA6] =	sst s0  }
0x9: {  	[smem:$0x3FA7] =	sst s1  }
0xa: {  	[smem:$0x3FA8] =	sst s2  }
0xb: {  	[smem:$0x3FA9] =	sst s3  }
0xc: {  	[smem:$0x3FAA] =	sst s4  }
0xd: {  	[smem:$0x3FAB] =	sst s5  }
0xe: {  	[smem:$0x3FAC] =	sst s6  }
0xf: {  	[smem:$0x3FAD] =	sst s7  }
0x10: {  	[smem:$0x3FAE] =	sst s8  }
0x11: {  	[smem:$0x3FAF] =	sst s9;
	s0 =	simm.s32 @!p0 $0x0  }
0x12: {  	s1 =	sld [smem:$0x3F95];
	s0 =	simm.s32 @p0 $0x1  }
0x13: {  	[smem:$0x3FB0] =	sst s0;
	s0 =	simm.s32 @!p1 $0x0  }
0x14: {  	s2 =	sld [smem:$0x3F94];
	s0 =	simm.s32 @p1 $0x1  }
0x15: {  	[smem:$0x3FB1] =	sst s0;
	s0 =	simm.s32 @!p2 $0x0  }
0x16: {  	s3 =	sld [smem:$0x3FDB];
	s0 =	simm.s32 @p2 $0x1  }
0x17: {  	s4 =	simm.s32 $0x1BF5;
	[smem:$0x3FB3] =	sst s0  }
0x18: {  	s0 =	sld [smem:$0x3F96];
	_ =	swait.ge [sflag:s4], $0x0  }
0x19: {  	s7 =	sld [smem:$0x3F97]  }
0x1a: {  	s8 =	sadd.s32 $0xFFFFE003, lr  }
0x1b: {  	s9 =	sadd.s32 $0xFFFFFEF7, lr;
	s5 =	simm.s32 $0xFFFFFFFF;
	p2 =	slt.u32 s8, $0xFFFFF086  }
0x1c: {  	p1 =	slt.u32 s9, $0xF7A;
	s5 =	simm.s32 @!p2 $0x0  }
0x1d: {  	s5 =	simm.s32 @p1 $0x1;
	p0 =	seq.s32 s7, s2  }
0x1e: {  	s7 =	smul.u32 @!p0 $0xF7A, s2;
	p2 =	seq.s32 @!p0 s5, $0x0  }
0x1f: {  	s9 =	smul.u32 $0xF7A, s1;
	s8 =	simm.s32 @!p0 $0x1BF5;
	p2 =	por !p2, p0  }
0x20: {  	[sflag:s8] =	ssyncset.s32 @!p0 $0xFFFFF086;
	s6 =	sadd.s32 @!p0 s3, s7;
	s7 =	simm.s32 @!p0 $0x108  }
0x21: {  	s3 =	sadd.s32 s3, s9;
	s6 =	sadd.s32 @!p0 $0x88, s6;
	s7 =	simm.s32 @p2 $0x1082  }
0x22: {  	[simem:s7], [sflag:s8] =	dma.local @!p0 [hbm:s6], $0xF7A  }
0x23: {  	s9 =	sor.u32 $0xD0000000, s2;
	s6 =	simm.s32 $0x108;
	_ =	swait.ge @!p0 [sflag:s8], $0x0  }
0x24: {  	s3 =	sadd.s32 $0x88, s3;
	s6 =	simm.s32 @!p1 $0x1082;
	[sflag:s4] =	ssyncset.s32 $0xFFFFF086  }
0x25: {  	[simem:s6], [sflag:s4] =	dma.local [hbm:s3], $0xF7A  }
0x26: {  	[smem:$0x3F97] =	sst s1;
	(tag) =	ssettag s2;
	_ =	strace s9  }
0x27: {  	s1 =	sld [smem:$0x3FA7]  }
0x28: {  	s2 =	sld [smem:$0x3FA8]  }
0x29: {  	s4 =	sld [smem:$0x3FAA]  }
0x2a: {  	p0 =	seq.s32 s5, $0x0;
	s5 =	sld [smem:$0x3FAB]  }
0x2b: {  	s6 =	sld [smem:$0x3FAC]  }
0x2c: {  	s7 =	sld [smem:$0x3FAD]  }
0x2d: {  	s3 =	simm.s32 $0x108;
	s8 =	sld [smem:$0x3FAE]  }
0x2e: {  	s3 =	simm.s32 @!p0 $0x1082;
	s9 =	sld [smem:$0x3FAF]  }
0x2f: {  	lr =	sadd.s32 s0, s3;
	s0 =	sld [smem:$0x3FA6]  }
0x30: {  	s3 =	sld [smem:$0x3FA9]  }
0x31: {  	[smem:$0x3FB2] =	sst s10  }
0x32: {  	s10 =	sld [smem:$0x3FB0];
	_ =	sdelay $0x3  }
0x33: {  	p0 =	seq.s32 s10, $0x1;
	s10 =	sld [smem:$0x3FB2];
	_ =	sdelay $0x3  }
0x34: {  	[smem:$0x3FB2] =	sst s10  }
0x35: {  	s10 =	sld [smem:$0x3FB1];
	_ =	sdelay $0x3  }
0x36: {  	p1 =	seq.s32 s10, $0x1;
	s10 =	sld [smem:$0x3FB2];
	_ =	sdelay $0x3  }
0x37: {  	[smem:$0x3FB2] =	sst s10  }
0x38: {  	s10 =	sld [smem:$0x3FB3]  }
0x39: {  	_ = 	snop;
	(pc) =	sbr.ind lr, $3  }
0x3a: {  	_ = 	snop  }
0x3b: {  	_ = 	snop  }
0x3c: {  	p2 =	seq.s32 s10, $0x1;
	s10 =	sld [smem:$0x3FB2]  }
0x3d: {  	_ =	shalt  }
0x3e: {  	_ =	shalt  }
0x3f: {  	_ =	shalt  }
0x40: {  	_ =	shalt  }
0x41: {  	_ =	shalt  }
0x42: {  	_ =	shalt  }
0x43: {  	_ =	shalt  }
0x44: {  	_ =	shalt  }
0x45: {  	_ =	shalt  }
0x46: {  	_ =	shalt  }
0x47: {  	_ =	shalt  }
0x48: {  	_ =	shalt  }
0x49: {  	_ =	shalt  }
0x4a: {  	_ =	shalt  }
0x4b: {  	_ =	shalt  }
0x4c: {  	_ =	shalt  }
0x4d: {  	_ =	shalt  }
0x4e: {  	_ =	shalt  }
0x4f: {  	_ =	shalt  }
0x50: {  	_ =	shalt  }
0x51: {  	_ =	shalt  }
0x52: {  	_ =	shalt  }
0x53: {  	_ =	shalt  }
0x54: {  	_ =	shalt  }
0x55: {  	_ =	shalt  }
0x56: {  	_ =	shalt  }
0x57: {  	_ =	shalt  }
0x58: {  	_ =	shalt  }
0x59: {  	_ =	shalt  }
0x5a: {  	_ =	shalt  }
0x5b: {  	_ =	shalt  }
0x5c: {  	_ =	shalt  }
0x5d: {  	_ =	shalt  }
0x5e: {  	_ =	shalt  }
0x5f: {  	_ =	shalt  }
0x60: {  	_ =	shalt  }
0x61: {  	_ =	shalt  }
0x62: {  	_ =	shalt  }
0x63: {  	_ =	shalt  }
0x64: {  	_ =	shalt  }
0x65: {  	_ =	shalt  }
0x66: {  	_ =	shalt  }
0x67: {  	_ =	shalt  }
0x68: {  	_ =	shalt  }
0x69: {  	_ =	shalt  }
0x6a: {  	_ =	shalt  }
0x6b: {  	_ =	shalt  }
0x6c: {  	_ =	shalt  }
0x6d: {  	_ =	shalt  }
0x6e: {  	_ =	shalt  }
0x6f: {  	_ =	shalt  }
0x70: {  	_ =	shalt  }
0x71: {  	_ =	shalt  }
0x72: {  	_ =	shalt  }
0x73: {  	_ =	shalt  }
0x74: {  	_ =	shalt  }
0x75: {  	_ =	shalt  }
0x76: {  	_ =	shalt  }
0x77: {  	_ =	shalt  }
0x78: {  	_ =	shalt  }
0x79: {  	_ =	shalt  }
0x7a: {  	_ =	shalt  }
0x7b: {  	_ =	shalt  }
0x7c: {  	_ =	shalt  }
0x7d: {  	_ =	shalt  }
0x7e: {  	_ =	shalt  }
0x7f: {  	_ =	shalt  }
0x80: {  	_ =	shalt  }
0x81: {  	_ =	shalt  }
0x82: {  	_ =	shalt  }
0x83: {  	_ =	shalt  }
0x84: {  	_ =	shalt  }
0x85: {  	_ =	shalt  }
0x86: {  	_ =	shalt  }
0x87: {  	_ =	shalt  }
.Lfunc_end0:
.L_simem_size_0:
called_computation.1_lowered:
.L_overlay_start_0:
0x88: {  	s2 =	sld [smem:$0x3FD9]  }
0x89: {  	s3 =	sld [smem:$0x3FFE];
	_ =	sdelay $0x1  }
0x8a: {  	s1 =	srdreg.scid  }
0x8b: {  	s0 =	sand.u32 $0x1, s1  }
0x8c: {  	s17 =	sshll.u32 s0, $0xA;
	s2 =	sadd.s32 s3, s2  }
0x8d: {  	s2 =	sadd.s32 s2, s17  }
0x8e: {  	[smem:$0x3FBE] =	sst s2  }
0x8f: {  	_ = 	snop  }
0x90: {  	s2 =	sld [smem:$0x3FD0];
	(tm) =	ssettm $0x1  }
0x91: {  	s18 =	sld [smem:$0x3FFB];
	_ =	sdelay $0x3  }
0x92: {  	_ =	strace s18  }
0x93: {  	s3 =	sld [smem:$0x3FFC];
	_ =	sdelay $0x3  }
0x94: {  	_ =	strace s3  }
0x95: {  	s3 =	sld [smem:$0x3FFD];
	_ =	sdelay $0x3  }
0x96: {  	_ =	strace s3  }
0x97: {  	_ =	strace $0x8FFFFFFF  }
0x98: {  	s19 =	sld [smem:$0x3FDB];
	_ =	sdelay $0x1  }
0x99: {  	s4 =	simm.s32 $_scs_section_size  }
0x9a: {  	s5 =	simm.s32 $_size__tile_overlayer_lowered;
	s6 =	simm.s32 $_tile_overlayer_lowered  }
0x9b: {  	s22 =	simm.s32 $0x1BFF;
	s21 =	sshll.u32 s6, $0x1;
	s3 =	sadd.s32 s4, s19  }
0x9c: {  	s7 =	simm.s32 $0x0;
	s20 =	sshll.u32 s5, $0x1;
	s5 =	sadd.s32 s21, s3  }
0x9d: {  	[timem:s7], [sflag:s22] =	dma.local [hbm:s5], s20  }
0x9e: {  	_ =	swait.ge [sflag:s22], s20  }
0x9f: {  	s4 =	ssub.s32 $0x0, s20;
	[sflag:s22] =	ssyncset.done $0x0  }
0xa0: {  	[sflag:s22] =	ssyncadd.s32 s4;
	_ =	sdelay $0x1  }
0xa1: {  	s23 =	simm.s32 $0x1B8B  }
0xa2: {  	_ =	swait.ge [sflag:s23], $0x1  }
0xa3: {  	[sflag:s23] =	ssyncset.done $0x0  }
0xa4: {  	s25 =	simm.s32 $0x1B8E;
	s24 =	sld [smem:$0x3FFE];
	[sflag:s23] =	ssyncadd.s32 $0xFFFFFFFF  }
0xa5: {  	s26 =	simm.s32 $execute0_lowered;
	[smem:$0x3FD2] =	sst s25  }
0xa6: {  	s5 =	sshll.u32 s26, $0x1;
	_ =	strace $0x80000049;
	[dreg:$0x1] =	wrdreg $0xFFFFFFFF  }
0xa7: {  	s28 =	simm.s32 $_size_execute0_lowered;
	s3 =	sadd.s32 s3, s5;
	[dreg:$0x0] =	wrdreg $0x0  }
0xa8: {  	s5 =	sshll.u32 s28, $0x1;
	[dreg:$0x2] =	wrdreg s3  }
0xa9: {  	[dreg:$0x3] =	wrdreg s5  }
0xaa: {  	[dreg:$0x4] =	wrdreg $0xC0  }
0xab: {  	_ =	task [dreg:s7], $0x5FFFF  }
0xac: {  	[dreg:$0x1] =	wrdreg $0xFFFFFFFF  }
0xad: {  	[dreg:$0x0] =	wrdreg $0x60  }
0xae: {  	[dreg:$0x2] =	wrdreg s2  }
0xaf: {  	[dreg:$0x3] =	wrdreg s24  }
0xb0: {  	[dreg:$0x4] =	wrdreg $0x94C00  }
0xb1: {  	[dreg:$0x5] =	wrdreg $0x1D0C00  }
0xb2: {  	[dreg:$0x6] =	wrdreg $0x9  }
0xb3: {  	_ =	task.clear_ibuf [dreg:s7], $0x7FFFF;
	_ =	strace $0x90000049  }
0xb4: {  	s29 =	simm.s32 $0x9;
	_ =	strace $0x8000004B  }
0xb5: {  	_ =	swait.ge [sflag:s29], $0x1  }
0xb6: {  	[sflag:s29] =	ssyncadd.s32 $0xFFFFFFFF  }
0xb7: {  	_ =	strace $0x9000004B  }
0xb8: {  	_ =	sfence  }
0xb9: {  	s30 =	sld [smem:$0x0];
	_ =	sdelay $0x2  }
0xba: {  	s31 =	sshll.u32 s1, $0xD;
	s1 =	sshrl.u32 s1, $0x2  }
0xbb: {  	s3 =	sand.u32 $0x4000, s31;
	s1 =	sadd.s32 s1, s30  }
0xbc: {  	s0 =	sor.u32 s3, s0;
	s1 =	sshll.u32 s1, $0x11  }
0xbd: {  	s0 =	sor.u32 s1, s0  }
0xbe: {  	s0 =	sadd.s32 $0x8F2B, s0  }
0xbf: {  	[sflag:s0] =	ssyncadd.remote.s32 $0x1  }
0xc0: {  	_ =	sfence.sel $0xFFFF  }
0xc1: {  	[dreg:$0x0] =	wrdreg $0xFFFFFFFF;
	(pc) =	sbr.abs _section_cstart, $3  }
0xc2: {  	[dreg:$0x1] =	wrdreg $0xFFFFFFFF  }
0xc3: {  	_ =	task.clear_ibuf [dreg:s7], $0x2FFFF;
	_ =	strace $0x9FFFFFFF  }
0xc4: {  	(tm) =	ssettm $0x7FFFFFFF  }
0xc5: {  	_ =	shalt  }
tec
execute0_lowered:
.L_overlay_start_1:
0x0: {  	(tag) =	ssettag $0x1  }
0x1: {  	s0 =	rddreg [dreg:$0x0]  }
0x2: {  	s1 =	rddreg [dreg:$0x1]  }
0x3: {  	s3 =	rddreg [dreg:$0x2]  }
0x4: {  	s2 =	srdreg.scid;
	s18 =	stileid.u32  }
0x5: {  	s4 =	rddreg [dreg:$0x3];
	s5 =	simm.s32 $0x0;
	s11 =	smul.u32 $0x13C00, s18  }
0x6: {  	s29 =	simm.s32 $0x1DC0;
	s30 =	simm.s32 $0xB;
	s13 =	smul.u32 $0x2780, s18  }
0x7: {  	s31 =	simm.s32 $0x8DC0;
	s2 =	sand.u32 $0x1, s2;
	s14 =	smul.u32 $0x278, s18  }
0x8: {  	[smem:$0x7FF] =	sst s5;
	s6 =	sadd.s32 $0x32A00, s1;
	s26 =	smul.u32 $0x4F000, s18  }
0x9: {  	s7 =	sadd.s32 $0x1200, s1;
	s8 =	sadd.s32 $0x28A00, s1;
	s10 =	smul.u32 $0x13C000, s2  }
0xa: {  	s9 =	sadd.s32 $0x2DA00, s1;
	s16 =	sshll.u32 s18, $0x1;
	s12 =	smul.u32 $0x27800, s2  }
0xb: {  	_ =	strace $0x8000004A;
	s20 =	ssub.s32 $0x2, s2;
	s2 =	sor.u32 s2, s16  }
0xc: {  	s21 =	sshrl.u32 s20, $0x1;
	s17 =	sadd.s32 $0x230, s14;
	s16 =	sadd.s32 $0x70, s14  }
0xd: {  	s19 =	sadd.s32 $0xE0, s14;
	s10 =	sadd.s32 s11, s10;
	s12 =	sadd.s32 s13, s12  }
0xe: {  	s22 =	sshll.u32 s17, $0x7;
	s24 =	sshll.u32 s17, $0x4;
	s11 =	sadd.s32 s11, s3  }
0xf: {  	s13 =	sadd.s32 s13, s4;
	s17 =	sshll.u32 s16, $0x7;
	s10 =	sshrl.u32 s10, $0x3  }
0x10: {  	s12 =	sshrl.u32 s12, $0x3;
	s23 =	sadd.s32 s22, s3;
	s28 =	sshrl.u32 s13, $0x3  }
0x11: {  	s13 =	simm.s32 $0x70;
	s15 =	sadd.s32 s10, s1;
	s1 =	sadd.s32 s12, s1  }
0x12: {  	s12 =	ssub.s32 s20, s21;
	s10 =	smul.u32 $0x28B0, s2;
	[dreg:$0x5] =	wrdreg s23  }
0x13: {  	s2 =	sadd.s32 s24, s4;
	s20 =	sshll.u32 s19, $0x7;
	s21 =	sadd.s32 $0x150, s14  }
0x14: {  	[dreg:$0x6] =	wrdreg s2;
	s25 =	sadd.s32 $0x46C00, s15;
	s1 =	sadd.s32 $0x3CE00, s1  }
0x15: {  	s15 =	smul.u32 $0x9E00, s18;
	s12 =	smax.u32 s12, $0x1;
	[dreg:$0x7] =	wrdreg s25  }
0x16: {  	s2 =	sshrl.u32 s26, $0x2;
	s23 =	sshll.u32 s21, $0x7;
	[dreg:$0x8] =	wrdreg s1  }
0x17: {  	s24 =	sshll.u32 s21, $0x4;
	[dreg:$0x9] =	wrdreg s12;
	s2 =	sadd.s32 s2, s3  }
0x18: {  	s22 =	sadd.s32 s23, s3;
	s25 =	sadd.s32 $0x1C0, s14;
	s23 =	sadd.s32 s24, s4  }
0x19: {  	s12 =	simm.s32 $0xA;
	[dreg:$0xa] =	wrdreg s2;
	s1 =	sshrl.u32 s15, $0x2  }
0x1a: {  	s2 =	sshll.u32 s16, $0x4;
	s26 =	sshll.u32 s25, $0x7;
	s1 =	sadd.s32 s1, s4  }
0x1b: {  	s18 =	sadd.s32 s2, s4;
	s2 =	sadd.s32 s20, s3;
	s24 =	sadd.s32 s26, s3  }
.Ltmp0:
0x1c: {  	s26 =	sshrl.u32 s11, $0x3;
	[dreg:$0xb] =	wrdreg s1;
	(pc) =	sbr.rel .LBB2_1-.Ltmp0, $4  }
0x1d: {  	s11 =	simm.s32 $0x8;
	s1 =	sadd.s32 s17, s3;
	[dreg:$0xe] =	wrdreg s2  }
0x1e: {  	s2 =	sshll.u32 s25, $0x4;
	[dreg:$0xc] =	wrdreg s1;
	s1 =	sshll.u32 s19, $0x4  }
0x1f: {  	[dreg:$0xd] =	wrdreg s18;
	s25 =	sadd.s32 s2, s4;
	s1 =	sadd.s32 s1, s4  }
0x20: {  	v0 =	vimm.f32 $0.0e+00;
	s2 =	simm.s32 $0x9;
	[dreg:$0xf] =	wrdreg s1;
	s1 =	simm.s32 $0x7  }
.LBB2_9:
0x21: {  	_ =	swait.ge [sflag:s1], $0x3800  }
0x22: {  	[sflag:s1] =	ssyncset.done $0x0  }
0x23: {  	[sflag:s1] =	ssyncadd.s32 $0xFFFFC800  }
0x24: {  	_ =	swait.ge [sflag:s2], $0x700  }
0x25: {  	[sflag:s2] =	ssyncset.done $0x0  }
0x26: {  	[sflag:s2] =	ssyncadd.s32 $0xFFFFF900  }
0x27: {  	_ =	swait.ge [sflag:s11], $0x3800  }
0x28: {  	[sflag:s11] =	ssyncset.done $0x0  }
0x29: {  	[sflag:s11] =	ssyncadd.s32 $0xFFFFC800  }
0x2a: {  	_ =	swait.ge [sflag:s12], $0x700  }
0x2b: {  	[sflag:s12] =	ssyncset.done $0x0  }
0x2c: {  	s14 =	stileid.u32;
	[sflag:s12] =	ssyncadd.s32 $0xFFFFF900  }
0x2d: {  	s14 =	sshll.u32 s14, $0x6;
	[bflag:$0x0] =	sbarrier.arrive $0xFFFF  }
0x2e: {  	s14 =	sor.u32 $0x1C0B, s14;
	s15 =	rddreg [dreg:$0x7]  }
0x2f: {  	[hbm:s15], [sflag:s14] =	dma.local [spmem:s26], $0x2780  }
0x30: {  	_ =	swait.ge [sflag:s30], $0x2780  }
0x31: {  	[sflag:s30] =	ssyncset.done $0x0  }
0x32: {  	s20 =	rddreg [dreg:$0x8];
	[sflag:s30] =	ssyncadd.s32 $0xFFFFD880  }
0x33: {  	[hbm:s20], [sflag:s14] =	dma.local [spmem:s28], $0x4F0  }
0x34: {  	_ =	swait.ge [sflag:s30], $0x4F0  }
0x35: {  	s5 =	sadd.s32 $0x1, s5;
	s21 =	rddreg [dreg:$0x9]  }
0x36: {  	p0 =	sne.s32 s5, s21  }
.Ltmp1:
0x37: {  	_ = 	snop;
	(pc) =	sbr.rel @!p0 .LBB2_10-.Ltmp1, $3  }
0x38: {  	_ =	sdelay $0x1  }
0x39: {  	[sflag:s30] =	ssyncset.done $0x0  }
0x3a: {  	[sflag:s30] =	ssyncadd.s32 $0xFFFFFB10  }
.LBB2_1:
0x3b: {  	s14 =	simm.s32 $0x1E00  }
0x3c: {  	[tilespmem:s14+$0xFFFFFFD0] =	vst v0  }
0x3d: {  	[tilespmem:s14+$0xFFFFFFE0] =	vst v0  }
0x3e: {  	[tilespmem:s14+$0xFFFFFFF0] =	vst v0  }
0x3f: {  	[tilespmem:s14+$0x0] =	vst v0  }
0x40: {  	[tilespmem:s14+$0x10] =	vst v0  }
0x41: {  	[tilespmem:s14+$0x20] =	vst v0  }
0x42: {  	[tilespmem:s14+$0x30] =	vst v0  }
0x43: {  	s16 =	simm.s32 $0x0;
	s15 =	simm.s32 $0x40;
	[tilespmem:s14+$0xFFFFFFC0] =	vst v0  }
.LBB2_2:
0x44: {  	p0 =	sne.s32 s15, $0x1BC0;
	[tilespmem:s16+$0x8DC0] =	vst v0;
	s14 =	sadd.s32 $0x80, s14  }
0x45: {  	[tilespmem:s14+$0xFFFFFFD0] =	vst v0  }
0x46: {  	[tilespmem:s14+$0xFFFFFFE0] =	vst v0  }
0x47: {  	[tilespmem:s14+$0xFFFFFFF0] =	vst v0  }
.Ltmp2:
0x48: {  	[tilespmem:s14+$0x0] =	vst v0;
	(pc) =	sbr.rel @p0 .LBB2_2-.Ltmp2, $4  }
0x49: {  	[tilespmem:s14+$0x10] =	vst v0  }
0x4a: {  	[tilespmem:s14+$0x20] =	vst v0  }
0x4b: {  	[tilespmem:s14+$0x30] =	vst v0  }
0x4c: {  	s16 =	sshra.s32 s15, $0x2;
	s15 =	sadd.s32 $0x40, s15;
	[tilespmem:s14+$0xFFFFFFC0] =	vst v0  }
0x4d: {  	[tilespmem:s16+$0x8DC0] =	vst v0;
	s14 =	rddreg [dreg:$0xa]  }
0x4e: {  	[spmem:s14] =	stream.linear.scatter [tilespmem:s29], [sflag:$0xB], $0x3800, $0x38;
	[tilespmem:$0x1F840] =	vst v63  }
0x4f: {  	_ =	swait.ge [sflag:s30], $0x3800  }
0x50: {  	[sflag:s30] =	ssyncset.done $0x0  }
0x51: {  	s15 =	rddreg [dreg:$0xb];
	[sflag:s30] =	ssyncadd.s32 $0xFFFFC800  }
0x52: {  	[spmem:s15] =	stream.linear.scatter [tilespmem:s31], [sflag:$0xB], $0x700, $0x38;
	[tilespmem:$0x1F840] =	vst v63  }
0x53: {  	_ =	swait.ge [sflag:s30], $0x700  }
0x54: {  	[sflag:s30] =	ssyncset.done $0x0  }
0x55: {  	s16 =	rddreg [dreg:$0xc];
	[sflag:s30] =	ssyncadd.s32 $0xFFFFF900  }
0x56: {  	[spmem:s16] =	stream.linear.scatter [tilespmem:s29], [sflag:$0xB], $0x3800, $0x38;
	[tilespmem:$0x1F840] =	vst v63  }
0x57: {  	_ =	swait.ge [sflag:s30], $0x3800  }
0x58: {  	[sflag:s30] =	ssyncset.done $0x0  }
0x59: {  	s17 =	rddreg [dreg:$0xd];
	[sflag:s30] =	ssyncadd.s32 $0xFFFFC800  }
0x5a: {  	[spmem:s17] =	stream.linear.scatter [tilespmem:s31], [sflag:$0xB], $0x700, $0x38;
	[tilespmem:$0x1F840] =	vst v63  }
0x5b: {  	_ =	swait.ge [sflag:s30], $0x700  }
0x5c: {  	[sflag:s30] =	ssyncset.done $0x0  }
0x5d: {  	s18 =	rddreg [dreg:$0xe];
	[sflag:s30] =	ssyncadd.s32 $0xFFFFF900  }
0x5e: {  	[spmem:s18] =	stream.linear.scatter [tilespmem:s29], [sflag:$0xB], $0x3800, $0x38;
	[tilespmem:$0x1F840] =	vst v63  }
0x5f: {  	_ =	swait.ge [sflag:s30], $0x3800  }
0x60: {  	[sflag:s30] =	ssyncset.done $0x0  }
0x61: {  	s19 =	rddreg [dreg:$0xf];
	[sflag:s30] =	ssyncadd.s32 $0xFFFFC800  }
0x62: {  	[spmem:s19] =	stream.linear.scatter [tilespmem:s31], [sflag:$0xB], $0x700, $0x38;
	[tilespmem:$0x1F840] =	vst v63  }
0x63: {  	_ =	swait.ge [sflag:s30], $0x700  }
0x64: {  	[sflag:s30] =	ssyncset.done $0x0  }
0x65: {  	[sflag:s30] =	ssyncadd.s32 $0xFFFFF900  }
0x66: {  	[spmem:s22] =	stream.linear.scatter [tilespmem:s29], [sflag:$0xB], $0x3800, $0x38;
	[tilespmem:$0x1F840] =	vst v63  }
0x67: {  	_ =	swait.ge [sflag:s30], $0x3800  }
0x68: {  	[sflag:s30] =	ssyncset.done $0x0  }
0x69: {  	[sflag:s30] =	ssyncadd.s32 $0xFFFFC800  }
0x6a: {  	[spmem:s23] =	stream.linear.scatter [tilespmem:s31], [sflag:$0xB], $0x700, $0x38;
	[tilespmem:$0x1F840] =	vst v63  }
0x6b: {  	_ =	swait.ge [sflag:s30], $0x700  }
0x6c: {  	[sflag:s30] =	ssyncset.done $0x0  }
0x6d: {  	[sflag:s30] =	ssyncadd.s32 $0xFFFFF900  }
0x6e: {  	[spmem:s24] =	stream.linear.scatter [tilespmem:s29], [sflag:$0xB], $0x3800, $0x38;
	[tilespmem:$0x1F840] =	vst v63  }
0x6f: {  	_ =	swait.ge [sflag:s30], $0x3800  }
0x70: {  	[sflag:s30] =	ssyncset.done $0x0  }
0x71: {  	[sflag:s30] =	ssyncadd.s32 $0xFFFFC800  }
0x72: {  	[spmem:s25] =	stream.linear.scatter [tilespmem:s31], [sflag:$0xB], $0x700, $0x38;
	[tilespmem:$0x1F840] =	vst v63  }
0x73: {  	_ =	swait.ge [sflag:s30], $0x700  }
0x74: {  	[sflag:s30] =	ssyncset.done $0x0  }
0x75: {  	s20 =	rddreg [dreg:$0x5];
	[sflag:s30] =	ssyncadd.s32 $0xFFFFF900  }
0x76: {  	[spmem:s20] =	stream.linear.scatter [tilespmem:s29], [sflag:$0xB], $0x2400, $0x38;
	[tilespmem:$0x1F840] =	vst v63  }
0x77: {  	_ =	swait.ge [sflag:s30], $0x2400  }
0x78: {  	[sflag:s30] =	ssyncset.done $0x0  }
0x79: {  	s21 =	rddreg [dreg:$0x6];
	[sflag:s30] =	ssyncadd.s32 $0xFFFFDC00  }
0x7a: {  	[spmem:s21] =	stream.linear.scatter [tilespmem:s31], [sflag:$0xB], $0x480, $0x38;
	[tilespmem:$0x1F840] =	vst v63  }
.Ltmp3:
0x7b: {  	_ =	swait.ge [sflag:s30], $0x480;
	(pc) =	sbr.rel .LBB2_4-.Ltmp3, $4  }
0x7c: {  	[sflag:s30] =	ssyncset.done $0x0  }
0x7d: {  	[sflag:s30] =	ssyncadd.s32 $0xFFFFFB80  }
0x7e: {  	[bflag:$0x0] =	sbarrier.arrive $0xFFFF  }
0x7f: {  	p0 =	por $0x1, $0x1;
	s14 =	simm.s32 $0x0  }
.LBB2_8:
0x80: {  	s14 =	sadd.s32 $0x1, s14  }
0x81: {  	p1 =	sne.s32 s14, $0x5E  }
.Ltmp4:
0x82: {  	_ = 	snop;
	(pc) =	sbr.rel @!p1 .LBB2_9-.Ltmp4, $2  }
0x83: {  	_ =	sdelay $0x2  }
0x84: {  	p0 =	por !p0, !p0  }
.LBB2_4:
0x85: {  	p1 =	seq.s32 s14, $0x5D  }
0x86: {  	p2 =	slt.u32 @!p1 s14, $0x2  }
0x87: {  	s15 =	sand.u32 $0x1, s14;
	p2 =	por p2, p1  }
0x88: {  	s16 =	sadd.s32 @!p2 $0x7, s15  }
0x89: {  	_ =	swait.ge @!p2 [sflag:s16], $0x3800  }
0x8a: {  	s17 =	smul.u32 @!p1 $0x70, s14;
	[sflag:s16] =	ssyncset.done @!p2 $0x0  }
0x8b: {  	[sflag:s16] =	ssyncadd.s32 @!p2 $0xFFFFC800;
	s16 =	sadd.s32 @!p2 $0x9, s15  }
0x8c: {  	s17 =	sadd.s32 @!p1 s10, s17;
	_ =	swait.ge @!p2 [sflag:s16], $0x700  }
0x8d: {  	s18 =	smul.u32 @!p1 $0x70, s15;
	s17 =	sshrl.u32 @!p1 s17, $0x3;
	[sflag:s16] =	ssyncset.done @!p2 $0x0  }
0x8e: {  	s19 =	simm.s32 @!p1 $0x0;
	[sflag:s16] =	ssyncadd.s32 @!p2 $0xFFFFF900;
	s16 =	sadd.s32 @!p1 s0, s17  }
0x8f: {  	[tilespmem:s18], [sflag:$0xB] =	stream.linear.gather @!p1 [hbm4b:s16+s19], $0x70, $0x38;
	[tilespmem:$0x1F840] =	vst v63  }
0x90: {  	s16 =	simm.s32 @!p1 $0xB  }
0x91: {  	_ =	swait.ge @!p1 [sflag:s16], $0x70  }
0x92: {  	[sflag:s16] =	ssyncset.done @!p1 $0x0  }
0x93: {  	s20 =	sadd.s32 @!p1 $0xE0, s18;
	s17 =	sadd.s32 @!p1 s6, s17;
	[sflag:s16] =	ssyncadd.s32 @!p1 $0xFFFFFF90  }
0x94: {  	[tilespmem:s20], [sflag:$0xB] =	stream.linear.gather @!p1 [hbm4b:s17+s19], $0x70, $0x38;
	[tilespmem:$0x1F840] =	vst v63  }
0x95: {  	s17 =	smul.u32 @!p1 $0xE000, s15  }
0x96: {  	s21 =	smul.u32 @!p1 $0x700, s15;
	_ =	swait.ge @!p1 [sflag:s16], $0x70  }
0x97: {  	s19 =	simm.s32 @!p1 $0x70;
	[sflag:s16] =	ssyncset.done @!p1 $0x0;
	s17 =	sshrl.u32 @!p1 s17, $0x2  }
0x98: {  	[sflag:s16] =	ssyncadd.s32 @!p1 $0xFFFFFF90;
	s16 =	sadd.s32 @!p1 $0x1DC0, s17;
	s17 =	sadd.s32 @!p1 $0x1, s15  }
0x99: {  	[tilespmem:s16], [sflag:s17] =	stream.indirect.gather @!p1 [hbm4b:s7+s19], $0x80, s18, s19, $0xb8;
	[tilespmem:$0x1F840] =	vst v63  }
0x9a: {  	s16 =	sadd.s32 @!p1 $0x1C0, s21;
	s17 =	sadd.s32 @!p1 $0x3, s15  }
0x9b: {  	[tilespmem:s16], [sflag:s17] =	stream.indirect.gather @!p1 [hbm4b:s8+s19], $0x10, s18, s19, $0xb8;
	[tilespmem:$0x1F840] =	vst v63  }
0x9c: {  	p2 =	seq.s32 @!p1 s14, $0x0;
	s16 =	sadd.s32 @!p1 $0xFC0, s21;
	s17 =	sadd.s32 @!p1 $0x5, s15  }
0x9d: {  	[tilespmem:s16], [sflag:s17] =	stream.indirect.gather @!p1 [hbm4b:s9+s19], $0x10, s20, s19, $0xb8;
	[tilespmem:$0x1F840] =	vst v63  }
0x9e: {  	p1 =	por p1, !p2  }
.Ltmp5:
0x9f: {  	_ = 	snop;
	(pc) =	sbr.rel @!p1 .LBB2_8-.Ltmp5, $1  }
0xa0: {  	_ =	sdelay $0x3  }
0xa1: {  	s16 =	simm.s32 $0x1;
	s15 =	sxor.u32 $0x1, s15  }
0xa2: {  	s16 =	simm.s32 @!p0 $0x0;
	s17 =	sadd.s32 $0x3, s15  }
0xa3: {  	s18 =	smul.u32 $0x1C00, s16;
	_ =	swait.ge [sflag:s17], $0x700  }
0xa4: {  	[sflag:s17] =	ssyncset.done $0x0  }
0xa5: {  	s20 =	sadd.s32 $0x5, s15;
	s18 =	sshrl.u32 s18, $0x2;
	[sflag:s17] =	ssyncadd.s32 $0xFFFFF900  }
0xa6: {  	s19 =	sadd.s32 $0x1C0, s18;
	_ =	swait.ge [sflag:s20], $0x700  }
0xa7: {  	s18 =	sadd.s32 $0xFC0, s18;
	[sflag:s20] =	ssyncset.done $0x0;
	v1 =	vmov s19  }
0xa8: {  	s21 =	sadd.s32 $0x1, s15;
	v2 =	vmov s18;
	[sflag:s20] =	ssyncadd.s32 $0xFFFFF900  }
0xa9: {  	_ =	swait.ge [sflag:s21], $0x3800  }
0xaa: {  	[sflag:s21] =	ssyncset.done $0x0  }
0xab: {  	s19 =	simm.s32 $0x0;
	[sflag:s21] =	ssyncadd.s32 $0xFFFFC800  }
0xac: {  	v3 =	vld.idx.msk [tilespmem:v1+s19+$0x0 ss:$0x1], $0xffff  }
0xad: {  	v4 =	vld.idx.msk [tilespmem:v2+s19+$0x0 ss:$0x1], $0xffff;
	_ =	sdelay $0x4  }
0xae: {  	v3 =	vadd.f32 v4, v3;
	_ =	sdelay $0x1  }
0xaf: {  	v4 =	vmul.f32 $2.000000030e-01, v3  }
0xb0: {  	vm0 =	vge.f32 v3, $0.0e+00  }
0xb1: {  	v3 =	vsel vm0, v3, v4  }
0xb2: {  	v3 =	vmul.f32 $1.442695020e+00, v3;
	_ =	sdelay $0x1  }
0xb3: {  	(erf) = vpow2.f32 v3;
	_ =	sdelay $0x6  }
0xb4: {  	s16 =	smul.u32 $0xE000, s16;
	_ =	sdelay $0x1  }
0xb5: {  	s16 =	sshrl.u32 s16, $0x2;
	v3 =	vpop (erf)  }
0xb6: {  	s20 =	sadd.s32 $0x1E00, s16;
	[tilespmem:v1+s19+$0x0 ss:$0x1] =	vst.idx.msk $0xffff, v3  }
0xb7: {  	v9 =	vld [tilespmem:s20+$0x30]  }
0xb8: {  	v8 =	vld [tilespmem:s20+$0xFFFFFFE0]  }
0xb9: {  	s21 =	smul.u32 $0xE000, s15;
	v6 =	vld [tilespmem:s20+$0x10]  }
0xba: {  	v3 =	vbroadcast v3, $0x0;
	v4 =	vld [tilespmem:s20+$0x20]  }
0xbb: {  	s17 =	smul.u32 $0x700, s15;
	s16 =	sshrl.u32 s21, $0x2;
	v5 =	vld [tilespmem:s20+$0xFFFFFFD0]  }
0xbc: {  	s18 =	sadd.s32 $0x1DC0, s16;
	s16 =	smov.u32 s20;
	s19 =	simm.s32 $0x40;
	v7 =	vld [tilespmem:s20+$0x0];
	v9 =	vmul.f32 v9, v3  }
.LBB2_6:
0xbd: {  	p1 =	sne.s32 s19, $0x1BC0  }
0xbe: {  	v8 =	vmul.f32 v3, v8;
	v10 =	vld [tilespmem:s20+$0xFFFFFFF0];
	s16 =	sadd.s32 $0x80, s16;
	s21 =	smov.u32 s19;
	s19 =	sadd.s32 $0x40, s19  }
0xbf: {  	v11 =	vld [tilespmem:s20+$0xFFFFFFC0];
	v6 =	vmul.f32 v6, v3;
	[tilespmem:s20+$0x30] =	vst v9  }
0xc0: {  	[tilespmem:s20+$0xFFFFFFE0] =	vst v8;
	v4 =	vmul.f32 v4, v3  }
0xc1: {  	v5 =	vmul.f32 v3, v5;
	[tilespmem:s20+$0x10] =	vst v6  }
0xc2: {  	v6 =	vmul.f32 v7, v3;
	[tilespmem:s20+$0x20] =	vst v4  }
0xc3: {  	[tilespmem:s20+$0xFFFFFFD0] =	vst v5;
	v4 =	vmul.f32 v10, v3  }
0xc4: {  	v3 =	vmul.f32 v3, v11;
	[tilespmem:s20+$0x0] =	vst v6  }
0xc5: {  	[tilespmem:s20+$0xFFFFFFF0] =	vst v4  }
0xc6: {  	s21 =	sshra.s32 s21, $0x2;
	[tilespmem:s20+$0xFFFFFFC0] =	vst v3;
	s20 =	smov.u32 s16  }
0xc7: {  	v3 =	vld.idx.msk [tilespmem:v1+s21+$0x0 ss:$0x1], $0xffff  }
0xc8: {  	v4 =	vld.idx.msk [tilespmem:v2+s21+$0x0 ss:$0x1], $0xffff;
	_ =	sdelay $0x5  }
0xc9: {  	v3 =	vadd.f32 v4, v3;
	_ =	sdelay $0x1  }
0xca: {  	vm0 =	vge.f32 v3, $0.0e+00;
	v4 =	vmul.f32 $2.000000030e-01, v3;
	_ =	sdelay $0x1  }
0xcb: {  	v3 =	vsel vm0, v3, v4  }
0xcc: {  	v3 =	vmul.f32 $1.442695020e+00, v3;
	_ =	sdelay $0x1  }
0xcd: {  	(erf) = vpow2.f32 v3;
	_ =	sdelay $0x8  }
0xce: {  	v3 =	vpop (erf)  }
0xcf: {  	[tilespmem:v1+s21+$0x0 ss:$0x1] =	vst.idx.msk $0xffff, v3  }
0xd0: {  	v9 =	vld [tilespmem:s16+$0x30]  }
.Ltmp6:
0xd1: {  	v8 =	vld [tilespmem:s16+$0xFFFFFFE0];
	(pc) =	sbr.rel @p1 .LBB2_6-.Ltmp6, $4  }
0xd2: {  	v6 =	vld [tilespmem:s16+$0x10]  }
0xd3: {  	v3 =	vbroadcast v3, $0x0;
	v4 =	vld [tilespmem:s16+$0x20]  }
0xd4: {  	v5 =	vld [tilespmem:s16+$0xFFFFFFD0]  }
0xd5: {  	v7 =	vld [tilespmem:s16+$0x0];
	v9 =	vmul.f32 v9, v3  }
0xd6: {  	v1 =	vmul.f32 v3, v8;
	v2 =	vld [tilespmem:s20+$0xFFFFFFF0]  }
0xd7: {  	v61 =	vld [tilespmem:s20+$0xFFFFFFC0];
	v6 =	vmul.f32 v6, v3;
	[tilespmem:s20+$0x30] =	vst v9  }
0xd8: {  	[tilespmem:s20+$0xFFFFFFE0] =	vst v1;
	v1 =	vmul.f32 v4, v3  }
0xd9: {  	v62 =	vmul.f32 v3, v5;
	[tilespmem:s20+$0x10] =	vst v6  }
0xda: {  	v63 =	vmul.f32 v7, v3;
	[tilespmem:s20+$0x20] =	vst v1  }
0xdb: {  	s16 =	smul.u32 $0x1C0, s15;
	[tilespmem:s20+$0xFFFFFFD0] =	vst v62;
	v1 =	vmul.f32 v2, v3  }
0xdc: {  	v2 =	vmul.f32 v3, v61;
	[tilespmem:s20+$0x0] =	vst v63  }
.Ltmp7:
0xdd: {  	s16 =	sshrl.u32 s16, $0x2;
	[tilespmem:s20+$0xFFFFFFF0] =	vst v1;
	(pc) =	sbr.rel .LBB2_8-.Ltmp7, $4  }
0xde: {  	s19 =	sadd.s32 $0x7, s15;
	s16 =	sadd.s32 $0xE0, s16;
	[tilespmem:s20+$0xFFFFFFC0] =	vst v2  }
0xdf: {  	[spmem:s3] =	stream.indirect.scatter.add.f32 [tilespmem:s18], [sflag:s19], $0x80, s16, s13, $0xb8;
	[tilespmem:$0x1F840] =	vst v63  }
0xe0: {  	s17 =	sadd.s32 $0x1C0, s17;
	s21 =	sadd.s32 $0x9, s15  }
0xe1: {  	[spmem:s4] =	stream.indirect.scatter.add.f32 [tilespmem:s17], [sflag:s21], $0x10, s16, s13, $0xb8;
	[tilespmem:$0x1F840] =	vst v63  }
.LBB2_10:
0xe2: {  	_ =	sfence.sel $0x180000  }
0xe3: {  	[bflag:$0x0] =	sbarrier.arrive $0xFFFF  }
0xe4: {  	_ =	strace $0x9000004A  }
0xe5: {  	s0 =	stileid.u32;
	[bflag:$0x2] =	sbarrier.arrive $0xFFFF  }
0xe6: {  	p0 =	sne.s32 s0, $0x0;
	s0 =	rddreg [dreg:$0x4]  }
0xe7: {  	s0 =	sadd.s32 @!p0 $0x100000, s0  }
0xe8: {  	[sflag:s0] =	ssyncadd.tile.s32 @!p0 $0x1;
	_ =	shalt  }
.Lfunc_end2:
_tile_overlayer_lowered:
.L_overlay_start_2:
0xe9: {  	(tag) =	ssettag $0x2  }
0xea: {  	s0 =	rddreg [dreg:$0x0];
	s2 =	stileid.u32  }
0xeb: {  	s1 =	rddreg [dreg:$0x1];
	p0 =	sne.s32 s2, $0x0  }
0xec: {  	s3 =	rddreg [dreg:$0x2];
	[bflag:$0x3] =	sbarrier.arrive $0xFFFF;
	s2 =	simm.s32 @!p0 $0x1C0B  }
0xed: {  	[timem:s3], [sflag:s2] =	dma.local @!p0 [hbm:s0], s1  }
0xee: {  	s0 =	simm.s32 @!p0 $0xB  }
0xef: {  	_ =	swait.ge @!p0 [sflag:s0], s1  }
0xf0: {  	s1 =	ssub.s32 @!p0 $0x0, s1;
	[sflag:s0] =	ssyncset.done @!p0 $0x0  }
0xf1: {  	[sflag:s0] =	ssyncadd.s32 @!p0 s1  }
0xf2: {  	[bflag:$0x3] =	sbarrier.arrive $0xFFFF  }
0xf3: {  	_ =	shalt  }

// kernel: kernel.7.cloned.1.call-start
scs
__scs_entry_jumppad:
0x0: {  	(pc) =	sbr.rel $0x88, $3  }
0x1: {  	(tag) =	ssettag $0x0;
	lr =	simm.s32 $0x1  }
0x2: {  	[smem:$0x3F97] =	sst lr;
	_ =	strace $0xD0000000  }
0x3: {  	_ = 	snop  }
0x4: {  	_ = 	snop  }
0x5: {  	_ = 	snop  }
0x6: {  	_ = 	snop  }
0x7: {  	_ = 	snop  }
__scs_overlays_trampoline_lowered:
0x8: {  	[smem:$0x3FA6] =	sst s0  }
0x9: {  	[smem:$0x3FA7] =	sst s1  }
0xa: {  	[smem:$0x3FA8] =	sst s2  }
0xb: {  	[smem:$0x3FA9] =	sst s3  }
0xc: {  	[smem:$0x3FAA] =	sst s4  }
0xd: {  	[smem:$0x3FAB] =	sst s5  }
0xe: {  	[smem:$0x3FAC] =	sst s6  }
0xf: {  	[smem:$0x3FAD] =	sst s7  }
0x10: {  	[smem:$0x3FAE] =	sst s8  }
0x11: {  	[smem:$0x3FAF] =	sst s9;
	s0 =	simm.s32 @!p0 $0x0  }
0x12: {  	s1 =	sld [smem:$0x3F95];
	s0 =	simm.s32 @p0 $0x1  }
0x13: {  	[smem:$0x3FB0] =	sst s0;
	s0 =	simm.s32 @!p1 $0x0  }
0x14: {  	s2 =	sld [smem:$0x3F94];
	s0 =	simm.s32 @p1 $0x1  }
0x15: {  	[smem:$0x3FB1] =	sst s0;
	s0 =	simm.s32 @!p2 $0x0  }
0x16: {  	s3 =	sld [smem:$0x3FDB];
	s0 =	simm.s32 @p2 $0x1  }
0x17: {  	s4 =	simm.s32 $0x1BF5;
	[smem:$0x3FB3] =	sst s0  }
0x18: {  	s0 =	sld [smem:$0x3F96];
	_ =	swait.ge [sflag:s4], $0x0  }
0x19: {  	s7 =	sld [smem:$0x3F97]  }
0x1a: {  	s8 =	sadd.s32 $0xFFFFE003, lr  }
0x1b: {  	s9 =	sadd.s32 $0xFFFFFEF7, lr;
	s5 =	simm.s32 $0xFFFFFFFF;
	p2 =	slt.u32 s8, $0xFFFFF086  }
0x1c: {  	p1 =	slt.u32 s9, $0xF7A;
	s5 =	simm.s32 @!p2 $0x0  }
0x1d: {  	s5 =	simm.s32 @p1 $0x1;
	p0 =	seq.s32 s7, s2  }
0x1e: {  	s7 =	smul.u32 @!p0 $0xF7A, s2;
	p2 =	seq.s32 @!p0 s5, $0x0  }
0x1f: {  	s9 =	smul.u32 $0xF7A, s1;
	s8 =	simm.s32 @!p0 $0x1BF5;
	p2 =	por !p2, p0  }
0x20: {  	[sflag:s8] =	ssyncset.s32 @!p0 $0xFFFFF086;
	s6 =	sadd.s32 @!p0 s3, s7;
	s7 =	simm.s32 @!p0 $0x108  }
0x21: {  	s3 =	sadd.s32 s3, s9;
	s6 =	sadd.s32 @!p0 $0x88, s6;
	s7 =	simm.s32 @p2 $0x1082  }
0x22: {  	[simem:s7], [sflag:s8] =	dma.local @!p0 [hbm:s6], $0xF7A  }
0x23: {  	s9 =	sor.u32 $0xD0000000, s2;
	s6 =	simm.s32 $0x108;
	_ =	swait.ge @!p0 [sflag:s8], $0x0  }
0x24: {  	s3 =	sadd.s32 $0x88, s3;
	s6 =	simm.s32 @!p1 $0x1082;
	[sflag:s4] =	ssyncset.s32 $0xFFFFF086  }
0x25: {  	[simem:s6], [sflag:s4] =	dma.local [hbm:s3], $0xF7A  }
0x26: {  	[smem:$0x3F97] =	sst s1;
	(tag) =	ssettag s2;
	_ =	strace s9  }
0x27: {  	s1 =	sld [smem:$0x3FA7]  }
0x28: {  	s2 =	sld [smem:$0x3FA8]  }
0x29: {  	s4 =	sld [smem:$0x3FAA]  }
0x2a: {  	p0 =	seq.s32 s5, $0x0;
	s5 =	sld [smem:$0x3FAB]  }
0x2b: {  	s6 =	sld [smem:$0x3FAC]  }
0x2c: {  	s7 =	sld [smem:$0x3FAD]  }
0x2d: {  	s3 =	simm.s32 $0x108;
	s8 =	sld [smem:$0x3FAE]  }
0x2e: {  	s3 =	simm.s32 @!p0 $0x1082;
	s9 =	sld [smem:$0x3FAF]  }
0x2f: {  	lr =	sadd.s32 s0, s3;
	s0 =	sld [smem:$0x3FA6]  }
0x30: {  	s3 =	sld [smem:$0x3FA9]  }
0x31: {  	[smem:$0x3FB2] =	sst s10  }
0x32: {  	s10 =	sld [smem:$0x3FB0];
	_ =	sdelay $0x3  }
0x33: {  	p0 =	seq.s32 s10, $0x1;
	s10 =	sld [smem:$0x3FB2];
	_ =	sdelay $0x3  }
0x34: {  	[smem:$0x3FB2] =	sst s10  }
0x35: {  	s10 =	sld [smem:$0x3FB1];
	_ =	sdelay $0x3  }
0x36: {  	p1 =	seq.s32 s10, $0x1;
	s10 =	sld [smem:$0x3FB2];
	_ =	sdelay $0x3  }
0x37: {  	[smem:$0x3FB2] =	sst s10  }
0x38: {  	s10 =	sld [smem:$0x3FB3]  }
0x39: {  	_ = 	snop;
	(pc) =	sbr.ind lr, $3  }
0x3a: {  	_ = 	snop  }
0x3b: {  	_ = 	snop  }
0x3c: {  	p2 =	seq.s32 s10, $0x1;
	s10 =	sld [smem:$0x3FB2]  }
0x3d: {  	_ =	shalt  }
0x3e: {  	_ =	shalt  }
0x3f: {  	_ =	shalt  }
0x40: {  	_ =	shalt  }
0x41: {  	_ =	shalt  }
0x42: {  	_ =	shalt  }
0x43: {  	_ =	shalt  }
0x44: {  	_ =	shalt  }
0x45: {  	_ =	shalt  }
0x46: {  	_ =	shalt  }
0x47: {  	_ =	shalt  }
0x48: {  	_ =	shalt  }
0x49: {  	_ =	shalt  }
0x4a: {  	_ =	shalt  }
0x4b: {  	_ =	shalt  }
0x4c: {  	_ =	shalt  }
0x4d: {  	_ =	shalt  }
0x4e: {  	_ =	shalt  }
0x4f: {  	_ =	shalt  }
0x50: {  	_ =	shalt  }
0x51: {  	_ =	shalt  }
0x52: {  	_ =	shalt  }
0x53: {  	_ =	shalt  }
0x54: {  	_ =	shalt  }
0x55: {  	_ =	shalt  }
0x56: {  	_ =	shalt  }
0x57: {  	_ =	shalt  }
0x58: {  	_ =	shalt  }
0x59: {  	_ =	shalt  }
0x5a: {  	_ =	shalt  }
0x5b: {  	_ =	shalt  }
0x5c: {  	_ =	shalt  }
0x5d: {  	_ =	shalt  }
0x5e: {  	_ =	shalt  }
0x5f: {  	_ =	shalt  }
0x60: {  	_ =	shalt  }
0x61: {  	_ =	shalt  }
0x62: {  	_ =	shalt  }
0x63: {  	_ =	shalt  }
0x64: {  	_ =	shalt  }
0x65: {  	_ =	shalt  }
0x66: {  	_ =	shalt  }
0x67: {  	_ =	shalt  }
0x68: {  	_ =	shalt  }
0x69: {  	_ =	shalt  }
0x6a: {  	_ =	shalt  }
0x6b: {  	_ =	shalt  }
0x6c: {  	_ =	shalt  }
0x6d: {  	_ =	shalt  }
0x6e: {  	_ =	shalt  }
0x6f: {  	_ =	shalt  }
0x70: {  	_ =	shalt  }
0x71: {  	_ =	shalt  }
0x72: {  	_ =	shalt  }
0x73: {  	_ =	shalt  }
0x74: {  	_ =	shalt  }
0x75: {  	_ =	shalt  }
0x76: {  	_ =	shalt  }
0x77: {  	_ =	shalt  }
0x78: {  	_ =	shalt  }
0x79: {  	_ =	shalt  }
0x7a: {  	_ =	shalt  }
0x7b: {  	_ =	shalt  }
0x7c: {  	_ =	shalt  }
0x7d: {  	_ =	shalt  }
0x7e: {  	_ =	shalt  }
0x7f: {  	_ =	shalt  }
0x80: {  	_ =	shalt  }
0x81: {  	_ =	shalt  }
0x82: {  	_ =	shalt  }
0x83: {  	_ =	shalt  }
0x84: {  	_ =	shalt  }
0x85: {  	_ =	shalt  }
0x86: {  	_ =	shalt  }
0x87: {  	_ =	shalt  }
.Lfunc_end0:
.L_simem_size_0:
called_computation_lowered:
.L_overlay_start_0:
0x88: {  	s2 =	sld [smem:$0x3FD9]  }
0x89: {  	s3 =	sld [smem:$0x3FFE];
	_ =	sdelay $0x1  }
0x8a: {  	s1 =	srdreg.scid  }
0x8b: {  	s0 =	sand.u32 $0x1, s1  }
0x8c: {  	s17 =	sshll.u32 s0, $0xA;
	s2 =	sadd.s32 s3, s2  }
0x8d: {  	s2 =	sadd.s32 s2, s17  }
0x8e: {  	[smem:$0x3FBE] =	sst s2  }
0x8f: {  	_ = 	snop  }
0x90: {  	s2 =	sld [smem:$0x3FD0];
	(tm) =	ssettm $0x1  }
0x91: {  	s18 =	sld [smem:$0x3FFB];
	_ =	sdelay $0x3  }
0x92: {  	_ =	strace s18  }
0x93: {  	s3 =	sld [smem:$0x3FFC];
	_ =	sdelay $0x3  }
0x94: {  	_ =	strace s3  }
0x95: {  	s3 =	sld [smem:$0x3FFD];
	_ =	sdelay $0x3  }
0x96: {  	_ =	strace s3  }
0x97: {  	_ =	strace $0x8FFFFFFF  }
0x98: {  	s19 =	sld [smem:$0x3FDB];
	_ =	sdelay $0x1  }
0x99: {  	s4 =	simm.s32 $_scs_section_size  }
0x9a: {  	s5 =	simm.s32 $_size__tile_overlayer_lowered;
	s6 =	simm.s32 $_tile_overlayer_lowered  }
0x9b: {  	s22 =	simm.s32 $0x1BFF;
	s21 =	sshll.u32 s6, $0x1;
	s3 =	sadd.s32 s4, s19  }
0x9c: {  	s7 =	simm.s32 $0x0;
	s20 =	sshll.u32 s5, $0x1;
	s5 =	sadd.s32 s21, s3  }
0x9d: {  	[timem:s7], [sflag:s22] =	dma.local [hbm:s5], s20  }
0x9e: {  	_ =	swait.ge [sflag:s22], s20  }
0x9f: {  	s4 =	ssub.s32 $0x0, s20;
	[sflag:s22] =	ssyncset.done $0x0  }
0xa0: {  	[sflag:s22] =	ssyncadd.s32 s4;
	_ =	sdelay $0x1  }
0xa1: {  	s23 =	simm.s32 $0x1B8B  }
0xa2: {  	_ =	swait.ge [sflag:s23], $0x1  }
0xa3: {  	[sflag:s23] =	ssyncset.done $0x0  }
0xa4: {  	s25 =	simm.s32 $0x1B8E;
	s24 =	sld [smem:$0x3FFE];
	[sflag:s23] =	ssyncadd.s32 $0xFFFFFFFF  }
0xa5: {  	s26 =	simm.s32 $execute0_lowered;
	[smem:$0x3FD2] =	sst s25  }
0xa6: {  	s5 =	sshll.u32 s26, $0x1;
	_ =	strace $0x80000046;
	[dreg:$0x1] =	wrdreg $0xFFFFFFFF  }
0xa7: {  	s28 =	simm.s32 $_size_execute0_lowered;
	s3 =	sadd.s32 s3, s5;
	[dreg:$0x0] =	wrdreg $0x0  }
0xa8: {  	s5 =	sshll.u32 s28, $0x1;
	[dreg:$0x2] =	wrdreg s3  }
0xa9: {  	[dreg:$0x3] =	wrdreg s5  }
0xaa: {  	[dreg:$0x4] =	wrdreg $0xC0  }
0xab: {  	_ =	task [dreg:s7], $0x5FFFF  }
0xac: {  	[dreg:$0x1] =	wrdreg $0xFFFFFFFF  }
0xad: {  	[dreg:$0x0] =	wrdreg $0x60  }
0xae: {  	[dreg:$0x2] =	wrdreg s2  }
0xaf: {  	[dreg:$0x3] =	wrdreg s24  }
0xb0: {  	[dreg:$0x4] =	wrdreg $0x94C00  }
0xb1: {  	[dreg:$0x5] =	wrdreg $0x1D0C00  }
0xb2: {  	[dreg:$0x6] =	wrdreg $0x9  }
0xb3: {  	_ =	task.clear_ibuf [dreg:s7], $0x7FFFF;
	_ =	strace $0x90000046  }
0xb4: {  	s29 =	simm.s32 $0x9;
	_ =	strace $0x80000048  }
0xb5: {  	_ =	swait.ge [sflag:s29], $0x1  }
0xb6: {  	[sflag:s29] =	ssyncadd.s32 $0xFFFFFFFF  }
0xb7: {  	_ =	strace $0x90000048  }
0xb8: {  	_ =	sfence  }
0xb9: {  	s30 =	sld [smem:$0x0];
	_ =	sdelay $0x2  }
0xba: {  	s31 =	sshll.u32 s1, $0xD;
	s1 =	sshrl.u32 s1, $0x2  }
0xbb: {  	s3 =	sand.u32 $0x4000, s31;
	s1 =	sadd.s32 s1, s30  }
0xbc: {  	s0 =	sor.u32 s3, s0;
	s1 =	sshll.u32 s1, $0x11  }
0xbd: {  	s0 =	sor.u32 s1, s0  }
0xbe: {  	s0 =	sadd.s32 $0x8F2B, s0  }
0xbf: {  	[sflag:s0] =	ssyncadd.remote.s32 $0x1  }
0xc0: {  	_ =	sfence.sel $0xFFFF  }
0xc1: {  	[dreg:$0x0] =	wrdreg $0xFFFFFFFF;
	(pc) =	sbr.abs _section_cstart, $3  }
0xc2: {  	[dreg:$0x1] =	wrdreg $0xFFFFFFFF  }
0xc3: {  	_ =	task.clear_ibuf [dreg:s7], $0x2FFFF;
	_ =	strace $0x9FFFFFFF  }
0xc4: {  	(tm) =	ssettm $0x7FFFFFFF  }
0xc5: {  	_ =	shalt  }
tec
execute0_lowered:
.L_overlay_start_1:
0x0: {  	(tag) =	ssettag $0x1  }
0x1: {  	s0 =	rddreg [dreg:$0x0]  }
0x2: {  	s1 =	rddreg [dreg:$0x1]  }
0x3: {  	s3 =	rddreg [dreg:$0x2]  }
0x4: {  	s2 =	srdreg.scid;
	s18 =	stileid.u32  }
0x5: {  	s4 =	rddreg [dreg:$0x3];
	s5 =	simm.s32 $0x0;
	s11 =	smul.u32 $0x13C00, s18  }
0x6: {  	s29 =	simm.s32 $0x1DC0;
	s30 =	simm.s32 $0xB;
	s13 =	smul.u32 $0x2780, s18  }
0x7: {  	s31 =	simm.s32 $0x8DC0;
	s2 =	sand.u32 $0x1, s2;
	s14 =	smul.u32 $0x278, s18  }
0x8: {  	[smem:$0x7FF] =	sst s5;
	s6 =	sadd.s32 $0x32A00, s1;
	s26 =	smul.u32 $0x4F000, s18  }
0x9: {  	s7 =	sadd.s32 $0x1200, s1;
	s8 =	sadd.s32 $0x28A00, s1;
	s10 =	smul.u32 $0x13C000, s2  }
0xa: {  	s9 =	sadd.s32 $0x2DA00, s1;
	s16 =	sshll.u32 s18, $0x1;
	s12 =	smul.u32 $0x27800, s2  }
0xb: {  	_ =	strace $0x80000047;
	s20 =	ssub.s32 $0x2, s2;
	s2 =	sor.u32 s2, s16  }
0xc: {  	s21 =	sshrl.u32 s20, $0x1;
	s17 =	sadd.s32 $0x230, s14;
	s16 =	sadd.s32 $0x70, s14  }
0xd: {  	s19 =	sadd.s32 $0xE0, s14;
	s10 =	sadd.s32 s11, s10;
	s12 =	sadd.s32 s13, s12  }
0xe: {  	s22 =	sshll.u32 s17, $0x7;
	s24 =	sshll.u32 s17, $0x4;
	s11 =	sadd.s32 s11, s3  }
0xf: {  	s13 =	sadd.s32 s13, s4;
	s17 =	sshll.u32 s16, $0x7;
	s10 =	sshrl.u32 s10, $0x3  }
0x10: {  	s12 =	sshrl.u32 s12, $0x3;
	s23 =	sadd.s32 s22, s3;
	s28 =	sshrl.u32 s13, $0x3  }
0x11: {  	s13 =	simm.s32 $0x70;
	s15 =	sadd.s32 s10, s1;
	s1 =	sadd.s32 s12, s1  }
0x12: {  	s12 =	ssub.s32 s20, s21;
	s10 =	smul.u32 $0x28B0, s2;
	[dreg:$0x5] =	wrdreg s23  }
0x13: {  	s2 =	sadd.s32 s24, s4;
	s20 =	sshll.u32 s19, $0x7;
	s21 =	sadd.s32 $0x150, s14  }
0x14: {  	[dreg:$0x6] =	wrdreg s2;
	s25 =	sadd.s32 $0x46C00, s15;
	s1 =	sadd.s32 $0x3CE00, s1  }
0x15: {  	s15 =	smul.u32 $0x9E00, s18;
	s12 =	smax.u32 s12, $0x1;
	[dreg:$0x7] =	wrdreg s25  }
0x16: {  	s2 =	sshrl.u32 s26, $0x2;
	s23 =	sshll.u32 s21, $0x7;
	[dreg:$0x8] =	wrdreg s1  }
0x17: {  	s24 =	sshll.u32 s21, $0x4;
	[dreg:$0x9] =	wrdreg s12;
	s2 =	sadd.s32 s2, s3  }
0x18: {  	s22 =	sadd.s32 s23, s3;
	s25 =	sadd.s32 $0x1C0, s14;
	s23 =	sadd.s32 s24, s4  }
0x19: {  	s12 =	simm.s32 $0xA;
	[dreg:$0xa] =	wrdreg s2;
	s1 =	sshrl.u32 s15, $0x2  }
0x1a: {  	s2 =	sshll.u32 s16, $0x4;
	s26 =	sshll.u32 s25, $0x7;
	s1 =	sadd.s32 s1, s4  }
0x1b: {  	s18 =	sadd.s32 s2, s4;
	s2 =	sadd.s32 s20, s3;
	s24 =	sadd.s32 s26, s3  }
.Ltmp0:
0x1c: {  	s26 =	sshrl.u32 s11, $0x3;
	[dreg:$0xb] =	wrdreg s1;
	(pc) =	sbr.rel .LBB2_1-.Ltmp0, $4  }
0x1d: {  	s11 =	simm.s32 $0x8;
	s1 =	sadd.s32 s17, s3;
	[dreg:$0xe] =	wrdreg s2  }
0x1e: {  	s2 =	sshll.u32 s25, $0x4;
	[dreg:$0xc] =	wrdreg s1;
	s1 =	sshll.u32 s19, $0x4  }
0x1f: {  	[dreg:$0xd] =	wrdreg s18;
	s25 =	sadd.s32 s2, s4;
	s1 =	sadd.s32 s1, s4  }
0x20: {  	v0 =	vimm.f32 $0.0e+00;
	s2 =	simm.s32 $0x9;
	[dreg:$0xf] =	wrdreg s1;
	s1 =	simm.s32 $0x7  }
.LBB2_9:
0x21: {  	_ =	swait.ge [sflag:s1], $0x3800  }
0x22: {  	[sflag:s1] =	ssyncset.done $0x0  }
0x23: {  	[sflag:s1] =	ssyncadd.s32 $0xFFFFC800  }
0x24: {  	_ =	swait.ge [sflag:s2], $0x700  }
0x25: {  	[sflag:s2] =	ssyncset.done $0x0  }
0x26: {  	[sflag:s2] =	ssyncadd.s32 $0xFFFFF900  }
0x27: {  	_ =	swait.ge [sflag:s11], $0x3800  }
0x28: {  	[sflag:s11] =	ssyncset.done $0x0  }
0x29: {  	[sflag:s11] =	ssyncadd.s32 $0xFFFFC800  }
0x2a: {  	_ =	swait.ge [sflag:s12], $0x700  }
0x2b: {  	[sflag:s12] =	ssyncset.done $0x0  }
0x2c: {  	s14 =	stileid.u32;
	[sflag:s12] =	ssyncadd.s32 $0xFFFFF900  }
0x2d: {  	s14 =	sshll.u32 s14, $0x6;
	[bflag:$0x0] =	sbarrier.arrive $0xFFFF  }
0x2e: {  	s14 =	sor.u32 $0x1C0B, s14;
	s15 =	rddreg [dreg:$0x7]  }
0x2f: {  	[hbm:s15], [sflag:s14] =	dma.local [spmem:s26], $0x2780  }
0x30: {  	_ =	swait.ge [sflag:s30], $0x2780  }
0x31: {  	[sflag:s30] =	ssyncset.done $0x0  }
0x32: {  	s20 =	rddreg [dreg:$0x8];
	[sflag:s30] =	ssyncadd.s32 $0xFFFFD880  }
0x33: {  	[hbm:s20], [sflag:s14] =	dma.local [spmem:s28], $0x4F0  }
0x34: {  	_ =	swait.ge [sflag:s30], $0x4F0  }
0x35: {  	s5 =	sadd.s32 $0x1, s5;
	s21 =	rddreg [dreg:$0x9]  }
0x36: {  	p0 =	sne.s32 s5, s21  }
.Ltmp1:
0x37: {  	_ = 	snop;
	(pc) =	sbr.rel @!p0 .LBB2_10-.Ltmp1, $3  }
0x38: {  	_ =	sdelay $0x1  }
0x39: {  	[sflag:s30] =	ssyncset.done $0x0  }
0x3a: {  	[sflag:s30] =	ssyncadd.s32 $0xFFFFFB10  }
.LBB2_1:
0x3b: {  	s14 =	simm.s32 $0x1E00  }
0x3c: {  	[tilespmem:s14+$0xFFFFFFD0] =	vst v0  }
0x3d: {  	[tilespmem:s14+$0xFFFFFFE0] =	vst v0  }
0x3e: {  	[tilespmem:s14+$0xFFFFFFF0] =	vst v0  }
0x3f: {  	[tilespmem:s14+$0x0] =	vst v0  }
0x40: {  	[tilespmem:s14+$0x10] =	vst v0  }
0x41: {  	[tilespmem:s14+$0x20] =	vst v0  }
0x42: {  	[tilespmem:s14+$0x30] =	vst v0  }
0x43: {  	s16 =	simm.s32 $0x0;
	s15 =	simm.s32 $0x40;
	[tilespmem:s14+$0xFFFFFFC0] =	vst v0  }
.LBB2_2:
0x44: {  	p0 =	sne.s32 s15, $0x1BC0;
	[tilespmem:s16+$0x8DC0] =	vst v0;
	s14 =	sadd.s32 $0x80, s14  }
0x45: {  	[tilespmem:s14+$0xFFFFFFD0] =	vst v0  }
0x46: {  	[tilespmem:s14+$0xFFFFFFE0] =	vst v0  }
0x47: {  	[tilespmem:s14+$0xFFFFFFF0] =	vst v0  }
.Ltmp2:
0x48: {  	[tilespmem:s14+$0x0] =	vst v0;
	(pc) =	sbr.rel @p0 .LBB2_2-.Ltmp2, $4  }
0x49: {  	[tilespmem:s14+$0x10] =	vst v0  }
0x4a: {  	[tilespmem:s14+$0x20] =	vst v0  }
0x4b: {  	[tilespmem:s14+$0x30] =	vst v0  }
0x4c: {  	s16 =	sshra.s32 s15, $0x2;
	s15 =	sadd.s32 $0x40, s15;
	[tilespmem:s14+$0xFFFFFFC0] =	vst v0  }
0x4d: {  	[tilespmem:s16+$0x8DC0] =	vst v0;
	s14 =	rddreg [dreg:$0xa]  }
0x4e: {  	[spmem:s14] =	stream.linear.scatter [tilespmem:s29], [sflag:$0xB], $0x3800, $0x38;
	[tilespmem:$0x1F840] =	vst v63  }
0x4f: {  	_ =	swait.ge [sflag:s30], $0x3800  }
0x50: {  	[sflag:s30] =	ssyncset.done $0x0  }
0x51: {  	s15 =	rddreg [dreg:$0xb];
	[sflag:s30] =	ssyncadd.s32 $0xFFFFC800  }
0x52: {  	[spmem:s15] =	stream.linear.scatter [tilespmem:s31], [sflag:$0xB], $0x700, $0x38;
	[tilespmem:$0x1F840] =	vst v63  }
0x53: {  	_ =	swait.ge [sflag:s30], $0x700  }
0x54: {  	[sflag:s30] =	ssyncset.done $0x0  }
0x55: {  	s16 =	rddreg [dreg:$0xc];
	[sflag:s30] =	ssyncadd.s32 $0xFFFFF900  }
0x56: {  	[spmem:s16] =	stream.linear.scatter [tilespmem:s29], [sflag:$0xB], $0x3800, $0x38;
	[tilespmem:$0x1F840] =	vst v63  }
0x57: {  	_ =	swait.ge [sflag:s30], $0x3800  }
0x58: {  	[sflag:s30] =	ssyncset.done $0x0  }
0x59: {  	s17 =	rddreg [dreg:$0xd];
	[sflag:s30] =	ssyncadd.s32 $0xFFFFC800  }
0x5a: {  	[spmem:s17] =	stream.linear.scatter [tilespmem:s31], [sflag:$0xB], $0x700, $0x38;
	[tilespmem:$0x1F840] =	vst v63  }
0x5b: {  	_ =	swait.ge [sflag:s30], $0x700  }
0x5c: {  	[sflag:s30] =	ssyncset.done $0x0  }
0x5d: {  	s18 =	rddreg [dreg:$0xe];
	[sflag:s30] =	ssyncadd.s32 $0xFFFFF900  }
0x5e: {  	[spmem:s18] =	stream.linear.scatter [tilespmem:s29], [sflag:$0xB], $0x3800, $0x38;
	[tilespmem:$0x1F840] =	vst v63  }
0x5f: {  	_ =	swait.ge [sflag:s30], $0x3800  }
0x60: {  	[sflag:s30] =	ssyncset.done $0x0  }
0x61: {  	s19 =	rddreg [dreg:$0xf];
	[sflag:s30] =	ssyncadd.s32 $0xFFFFC800  }
0x62: {  	[spmem:s19] =	stream.linear.scatter [tilespmem:s31], [sflag:$0xB], $0x700, $0x38;
	[tilespmem:$0x1F840] =	vst v63  }
0x63: {  	_ =	swait.ge [sflag:s30], $0x700  }
0x64: {  	[sflag:s30] =	ssyncset.done $0x0  }
0x65: {  	[sflag:s30] =	ssyncadd.s32 $0xFFFFF900  }
0x66: {  	[spmem:s22] =	stream.linear.scatter [tilespmem:s29], [sflag:$0xB], $0x3800, $0x38;
	[tilespmem:$0x1F840] =	vst v63  }
0x67: {  	_ =	swait.ge [sflag:s30], $0x3800  }
0x68: {  	[sflag:s30] =	ssyncset.done $0x0  }
0x69: {  	[sflag:s30] =	ssyncadd.s32 $0xFFFFC800  }
0x6a: {  	[spmem:s23] =	stream.linear.scatter [tilespmem:s31], [sflag:$0xB], $0x700, $0x38;
	[tilespmem:$0x1F840] =	vst v63  }
0x6b: {  	_ =	swait.ge [sflag:s30], $0x700  }
0x6c: {  	[sflag:s30] =	ssyncset.done $0x0  }
0x6d: {  	[sflag:s30] =	ssyncadd.s32 $0xFFFFF900  }
0x6e: {  	[spmem:s24] =	stream.linear.scatter [tilespmem:s29], [sflag:$0xB], $0x3800, $0x38;
	[tilespmem:$0x1F840] =	vst v63  }
0x6f: {  	_ =	swait.ge [sflag:s30], $0x3800  }
0x70: {  	[sflag:s30] =	ssyncset.done $0x0  }
0x71: {  	[sflag:s30] =	ssyncadd.s32 $0xFFFFC800  }
0x72: {  	[spmem:s25] =	stream.linear.scatter [tilespmem:s31], [sflag:$0xB], $0x700, $0x38;
	[tilespmem:$0x1F840] =	vst v63  }
0x73: {  	_ =	swait.ge [sflag:s30], $0x700  }
0x74: {  	[sflag:s30] =	ssyncset.done $0x0  }
0x75: {  	s20 =	rddreg [dreg:$0x5];
	[sflag:s30] =	ssyncadd.s32 $0xFFFFF900  }
0x76: {  	[spmem:s20] =	stream.linear.scatter [tilespmem:s29], [sflag:$0xB], $0x2400, $0x38;
	[tilespmem:$0x1F840] =	vst v63  }
0x77: {  	_ =	swait.ge [sflag:s30], $0x2400  }
0x78: {  	[sflag:s30] =	ssyncset.done $0x0  }
0x79: {  	s21 =	rddreg [dreg:$0x6];
	[sflag:s30] =	ssyncadd.s32 $0xFFFFDC00  }
0x7a: {  	[spmem:s21] =	stream.linear.scatter [tilespmem:s31], [sflag:$0xB], $0x480, $0x38;
	[tilespmem:$0x1F840] =	vst v63  }
.Ltmp3:
0x7b: {  	_ =	swait.ge [sflag:s30], $0x480;
	(pc) =	sbr.rel .LBB2_4-.Ltmp3, $4  }
0x7c: {  	[sflag:s30] =	ssyncset.done $0x0  }
0x7d: {  	[sflag:s30] =	ssyncadd.s32 $0xFFFFFB80  }
0x7e: {  	[bflag:$0x0] =	sbarrier.arrive $0xFFFF  }
0x7f: {  	p0 =	por $0x1, $0x1;
	s14 =	simm.s32 $0x0  }
.LBB2_8:
0x80: {  	s14 =	sadd.s32 $0x1, s14  }
0x81: {  	p1 =	sne.s32 s14, $0x5E  }
.Ltmp4:
0x82: {  	_ = 	snop;
	(pc) =	sbr.rel @!p1 .LBB2_9-.Ltmp4, $2  }
0x83: {  	_ =	sdelay $0x2  }
0x84: {  	p0 =	por !p0, !p0  }
.LBB2_4:
0x85: {  	p1 =	seq.s32 s14, $0x5D  }
0x86: {  	p2 =	slt.u32 @!p1 s14, $0x2  }
0x87: {  	s15 =	sand.u32 $0x1, s14;
	p2 =	por p2, p1  }
0x88: {  	s16 =	sadd.s32 @!p2 $0x7, s15  }
0x89: {  	_ =	swait.ge @!p2 [sflag:s16], $0x3800  }
0x8a: {  	s17 =	smul.u32 @!p1 $0x70, s14;
	[sflag:s16] =	ssyncset.done @!p2 $0x0  }
0x8b: {  	[sflag:s16] =	ssyncadd.s32 @!p2 $0xFFFFC800;
	s16 =	sadd.s32 @!p2 $0x9, s15  }
0x8c: {  	s17 =	sadd.s32 @!p1 s10, s17;
	_ =	swait.ge @!p2 [sflag:s16], $0x700  }
0x8d: {  	s18 =	smul.u32 @!p1 $0x70, s15;
	s17 =	sshrl.u32 @!p1 s17, $0x3;
	[sflag:s16] =	ssyncset.done @!p2 $0x0  }
0x8e: {  	s19 =	simm.s32 @!p1 $0x0;
	[sflag:s16] =	ssyncadd.s32 @!p2 $0xFFFFF900;
	s16 =	sadd.s32 @!p1 s0, s17  }
0x8f: {  	[tilespmem:s18], [sflag:$0xB] =	stream.linear.gather @!p1 [hbm4b:s16+s19], $0x70, $0x38;
	[tilespmem:$0x1F840] =	vst v63  }
0x90: {  	s16 =	simm.s32 @!p1 $0xB  }
0x91: {  	_ =	swait.ge @!p1 [sflag:s16], $0x70  }
0x92: {  	[sflag:s16] =	ssyncset.done @!p1 $0x0  }
0x93: {  	s20 =	sadd.s32 @!p1 $0xE0, s18;
	s17 =	sadd.s32 @!p1 s6, s17;
	[sflag:s16] =	ssyncadd.s32 @!p1 $0xFFFFFF90  }
0x94: {  	[tilespmem:s20], [sflag:$0xB] =	stream.linear.gather @!p1 [hbm4b:s17+s19], $0x70, $0x38;
	[tilespmem:$0x1F840] =	vst v63  }
0x95: {  	s17 =	smul.u32 @!p1 $0xE000, s15  }
0x96: {  	s21 =	smul.u32 @!p1 $0x700, s15;
	_ =	swait.ge @!p1 [sflag:s16], $0x70  }
0x97: {  	s19 =	simm.s32 @!p1 $0x70;
	[sflag:s16] =	ssyncset.done @!p1 $0x0;
	s17 =	sshrl.u32 @!p1 s17, $0x2  }
0x98: {  	[sflag:s16] =	ssyncadd.s32 @!p1 $0xFFFFFF90;
	s16 =	sadd.s32 @!p1 $0x1DC0, s17;
	s17 =	sadd.s32 @!p1 $0x1, s15  }
0x99: {  	[tilespmem:s16], [sflag:s17] =	stream.indirect.gather @!p1 [hbm4b:s7+s19], $0x80, s18, s19, $0xb8;
	[tilespmem:$0x1F840] =	vst v63  }
0x9a: {  	s16 =	sadd.s32 @!p1 $0x1C0, s21;
	s17 =	sadd.s32 @!p1 $0x3, s15  }
0x9b: {  	[tilespmem:s16], [sflag:s17] =	stream.indirect.gather @!p1 [hbm4b:s8+s19], $0x10, s18, s19, $0xb8;
	[tilespmem:$0x1F840] =	vst v63  }
0x9c: {  	p2 =	seq.s32 @!p1 s14, $0x0;
	s16 =	sadd.s32 @!p1 $0xFC0, s21;
	s17 =	sadd.s32 @!p1 $0x5, s15  }
0x9d: {  	[tilespmem:s16], [sflag:s17] =	stream.indirect.gather @!p1 [hbm4b:s9+s19], $0x10, s20, s19, $0xb8;
	[tilespmem:$0x1F840] =	vst v63  }
0x9e: {  	p1 =	por p1, !p2  }
.Ltmp5:
0x9f: {  	_ = 	snop;
	(pc) =	sbr.rel @!p1 .LBB2_8-.Ltmp5, $1  }
0xa0: {  	_ =	sdelay $0x3  }
0xa1: {  	s16 =	simm.s32 $0x1;
	s15 =	sxor.u32 $0x1, s15  }
0xa2: {  	s16 =	simm.s32 @!p0 $0x0;
	s17 =	sadd.s32 $0x3, s15  }
0xa3: {  	s18 =	smul.u32 $0x1C00, s16;
	_ =	swait.ge [sflag:s17], $0x700  }
0xa4: {  	[sflag:s17] =	ssyncset.done $0x0  }
0xa5: {  	s20 =	sadd.s32 $0x5, s15;
	s18 =	sshrl.u32 s18, $0x2;
	[sflag:s17] =	ssyncadd.s32 $0xFFFFF900  }
0xa6: {  	s19 =	sadd.s32 $0x1C0, s18;
	_ =	swait.ge [sflag:s20], $0x700  }
0xa7: {  	s18 =	sadd.s32 $0xFC0, s18;
	[sflag:s20] =	ssyncset.done $0x0;
	v1 =	vmov s19  }
0xa8: {  	s21 =	sadd.s32 $0x1, s15;
	v2 =	vmov s18;
	[sflag:s20] =	ssyncadd.s32 $0xFFFFF900  }
0xa9: {  	_ =	swait.ge [sflag:s21], $0x3800  }
0xaa: {  	[sflag:s21] =	ssyncset.done $0x0  }
0xab: {  	s19 =	simm.s32 $0x0;
	[sflag:s21] =	ssyncadd.s32 $0xFFFFC800  }
0xac: {  	v3 =	vld.idx.msk [tilespmem:v1+s19+$0x0 ss:$0x1], $0xffff  }
0xad: {  	v4 =	vld.idx.msk [tilespmem:v2+s19+$0x0 ss:$0x1], $0xffff;
	_ =	sdelay $0x4  }
0xae: {  	v3 =	vadd.f32 v4, v3;
	_ =	sdelay $0x1  }
0xaf: {  	v4 =	vmul.f32 $2.000000030e-01, v3  }
0xb0: {  	vm0 =	vge.f32 v3, $0.0e+00  }
0xb1: {  	v3 =	vsel vm0, v3, v4  }
0xb2: {  	v3 =	vmul.f32 $1.442695020e+00, v3;
	_ =	sdelay $0x1  }
0xb3: {  	(erf) = vpow2.f32 v3;
	_ =	sdelay $0x6  }
0xb4: {  	s16 =	smul.u32 $0xE000, s16;
	_ =	sdelay $0x1  }
0xb5: {  	s16 =	sshrl.u32 s16, $0x2;
	v3 =	vpop (erf)  }
0xb6: {  	s20 =	sadd.s32 $0x1E00, s16;
	[tilespmem:v1+s19+$0x0 ss:$0x1] =	vst.idx.msk $0xffff, v3  }
0xb7: {  	v12 =	vld [tilespmem:s20+$0x30]  }
0xb8: {  	v11 =	vld [tilespmem:s20+$0xFFFFFFE0]  }
0xb9: {  	s21 =	smul.u32 $0xE000, s15;
	v8 =	vld [tilespmem:s20+$0x10]  }
0xba: {  	v6 =	vbroadcast v3, $0x3;
	v5 =	vld [tilespmem:s20+$0x20]  }
0xbb: {  	s17 =	smul.u32 $0x700, s15;
	s16 =	sshrl.u32 s21, $0x2;
	v4 =	vbroadcast v3, $0x1;
	v7 =	vld [tilespmem:s20+$0xFFFFFFD0]  }
0xbc: {  	s18 =	sadd.s32 $0x1DC0, s16;
	s16 =	smov.u32 s20;
	s19 =	simm.s32 $0x40;
	v10 =	vbroadcast v3, $0x2;
	v9 =	vld [tilespmem:s20+$0x0];
	v12 =	vmul.f32 v12, v6  }
.LBB2_6:
0xbd: {  	p1 =	sne.s32 s19, $0x1BC0  }
0xbe: {  	v11 =	vmul.f32 v4, v11;
	v13 =	vld [tilespmem:s20+$0xFFFFFFF0];
	s16 =	sadd.s32 $0x80, s16;
	s21 =	smov.u32 s19;
	s19 =	sadd.s32 $0x40, s19  }
0xbf: {  	v3 =	vbroadcast v3, $0x0;
	v14 =	vld [tilespmem:s20+$0xFFFFFFC0];
	v8 =	vmul.f32 v8, v10;
	[tilespmem:s20+$0x30] =	vst v12  }
0xc0: {  	[tilespmem:s20+$0xFFFFFFE0] =	vst v11;
	v5 =	vmul.f32 v5, v6  }
0xc1: {  	v6 =	vmul.f32 v3, v7;
	[tilespmem:s20+$0x10] =	vst v8  }
0xc2: {  	v7 =	vmul.f32 v9, v10;
	[tilespmem:s20+$0x20] =	vst v5  }
0xc3: {  	[tilespmem:s20+$0xFFFFFFD0] =	vst v6;
	v4 =	vmul.f32 v13, v4  }
0xc4: {  	v3 =	vmul.f32 v3, v14;
	[tilespmem:s20+$0x0] =	vst v7  }
0xc5: {  	[tilespmem:s20+$0xFFFFFFF0] =	vst v4  }
0xc6: {  	s21 =	sshra.s32 s21, $0x2;
	[tilespmem:s20+$0xFFFFFFC0] =	vst v3;
	s20 =	smov.u32 s16  }
0xc7: {  	v3 =	vld.idx.msk [tilespmem:v1+s21+$0x0 ss:$0x1], $0xffff  }
0xc8: {  	v4 =	vld.idx.msk [tilespmem:v2+s21+$0x0 ss:$0x1], $0xffff;
	_ =	sdelay $0x5  }
0xc9: {  	v3 =	vadd.f32 v4, v3;
	_ =	sdelay $0x1  }
0xca: {  	vm0 =	vge.f32 v3, $0.0e+00;
	v4 =	vmul.f32 $2.000000030e-01, v3;
	_ =	sdelay $0x1  }
0xcb: {  	v3 =	vsel vm0, v3, v4  }
0xcc: {  	v3 =	vmul.f32 $1.442695020e+00, v3;
	_ =	sdelay $0x1  }
0xcd: {  	(erf) = vpow2.f32 v3;
	_ =	sdelay $0x8  }
0xce: {  	v3 =	vpop (erf)  }
0xcf: {  	[tilespmem:v1+s21+$0x0 ss:$0x1] =	vst.idx.msk $0xffff, v3  }
0xd0: {  	v12 =	vld [tilespmem:s16+$0x30]  }
.Ltmp6:
0xd1: {  	v11 =	vld [tilespmem:s16+$0xFFFFFFE0];
	(pc) =	sbr.rel @p1 .LBB2_6-.Ltmp6, $4  }
0xd2: {  	v8 =	vld [tilespmem:s16+$0x10]  }
0xd3: {  	v6 =	vbroadcast v3, $0x3;
	v5 =	vld [tilespmem:s16+$0x20]  }
0xd4: {  	v4 =	vbroadcast v3, $0x1;
	v7 =	vld [tilespmem:s16+$0xFFFFFFD0]  }
0xd5: {  	v10 =	vbroadcast v3, $0x2;
	v9 =	vld [tilespmem:s16+$0x0];
	v12 =	vmul.f32 v12, v6  }
0xd6: {  	v1 =	vmul.f32 v4, v11;
	v2 =	vld [tilespmem:s20+$0xFFFFFFF0]  }
0xd7: {  	v61 =	vld [tilespmem:s20+$0xFFFFFFC0];
	v3 =	vbroadcast v3, $0x0;
	v8 =	vmul.f32 v8, v10;
	[tilespmem:s20+$0x30] =	vst v12  }
0xd8: {  	[tilespmem:s20+$0xFFFFFFE0] =	vst v1;
	v1 =	vmul.f32 v5, v6  }
0xd9: {  	v62 =	vmul.f32 v3, v7;
	[tilespmem:s20+$0x10] =	vst v8  }
0xda: {  	v63 =	vmul.f32 v9, v10;
	[tilespmem:s20+$0x20] =	vst v1  }
0xdb: {  	s16 =	smul.u32 $0x1C0, s15;
	[tilespmem:s20+$0xFFFFFFD0] =	vst v62;
	v1 =	vmul.f32 v2, v4  }
0xdc: {  	v2 =	vmul.f32 v3, v61;
	[tilespmem:s20+$0x0] =	vst v63  }
.Ltmp7:
0xdd: {  	s16 =	sshrl.u32 s16, $0x2;
	[tilespmem:s20+$0xFFFFFFF0] =	vst v1;
	(pc) =	sbr.rel .LBB2_8-.Ltmp7, $4  }
0xde: {  	s19 =	sadd.s32 $0x7, s15;
	s16 =	sadd.s32 $0xE0, s16;
	[tilespmem:s20+$0xFFFFFFC0] =	vst v2  }
0xdf: {  	[spmem:s3] =	stream.indirect.scatter.add.f32 [tilespmem:s18], [sflag:s19], $0x80, s16, s13, $0xb8;
	[tilespmem:$0x1F840] =	vst v63  }
0xe0: {  	s17 =	sadd.s32 $0x1C0, s17;
	s21 =	sadd.s32 $0x9, s15  }
0xe1: {  	[spmem:s4] =	stream.indirect.scatter.add.f32 [tilespmem:s17], [sflag:s21], $0x10, s16, s13, $0xb8;
	[tilespmem:$0x1F840] =	vst v63  }
.LBB2_10:
0xe2: {  	_ =	sfence.sel $0x180000  }
0xe3: {  	[bflag:$0x0] =	sbarrier.arrive $0xFFFF  }
0xe4: {  	_ =	strace $0x90000047  }
0xe5: {  	s0 =	stileid.u32;
	[bflag:$0x2] =	sbarrier.arrive $0xFFFF  }
0xe6: {  	p0 =	sne.s32 s0, $0x0;
	s0 =	rddreg [dreg:$0x4]  }
0xe7: {  	s0 =	sadd.s32 @!p0 $0x100000, s0  }
0xe8: {  	[sflag:s0] =	ssyncadd.tile.s32 @!p0 $0x1;
	_ =	shalt  }
.Lfunc_end2:
_tile_overlayer_lowered:
.L_overlay_start_2:
0xe9: {  	(tag) =	ssettag $0x2  }
0xea: {  	s0 =	rddreg [dreg:$0x0];
	s2 =	stileid.u32  }
0xeb: {  	s1 =	rddreg [dreg:$0x1];
	p0 =	sne.s32 s2, $0x0  }
0xec: {  	s3 =	rddreg [dreg:$0x2];
	[bflag:$0x3] =	sbarrier.arrive $0xFFFF;
	s2 =	simm.s32 @!p0 $0x1C0B  }
0xed: {  	[timem:s3], [sflag:s2] =	dma.local @!p0 [hbm:s0], s1  }
0xee: {  	s0 =	simm.s32 @!p0 $0xB  }
0xef: {  	_ =	swait.ge @!p0 [sflag:s0], s1  }
0xf0: {  	s1 =	ssub.s32 @!p0 $0x0, s1;
	[sflag:s0] =	ssyncset.done @!p0 $0x0  }
0xf1: {  	[sflag:s0] =	ssyncadd.s32 @!p0 s1  }
0xf2: {  	[bflag:$0x3] =	sbarrier.arrive $0xFFFF  }
0xf3: {  	_ =	shalt  }

</sc_bundles>
